<compile_context>
chip_gen: v7x
topology: tpu7x:2x2x1
jax: 0.10.2.dev20260603
libtpu: 0.0.44.dev20260713+nightly
codegen_flags: <defaults>
</compile_context>

<pallas_src>
import functools
import jax
import jax.numpy as jnp
from jax import lax
from jax.experimental import pallas as pl
from jax.experimental.pallas import tpu as pltpu
from jax.experimental.pallas import tpu_sc as plsc

_NUM_CLASSES = 3
_PC = [-15.0, -30.0, -2.0, 15.0, 30.0, 2.0]
_CLS_W = 2.0
_PTS_W = 5.0
_DIR_W = 0.005
_ALPHA = 0.25
_GAMMA = 2.0
_EPS = 1e-12

_B, _NQ, _G, _S, _P = 4, 512, 32, 20, 20
_D = 2 * _P
_GS = _G * _S
_QT = 32
_HIGH = jax.lax.Precision.HIGHEST

_QW = _NQ // 8
_HI_X = 0.5334
_HI_Y = 0.5167


def _sc_corr_body(ptsf_hbm, gtf_hbm, corr_hbm, ptsf_v, gtf_v, row_v,
                  sem_pts, sem_gt):
    iota16 = lax.iota(jnp.int32, 16)
    wid = lax.axis_index("s") * 2 + lax.axis_index("c")
    b = wid // 8
    qbase = (wid % 8) * _QW

    cp_pts = pltpu.async_copy(
        ptsf_hbm.at[b, pl.ds(qbase * _D, _QW * _D)], ptsf_v, sem_pts)
    cp_gt = pltpu.async_copy(gtf_hbm.at[b], gtf_v, sem_gt)

    zero = jnp.zeros((16,), jnp.float32)

    def zbody(q, _):
        for c in range(_GS // 16):
            row_v[q, pl.ds(c * 16, 16)] = zero
        return 0

    lax.fori_loop(0, _QW, zbody, 0)
    cp_pts.wait()
    cp_gt.wait()

    hi_vec = jnp.where(iota16 % 2 == 0, _HI_X, _HI_Y).astype(jnp.float32)

    def scan_body(t, _):
        q = t // 3
        tm = t % 3
        c16 = tm * 16 - 8 * (tm // 2)
        chunk = ptsf_v[pl.ds(q * _D + c16, 16)]
        lowlane = jnp.where(tm == 2, 8, 0)
        band = (chunk >= 0.5) & (chunk < hi_vec) & (iota16 >= lowlane)
        cnt = plsc.all_reduce_population_count(band)[0]

        def hits(_i, mvec):
            maskb = mvec > 0
            lsel_v = plsc.all_reduce_ffs(maskb)
            lanesel = lsel_v[0]
            d = c16 + lanesel
            par = lanesel % 2
            offd = jnp.where(par == 0, _PC[0], _PC[1]).astype(jnp.float32)
            scld = jnp.where(par == 0, _PC[3] - _PC[0],
                             _PC[4] - _PC[1]).astype(jnp.float32)
            fac = jnp.where(par == 0, 2.0 / (_PC[3] - _PC[0]),
                            2.0 / (_PC[4] - _PC[1])).astype(jnp.float32)
            p_s = chunk.at[lsel_v].get(mode="promise_in_bounds")[0]
            tq = offd + scld * p_s
            for c in range(_GS // 16):
                gch = gtf_v[pl.ds(d * _GS + c * 16, 16)]
                r = row_v[q, pl.ds(c * 16, 16)]
                row_v[q, pl.ds(c * 16, 16)] = (
                    r + fac * jnp.maximum(gch - tq, 0.0))
            return jnp.where(iota16 == lanesel, 0, mvec)

        @pl.when(cnt > 0)
        def _():
            lax.fori_loop(0, cnt, hits,
                          jnp.where(band, 1, 0).astype(jnp.int32))

        return 0

    lax.fori_loop(0, _QW * 3, scan_body, 0)
    pltpu.sync_copy(row_v, corr_hbm.at[b, pl.ds(qbase, _QW)])


def _sc_corr(pts, gt_t):
    mesh = plsc.VectorSubcoreMesh(core_axis_name="c", subcore_axis_name="s")
    kern = pl.kernel(
        _sc_corr_body,
        mesh=mesh,
        compiler_params=pltpu.CompilerParams(needs_layout_passes=False),
        out_type=jax.ShapeDtypeStruct((_B, _NQ, _GS), jnp.float32),
        scratch_types=[
            pltpu.VMEM((_QW * _D,), jnp.float32),
            pltpu.VMEM((_D * _GS,), jnp.float32),
            pltpu.VMEM((_QW, _GS), jnp.float32),
            pltpu.SemaphoreType.DMA,
            pltpu.SemaphoreType.DMA,
        ],
    )
    return kern(pts.reshape(_B, _NQ * _D), gt_t.reshape(_B, _D * _GS))


def _body(cls_ref, pts_ref, gtt_ref, lab_ref, corr_ref, out_ref,
          gtn_ref, m_ref, ord_ref, sext_ref, gext_ref):
    pw = _PC[3] - _PC[0]
    ph = _PC[4] - _PC[1]

    drow = jax.lax.broadcasted_iota(jnp.int32, (_D, 1), 0)
    off_d = jnp.where(drow % 2 == 0, _PC[0], _PC[1]).astype(jnp.float32)
    scl_d = jnp.where(drow % 2 == 0, pw, ph).astype(jnp.float32)
    gtn = (gtt_ref[0] - off_d) / scl_d
    gtn_ref[...] = gtn

    pts_full = pts_ref[0]
    sgn = jnp.where(pts_full >= 0.5, 1.0, -1.0)
    rowterm = jnp.sum(sgn * pts_full, axis=1, keepdims=True)
    sext_ref[...] = jnp.concatenate(
        [sgn, rowterm, jnp.zeros((_NQ, 7), jnp.float32)], axis=1)
    grow = jax.lax.broadcasted_iota(jnp.int32, (8, _GS), 0)
    gext_ref[0:_D, :] = gtn
    gext_ref[_D:_D + 8, :] = jnp.where(grow == 0, -1.0, 0.0)

    s_low = (jax.lax.broadcasted_iota(jnp.int32, (_QT, 128), 1) // _G)
    s_low = s_low.astype(jnp.float32)

    def one_tile(base):
        st = sext_ref[pl.ds(base, _QT), :]
        mm = jax.lax.dot_general(st, gext_ref[...], (((1,), (0,)), ((), ())),
                                 precision=_HIGH,
                                 preferred_element_type=jnp.float32)
        acc = corr_ref[0, pl.ds(base, _QT), :] - mm
        m = acc[:, 0:128]
        sv = s_low
        for k in range(1, 5):
            sl = acc[:, 128 * k:128 * (k + 1)]
            upd = sl < m
            m = jnp.where(upd, sl, m)
            sv = jnp.where(upd, s_low + jnp.float32(4 * k), sv)
        for sh in (64, 96):
            mr = pltpu.roll(m, sh, 1)
            sr = pltpu.roll(sv, sh, 1)
            take = (mr < m) | ((mr == m) & (sr < sv))
            m = jnp.where(take, mr, m)
            sv = jnp.where(take, sr, sv)
        m_ref[pl.ds(base, _QT), :] = m[:, 0:_G]
        ord_ref[pl.ds(base, _QT), :] = sv[:, 0:_G]

    def qt_body(i, _):
        one_tile(i * 2 * _QT)
        one_tile(i * 2 * _QT + _QT)
        return 0

    jax.lax.fori_loop(0, _NQ // (2 * _QT), qt_body, 0)

    x = cls_ref[0]
    p = jax.nn.sigmoid(x)
    negc = -jnp.log(1.0 - p + _EPS) * (p ** _GAMMA) * (1.0 - _ALPHA)
    posc = -jnp.log(p + _EPS) * ((1.0 - p) ** _GAMMA) * _ALPHA
    clsfull = posc - negc
    neg_sum = jnp.sum(negc)

    lab = lab_ref[0]
    cidx = jax.lax.broadcasted_iota(jnp.int32, (_NUM_CLASSES, _G), 0)
    oh3 = jnp.where(cidx == lab, 1.0, 0.0)
    clscol = jax.lax.dot_general(clsfull, oh3, (((1,), (0,)), ((), ())),
                                 precision=_HIGH,
                                 preferred_element_type=jnp.float32)

    m_full = m_ref[...]
    cost = _CLS_W * clscol + (_PTS_W / _P) * m_full

    minv = jnp.min(cost, axis=0, keepdims=True)
    qid = jax.lax.broadcasted_iota(jnp.int32, (_NQ, _G), 0).astype(jnp.float32)
    aq = jnp.min(jnp.where(cost == minv, qid, jnp.float32(_NQ)),
                 axis=0, keepdims=True)

    id32 = jnp.where(
        jax.lax.broadcasted_iota(jnp.int32, (_G, _G), 0)
        == jax.lax.broadcasted_iota(jnp.int32, (_G, _G), 1), 1.0, 0.0)
    aq_col = jax.lax.dot_general(id32, aq, (((1,), (1,)), ((), ())),
                                 precision=_HIGH,
                                 preferred_element_type=jnp.float32)
    later = (jax.lax.broadcasted_iota(jnp.int32, (_G, _G), 0)
             > jax.lax.broadcasted_iota(jnp.int32, (_G, _G), 1))
    eqm = jnp.where((aq_col == aq) & later, 1.0, 0.0)
    dup = jnp.max(eqm, axis=0, keepdims=True)
    win = 1.0 - dup

    oh = jnp.where(qid == aq, 1.0, 0.0)
    m_at = jnp.sum(oh * m_full, axis=0, keepdims=True)
    shift = jnp.sum(oh * ord_ref[...], axis=0, keepdims=True)
    cls_at = (minv - (_PTS_W / _P) * m_at) * (1.0 / _CLS_W)

    pos_cnt = jnp.sum(win)
    cls_num = _CLS_W * (neg_sum + jnp.sum(win * cls_at))
    pts_num = _PTS_W * jnp.sum(win * m_at)

    predpts = jax.lax.dot_general(oh, pts_full, (((0,), (0,)), ((), ())),
                                  preferred_element_type=jnp.float32)
    gsrow = jax.lax.broadcasted_iota(jnp.int32, (_GS, 1), 0)
    gmod = (gsrow & (_G - 1)).astype(jnp.float32)
    gidx = jax.lax.broadcasted_iota(jnp.int32, (1, _G), 1).astype(jnp.float32)
    sdiv = jax.lax.shift_right_logical(gsrow, 5).astype(jnp.float32)
    ohs = jnp.where((gmod == gidx) & (sdiv == shift), 1.0, 0.0)
    tgt = jax.lax.dot_general(ohs, gtn_ref[...], (((0,), (1,)), ((), ())),
                              preferred_element_type=jnp.float32)

    dcol = jax.lax.broadcasted_iota(jnp.int32, (1, _D), 1)
    off_l = jnp.where(dcol % 2 == 0, _PC[0], _PC[1]).astype(jnp.float32)
    scl_l = jnp.where(dcol % 2 == 0, pw, ph).astype(jnp.float32)
    pred_den = predpts * scl_l + off_l
    tgt_den = tgt * scl_l + off_l

    pd = pred_den[:, 2:_D] - pred_den[:, 0:_D - 2]
    td = tgt_den[:, 2:_D] - tgt_den[:, 0:_D - 2]
    prod = pd * td
    pp = pd * pd
    tt = td * td
    dot2 = prod[:, 0:_D - 3] + prod[:, 1:_D - 2]
    pp2 = pp[:, 0:_D - 3] + pp[:, 1:_D - 2]
    tt2 = tt[:, 0:_D - 3] + tt[:, 1:_D - 2]
    cos = dot2 / (jnp.sqrt(pp2) * jnp.sqrt(tt2) + _EPS)
    seg_lane = jax.lax.broadcasted_iota(jnp.int32, (_G, _D - 3), 1)
    valid = (seg_lane % 2) == 0
    win_col = jax.lax.dot_general(id32, win, (((1,), (1,)), ((), ())),
                                  preferred_element_type=jnp.float32)
    dir_num = _DIR_W * jnp.sum(jnp.where(valid, (1.0 - cos) * win_col, 0.0))

    lane = jax.lax.broadcasted_iota(jnp.int32, (1, 128), 1)
    row = (jnp.where(lane == 0, pos_cnt, 0.0)
           + jnp.where(lane == 1, cls_num, 0.0)
           + jnp.where(lane == 2, pts_num, 0.0)
           + jnp.where(lane == 3, dir_num, 0.0))
    out_ref[0] = row


@jax.jit
def kernel(cls_scores, pts_preds, gt_shifts_pts, gt_labels):
    pts = pts_preds.reshape(_B, _NQ, _D)
    gt_t = jnp.transpose(gt_shifts_pts.reshape(_B, _G, _S, _D),
                         (0, 3, 2, 1)).reshape(_B, _D, _GS)
    lab = gt_labels.astype(jnp.int32).reshape(_B, 1, _G)

    corr = _sc_corr(pts, gt_t)

    out = pl.pallas_call(
        _body,
        grid=(_B,),
        in_specs=[
            pl.BlockSpec((1, _NQ, _NUM_CLASSES), lambda b: (b, 0, 0)),
            pl.BlockSpec((1, _NQ, _D), lambda b: (b, 0, 0)),
            pl.BlockSpec((1, _D, _GS), lambda b: (b, 0, 0)),
            pl.BlockSpec((1, 1, _G), lambda b: (b, 0, 0)),
            pl.BlockSpec((1, _NQ, _GS), lambda b: (b, 0, 0)),
        ],
        out_specs=pl.BlockSpec((1, 1, 128), lambda b: (b, 0, 0)),
        out_shape=jax.ShapeDtypeStruct((_B, 1, 128), jnp.float32),
        scratch_shapes=[
            pltpu.VMEM((_D, _GS), jnp.float32),
            pltpu.VMEM((_NQ, _G), jnp.float32),
            pltpu.VMEM((_NQ, _G), jnp.float32),
            pltpu.VMEM((_NQ, 48), jnp.float32),
            pltpu.VMEM((48, _GS), jnp.float32),
        ],
    )(cls_scores, pts, gt_t, lab, corr)

    s = jnp.sum(out[:, 0, :4], axis=0)
    num_pos = jnp.maximum(s[0], 1.0)
    return (s[1] + s[2] + s[3]) / num_pos

# --- scband reference (transcript-rebuilt; emitter-appended) ---
"""Pipeline reference for scband-map-trcriterion-83021717832270 (READ-ONLY COPY).

The authoritative reference and input builder live on the scoring server;
editing this copy changes nothing except your own understanding.
"""

import jax, jax.numpy as jnp
import numpy as np

NUM_CLASSES = 3
PC = [-15.0, -30.0, -2.0, 15.0, 30.0, 2.0]
CLS_W = 2.0
PTS_W = 5.0
DIR_W = 0.005
ALPHA = 0.25
GAMMA = 2.0
EPS = 1e-12
DIR_INTERVAL = 1


def normalize_2d_pts(pts):
    pw = PC[3] - PC[0]
    ph = PC[4] - PC[1]
    x = (pts[..., 0:1] - PC[0]) / pw
    y = (pts[..., 1:2] - PC[1]) / ph
    return jnp.concatenate([x, y], axis=-1)


def denormalize_2d_pts(pts):
    x = pts[..., 0:1] * (PC[3] - PC[0]) + PC[0]
    y = pts[..., 1:2] * (PC[4] - PC[1]) + PC[1]
    return jnp.concatenate([x, y], axis=-1)


def _assign_single(cls_s, pts_p, gt_lab, gt_sp_norm):
    # cls_s: [Nq, C]; pts_p: [Nq, P, 2]; gt_lab: [G]; gt_sp_norm: [G, S, P, 2]
    Nq = cls_s.shape[0]
    G = gt_lab.shape[0]
    P = pts_p.shape[-2]
    scores = jax.nn.sigmoid(cls_s)
    neg_cost = -jnp.log(1.0 - scores + EPS) * (scores ** GAMMA) * (1.0 - ALPHA)
    pos_cost = -jnp.log(scores + EPS) * ((1.0 - scores) ** GAMMA) * ALPHA
    cls_cost = (pos_cost - neg_cost)[:, gt_lab]  # [Nq, G]
    # ordered-points L1 cost over all shift permutations: [Nq, G, S]
    diff = jnp.abs(pts_p[:, None, None, :, :] - gt_sp_norm[None, :, :, :, :])
    pts_cost_all = diff.sum(axis=(-1, -2)) / float(P)
    order_index = jnp.argmin(pts_cost_all, axis=-1)  # [Nq, G]
    pts_cost = jnp.min(pts_cost_all, axis=-1)        # [Nq, G]
    cost = CLS_W * cls_cost + PTS_W * pts_cost
    assigned_q = jnp.argmin(cost, axis=0)  # [G] matched query per gt
    labels = jnp.full((Nq,), NUM_CLASSES, dtype=jnp.int32).at[assigned_q].set(gt_lab.astype(jnp.int32))
    pts_w = jnp.zeros((Nq,), dtype=jnp.float32).at[assigned_q].set(1.0)
    shift = order_index[assigned_q, jnp.arange(G)]  # [G] best shift per matched pair
    tgt = gt_sp_norm[jnp.arange(G), shift]          # [G, P, 2]
    pts_t = jnp.zeros_like(pts_p).at[assigned_q].set(tgt)
    return labels, pts_t, pts_w


def _forward(cls_scores, pts_preds, gt_labels, gt_shifts_pts):
    gt_sp_norm = normalize_2d_pts(gt_shifts_pts)
    labels, pts_t, pts_w = jax.vmap(_assign_single)(
        jax.lax.stop_gradient(cls_scores),
        jax.lax.stop_gradient(pts_preds),
        gt_labels,
        jax.lax.stop_gradient(gt_sp_norm))
    num_pos = jnp.maximum(pts_w.sum(), 1.0)
    # focal classification loss
    flat_scores = cls_scores.reshape(-1, NUM_CLASSES)
    flat_labels = labels.reshape(-1)
    onehot = jax.nn.one_hot(flat_labels, NUM_CLASSES + 1)[:, :NUM_CLASSES]
    p = jax.nn.sigmoid(flat_scores)
    ce = -(onehot * jnp.log(p + EPS) + (1.0 - onehot) * jnp.log(1.0 - p + EPS))
    pt = onehot * p + (1.0 - onehot) * (1.0 - p)
    alpha_t = onehot * ALPHA + (1.0 - onehot) * (1.0 - ALPHA)
    loss_cls = CLS_W * (alpha_t * ((1.0 - pt) ** GAMMA) * ce).sum() / num_pos
    # points L1 loss
    w = pts_w[..., None, None]
    loss_pts = PTS_W * (jnp.abs(pts_preds - pts_t) * w).sum() / num_pos
    # direction cosine loss in metric space
    pred_den = denormalize_2d_pts(pts_preds)
    tgt_den = denormalize_2d_pts(pts_t)
    pred_dir = pred_den[:, :, DIR_INTERVAL:, :] - pred_den[:, :, :-DIR_INTERVAL, :]
    tgt_dir = tgt_den[:, :, DIR_INTERVAL:, :] - tgt_den[:, :, :-DIR_INTERVAL, :]
    cos = (pred_dir * tgt_dir).sum(-1) / (
        jnp.linalg.norm(pred_dir, axis=-1) * jnp.linalg.norm(tgt_dir, axis=-1) + EPS)
    loss_dir = DIR_W * ((1.0 - cos) * pts_w[..., None]).sum() / num_pos
    return loss_cls + loss_pts + loss_dir


def setup_inputs(seed: int = 0) -> dict:
    key = jax.random.key(seed)
    k1, k2, k3, k4 = jax.random.split(key, 4)
    cls_scores = jax.random.normal(k1, (4, 512, 3), dtype=jnp.float32)
    pts_preds = jax.random.uniform(k2, (4, 512, 20, 2), dtype=jnp.float32)
    gt_shifts_pts = jax.random.uniform(k3, (4, 32, 20, 20, 2), dtype=jnp.float32)
    gt_labels = jax.random.randint(k4, (4, 32), 0, 3, dtype=jnp.int64)
    return {"cls_scores": cls_scores, "pts_preds": pts_preds,
            "gt_shifts_pts": gt_shifts_pts, "gt_labels": gt_labels}


def reference(cls_scores, pts_preds, gt_shifts_pts, gt_labels):
    return _forward(cls_scores, pts_preds, gt_labels, gt_shifts_pts)

if __name__ == "__main__":
    import jax
    _d = setup_inputs()
    print(jax.jit(kernel)(*tuple(_d.values())))

</pallas_src>

<mosaic_0001>
#map = affine_map<(d0, d1) -> (0, 0)>
#map1 = affine_map<(d0, d1) -> (0, 0, 0)>
module attributes {stable_mosaic.version = 14 : i64} {
  func.func @_sc_corr_body(%arg0: i32, %arg1: i32, %arg2: memref<4x20480xf32, #tpu.memory_space<hbm>>, %arg3: memref<4x25600xf32, #tpu.memory_space<hbm>>, %arg4: memref<4x512x640xf32, #tpu.memory_space<hbm>>, %arg5: memref<2560xf32, #tpu.memory_space<vmem>>, %arg6: memref<25600xf32, #tpu.memory_space<vmem>>, %arg7: memref<64x640xf32, #tpu.memory_space<vmem>>, %arg8: memref<!tpu.dma_semaphore, #tpu.memory_space<semaphore_mem>>, %arg9: memref<!tpu.dma_semaphore, #tpu.memory_space<semaphore_mem>>) attributes {dimension_semantics = [#tpu.dimension_semantics<core_parallel>, #tpu.dimension_semantics<subcore_parallel>], iteration_bounds = array<i64: 2, 16>, scalar_prefetch = 0 : i64, scratch_operands = 5 : i64, tpu.core_type = #tpu.core_type<sc_vector_subcore>, window_params = [{transform_indices = #map}, {transform_indices = #map}, {transform_indices = #map1}]} {
    %iota3A = tpu.iota {dimensions = array<i32: 0>} : vector<16xi32>
    %mul3A = arith.constant 2 : i32
    %mul3A_0 = arith.muli %arg1, %mul3A : i32
    %add3A = arith.addi %mul3A_0, %arg0 : i32
    %jit3A = arith.constant 8 : i32
    %div3A = arith.divsi %add3A, %jit3A : i32
    %sign3A = arith.constant 0 : i32
    %sign3A_1 = arith.cmpi sgt, %add3A, %sign3A : i32
    %sign3A_2 = arith.extui %sign3A_1 : i1 to i32
    %sign3A_3 = arith.constant 0 : i32
    %sign3A_4 = arith.cmpi slt, %add3A, %sign3A_3 : i32
    %sign3A_5 = arith.extui %sign3A_4 : i1 to i32
    %sign3A_6 = arith.subi %sign3A_2, %sign3A_5 : i32
    %sign3A_7 = arith.constant 0 : i32
    %sign3A_8 = arith.cmpi sgt, %jit3A, %sign3A_7 : i32
    %sign3A_9 = arith.extui %sign3A_8 : i1 to i32
    %sign3A_10 = arith.constant 0 : i32
    %sign3A_11 = arith.cmpi slt, %jit3A, %sign3A_10 : i32
    %sign3A_12 = arith.extui %sign3A_11 : i1 to i32
    %sign3A_13 = arith.subi %sign3A_9, %sign3A_12 : i32
    %ne3A = arith.cmpi ne, %sign3A_6, %sign3A_13 : i32
    %rem3A = arith.remsi %add3A, %jit3A : i32
    %ne3A_14 = arith.constant 0 : i32
    %ne3A_15 = arith.cmpi ne, %rem3A, %ne3A_14 : i32
    %and3A = arith.andi %ne3A, %ne3A_15 : i1
    %sub3A = arith.constant 1 : i32
    %sub3A_16 = arith.subi %div3A, %sub3A : i32
    %select_n3A = arith.select %and3A, %sub3A_16, %div3A : i32
    %jit3A_17 = arith.constant 8 : i32
    %eq3A = arith.constant 0 : i32
    %eq3A_18 = arith.cmpi eq, %jit3A_17, %eq3A : i32
    %jit3A_19 = arith.constant 1 : i32
    %select_n3A_20 = arith.select %eq3A_18, %jit3A_19, %jit3A_17 : i32
    %rem3A_21 = arith.remsi %add3A, %select_n3A_20 : i32
    %ne3A_22 = arith.constant 0 : i32
    %ne3A_23 = arith.cmpi ne, %rem3A_21, %ne3A_22 : i32
    %lt3A = arith.constant 0 : i32
    %lt3A_24 = arith.cmpi slt, %rem3A_21, %lt3A : i32
    %lt3A_25 = arith.constant 0 : i32
    %lt3A_26 = arith.cmpi slt, %select_n3A_20, %lt3A_25 : i32
    %ne3A_27 = arith.xori %lt3A_24, %lt3A_26 : i1
    %and3A_28 = arith.andi %ne3A_27, %ne3A_23 : i1
    %add3A_29 = arith.addi %rem3A_21, %select_n3A_20 : i32
    %select_n3A_30 = arith.select %and3A_28, %add3A_29, %rem3A_21 : i32
    %mul3A_31 = arith.constant 64 : i32
    %mul3A_32 = arith.muli %select_n3A_30, %mul3A_31 : i32
    %mul3A_33 = arith.constant 40 : i32
    %mul3A_34 = arith.muli %mul3A_32, %mul3A_33 : i32
    %dma_start3A = tpu.memref_slice %arg2[%select_n3A, %mul3A_34] : memref<4x20480xf32, #tpu.memory_space<hbm>> -> memref<1x2560xf32, #tpu.memory_space<hbm>>
    %dma_start3A_35 = tpu.memref_squeeze %dma_start3A : memref<1x2560xf32, #tpu.memory_space<hbm>> -> memref<2560xf32, #tpu.memory_space<hbm>>
    %dma_start3A_36 = tpu.memref_slice %arg2[%select_n3A, %mul3A_34] : memref<4x20480xf32, #tpu.memory_space<hbm>> -> memref<1x2560xf32, #tpu.memory_space<hbm>>
    %dma_start3A_37 = tpu.memref_squeeze %dma_start3A_36 : memref<1x2560xf32, #tpu.memory_space<hbm>> -> memref<2560xf32, #tpu.memory_space<hbm>>
    tpu.enqueue_dma source(%dma_start3A_37 : memref<2560xf32, #tpu.memory_space<hbm>>) target(%arg5 : memref<2560xf32, #tpu.memory_space<vmem>>) target_semaphore(%arg8 : memref<!tpu.dma_semaphore, #tpu.memory_space<semaphore_mem>>)
    %dma_start3A_38 = arith.constant 0 : i32
    %dma_start3A_39 = tpu.memref_slice %arg3[%select_n3A, %dma_start3A_38] : memref<4x25600xf32, #tpu.memory_space<hbm>> -> memref<1x25600xf32, #tpu.memory_space<hbm>>
    %dma_start3A_40 = tpu.memref_squeeze %dma_start3A_39 : memref<1x25600xf32, #tpu.memory_space<hbm>> -> memref<25600xf32, #tpu.memory_space<hbm>>
    %dma_start3A_41 = arith.constant 0 : i32
    %dma_start3A_42 = tpu.memref_slice %arg3[%select_n3A, %dma_start3A_41] : memref<4x25600xf32, #tpu.memory_space<hbm>> -> memref<1x25600xf32, #tpu.memory_space<hbm>>
    %dma_start3A_43 = tpu.memref_squeeze %dma_start3A_42 : memref<1x25600xf32, #tpu.memory_space<hbm>> -> memref<25600xf32, #tpu.memory_space<hbm>>
    tpu.enqueue_dma source(%dma_start3A_43 : memref<25600xf32, #tpu.memory_space<hbm>>) target(%arg6 : memref<25600xf32, #tpu.memory_space<vmem>>) target_semaphore(%arg9 : memref<!tpu.dma_semaphore, #tpu.memory_space<semaphore_mem>>)
    %broadcast_in_dim3A = arith.constant 0.000000e+00 : f32
    %broadcast_in_dim3A_44 = vector.broadcast %broadcast_in_dim3A : f32 to vector<16xf32>
    %scan3A = arith.constant 0 : i32
    %scan3A_45 = arith.constant 0 : i32
    %scan3A_46 = arith.constant 64 : i32
    %scan3A_47 = arith.addi %scan3A_45, %scan3A_46 : i32
    %scan3A_48 = arith.constant 1 : i32
    %scan3A_49 = scf.for %scan3A_97 = %scan3A_45 to %scan3A_47 step %scan3A_48 iter_args(%scan3A_98 = %scan3A) -> (i32)  : i32 {
      %swap3A = arith.index_cast %scan3A_97 : i32 to index
      %swap3A_99 = arith.constant 0 : index
      %swap3A_100 = tpu.vector_load %arg7[%swap3A, %swap3A_99] {strides = array<i32>} : memref<64x640xf32, #tpu.memory_space<vmem>>, vector<16xf32>,
      tpu.vector_store %arg7[%swap3A, %swap3A_99], %broadcast_in_dim3A_44 {strides = array<i32>} : memref<64x640xf32, #tpu.memory_space<vmem>>, vector<16xf32>,
      %swap3A_101 = arith.index_cast %scan3A_97 : i32 to index
      %swap3A_102 = arith.constant 16 : index
      %swap3A_103 = tpu.vector_load %arg7[%swap3A_101, %swap3A_102] {strides = array<i32>} : memref<64x640xf32, #tpu.memory_space<vmem>>, vector<16xf32>,
      tpu.vector_store %arg7[%swap3A_101, %swap3A_102], %broadcast_in_dim3A_44 {strides = array<i32>} : memref<64x640xf32, #tpu.memory_space<vmem>>, vector<16xf32>,
      %swap3A_104 = arith.index_cast %scan3A_97 : i32 to index
      %swap3A_105 = arith.constant 32 : index
      %swap3A_106 = tpu.vector_load %arg7[%swap3A_104, %swap3A_105] {strides = array<i32>} : memref<64x640xf32, #tpu.memory_space<vmem>>, vector<16xf32>,
      tpu.vector_store %arg7[%swap3A_104, %swap3A_105], %broadcast_in_dim3A_44 {strides = array<i32>} : memref<64x640xf32, #tpu.memory_space<vmem>>, vector<16xf32>,
      %swap3A_107 = arith.index_cast %scan3A_97 : i32 to index
      %swap3A_108 = arith.constant 48 : index
      %swap3A_109 = tpu.vector_load %arg7[%swap3A_107, %swap3A_108] {strides = array<i32>} : memref<64x640xf32, #tpu.memory_space<vmem>>, vector<16xf32>,
      tpu.vector_store %arg7[%swap3A_107, %swap3A_108], %broadcast_in_dim3A_44 {strides = array<i32>} : memref<64x640xf32, #tpu.memory_space<vmem>>, vector<16xf32>,
      %swap3A_110 = arith.index_cast %scan3A_97 : i32 to index
      %swap3A_111 = arith.constant 64 : index
      %swap3A_112 = tpu.vector_load %arg7[%swap3A_110, %swap3A_111] {strides = array<i32>} : memref<64x640xf32, #tpu.memory_space<vmem>>, vector<16xf32>,
      tpu.vector_store %arg7[%swap3A_110, %swap3A_111], %broadcast_in_dim3A_44 {strides = array<i32>} : memref<64x640xf32, #tpu.memory_space<vmem>>, vector<16xf32>,
      %swap3A_113 = arith.index_cast %scan3A_97 : i32 to index
      %swap3A_114 = arith.constant 80 : index
      %swap3A_115 = tpu.vector_load %arg7[%swap3A_113, %swap3A_114] {strides = array<i32>} : memref<64x640xf32, #tpu.memory_space<vmem>>, vector<16xf32>,
      tpu.vector_store %arg7[%swap3A_113, %swap3A_114], %broadcast_in_dim3A_44 {strides = array<i32>} : memref<64x640xf32, #tpu.memory_space<vmem>>, vector<16xf32>,
      %swap3A_116 = arith.index_cast %scan3A_97 : i32 to index
      %swap3A_117 = arith.constant 96 : index
      %swap3A_118 = tpu.vector_load %arg7[%swap3A_116, %swap3A_117] {strides = array<i32>} : memref<64x640xf32, #tpu.memory_space<vmem>>, vector<16xf32>,
      tpu.vector_store %arg7[%swap3A_116, %swap3A_117], %broadcast_in_dim3A_44 {strides = array<i32>} : memref<64x640xf32, #tpu.memory_space<vmem>>, vector<16xf32>,
      %swap3A_119 = arith.index_cast %scan3A_97 : i32 to index
      %swap3A_120 = arith.constant 112 : index
      %swap3A_121 = tpu.vector_load %arg7[%swap3A_119, %swap3A_120] {strides = array<i32>} : memref<64x640xf32, #tpu.memory_space<vmem>>, vector<16xf32>,
      tpu.vector_store %arg7[%swap3A_119, %swap3A_120], %broadcast_in_dim3A_44 {strides = array<i32>} : memref<64x640xf32, #tpu.memory_space<vmem>>, vector<16xf32>,
      %swap3A_122 = arith.index_cast %scan3A_97 : i32 to index
      %swap3A_123 = arith.constant 128 : index
      %swap3A_124 = tpu.vector_load %arg7[%swap3A_122, %swap3A_123] {strides = array<i32>} : memref<64x640xf32, #tpu.memory_space<vmem>>, vector<16xf32>,
      tpu.vector_store %arg7[%swap3A_122, %swap3A_123], %broadcast_in_dim3A_44 {strides = array<i32>} : memref<64x640xf32, #tpu.memory_space<vmem>>, vector<16xf32>,
      %swap3A_125 = arith.index_cast %scan3A_97 : i32 to index
      %swap3A_126 = arith.constant 144 : index
      %swap3A_127 = tpu.vector_load %arg7[%swap3A_125, %swap3A_126] {strides = array<i32>} : memref<64x640xf32, #tpu.memory_space<vmem>>, vector<16xf32>,
      tpu.vector_store %arg7[%swap3A_125, %swap3A_126], %broadcast_in_dim3A_44 {strides = array<i32>} : memref<64x640xf32, #tpu.memory_space<vmem>>, vector<16xf32>,
      %swap3A_128 = arith.index_cast %scan3A_97 : i32 to index
      %swap3A_129 = arith.constant 160 : index
      %swap3A_130 = tpu.vector_load %arg7[%swap3A_128, %swap3A_129] {strides = array<i32>} : memref<64x640xf32, #tpu.memory_space<vmem>>, vector<16xf32>,
      tpu.vector_store %arg7[%swap3A_128, %swap3A_129], %broadcast_in_dim3A_44 {strides = array<i32>} : memref<64x640xf32, #tpu.memory_space<vmem>>, vector<16xf32>,
      %swap3A_131 = arith.index_cast %scan3A_97 : i32 to index
      %swap3A_132 = arith.constant 176 : index
      %swap3A_133 = tpu.vector_load %arg7[%swap3A_131, %swap3A_132] {strides = array<i32>} : memref<64x640xf32, #tpu.memory_space<vmem>>, vector<16xf32>,
      tpu.vector_store %arg7[%swap3A_131, %swap3A_132], %broadcast_in_dim3A_44 {strides = array<i32>} : memref<64x640xf32, #tpu.memory_space<vmem>>, vector<16xf32>,
      %swap3A_134 = arith.index_cast %scan3A_97 : i32 to index
      %swap3A_135 = arith.constant 192 : index
      %swap3A_136 = tpu.vector_load %arg7[%swap3A_134, %swap3A_135] {strides = array<i32>} : memref<64x640xf32, #tpu.memory_space<vmem>>, vector<16xf32>,
      tpu.vector_store %arg7[%swap3A_134, %swap3A_135], %broadcast_in_dim3A_44 {strides = array<i32>} : memref<64x640xf32, #tpu.memory_space<vmem>>, vector<16xf32>,
      %swap3A_137 = arith.index_cast %scan3A_97 : i32 to index
      %swap3A_138 = arith.constant 208 : index
      %swap3A_139 = tpu.vector_load %arg7[%swap3A_137, %swap3A_138] {strides = array<i32>} : memref<64x640xf32, #tpu.memory_space<vmem>>, vector<16xf32>,
      tpu.vector_store %arg7[%swap3A_137, %swap3A_138], %broadcast_in_dim3A_44 {strides = array<i32>} : memref<64x640xf32, #tpu.memory_space<vmem>>, vector<16xf32>,
      %swap3A_140 = arith.index_cast %scan3A_97 : i32 to index
      %swap3A_141 = arith.constant 224 : index
      %swap3A_142 = tpu.vector_load %arg7[%swap3A_140, %swap3A_141] {strides = array<i32>} : memref<64x640xf32, #tpu.memory_space<vmem>>, vector<16xf32>,
      tpu.vector_store %arg7[%swap3A_140, %swap3A_141], %broadcast_in_dim3A_44 {strides = array<i32>} : memref<64x640xf32, #tpu.memory_space<vmem>>, vector<16xf32>,
      %swap3A_143 = arith.index_cast %scan3A_97 : i32 to index
      %swap3A_144 = arith.constant 240 : index
      %swap3A_145 = tpu.vector_load %arg7[%swap3A_143, %swap3A_144] {strides = array<i32>} : memref<64x640xf32, #tpu.memory_space<vmem>>, vector<16xf32>,
      tpu.vector_store %arg7[%swap3A_143, %swap3A_144], %broadcast_in_dim3A_44 {strides = array<i32>} : memref<64x640xf32, #tpu.memory_space<vmem>>, vector<16xf32>,
      %swap3A_146 = arith.index_cast %scan3A_97 : i32 to index
      %swap3A_147 = arith.constant 256 : index
      %swap3A_148 = tpu.vector_load %arg7[%swap3A_146, %swap3A_147] {strides = array<i32>} : memref<64x640xf32, #tpu.memory_space<vmem>>, vector<16xf32>,
      tpu.vector_store %arg7[%swap3A_146, %swap3A_147], %broadcast_in_dim3A_44 {strides = array<i32>} : memref<64x640xf32, #tpu.memory_space<vmem>>, vector<16xf32>,
      %swap3A_149 = arith.index_cast %scan3A_97 : i32 to index
      %swap3A_150 = arith.constant 272 : index
      %swap3A_151 = tpu.vector_load %arg7[%swap3A_149, %swap3A_150] {strides = array<i32>} : memref<64x640xf32, #tpu.memory_space<vmem>>, vector<16xf32>,
      tpu.vector_store %arg7[%swap3A_149, %swap3A_150], %broadcast_in_dim3A_44 {strides = array<i32>} : memref<64x640xf32, #tpu.memory_space<vmem>>, vector<16xf32>,
      %swap3A_152 = arith.index_cast %scan3A_97 : i32 to index
      %swap3A_153 = arith.constant 288 : index
      %swap3A_154 = tpu.vector_load %arg7[%swap3A_152, %swap3A_153] {strides = array<i32>} : memref<64x640xf32, #tpu.memory_space<vmem>>, vector<16xf32>,
      tpu.vector_store %arg7[%swap3A_152, %swap3A_153], %broadcast_in_dim3A_44 {strides = array<i32>} : memref<64x640xf32, #tpu.memory_space<vmem>>, vector<16xf32>,
      %swap3A_155 = arith.index_cast %scan3A_97 : i32 to index
      %swap3A_156 = arith.constant 304 : index
      %swap3A_157 = tpu.vector_load %arg7[%swap3A_155, %swap3A_156] {strides = array<i32>} : memref<64x640xf32, #tpu.memory_space<vmem>>, vector<16xf32>,
      tpu.vector_store %arg7[%swap3A_155, %swap3A_156], %broadcast_in_dim3A_44 {strides = array<i32>} : memref<64x640xf32, #tpu.memory_space<vmem>>, vector<16xf32>,
      %swap3A_158 = arith.index_cast %scan3A_97 : i32 to index
      %swap3A_159 = arith.constant 320 : index
      %swap3A_160 = tpu.vector_load %arg7[%swap3A_158, %swap3A_159] {strides = array<i32>} : memref<64x640xf32, #tpu.memory_space<vmem>>, vector<16xf32>,
      tpu.vector_store %arg7[%swap3A_158, %swap3A_159], %broadcast_in_dim3A_44 {strides = array<i32>} : memref<64x640xf32, #tpu.memory_space<vmem>>, vector<16xf32>,
      %swap3A_161 = arith.index_cast %scan3A_97 : i32 to index
      %swap3A_162 = arith.constant 336 : index
      %swap3A_163 = tpu.vector_load %arg7[%swap3A_161, %swap3A_162] {strides = array<i32>} : memref<64x640xf32, #tpu.memory_space<vmem>>, vector<16xf32>,
      tpu.vector_store %arg7[%swap3A_161, %swap3A_162], %broadcast_in_dim3A_44 {strides = array<i32>} : memref<64x640xf32, #tpu.memory_space<vmem>>, vector<16xf32>,
      %swap3A_164 = arith.index_cast %scan3A_97 : i32 to index
      %swap3A_165 = arith.constant 352 : index
      %swap3A_166 = tpu.vector_load %arg7[%swap3A_164, %swap3A_165] {strides = array<i32>} : memref<64x640xf32, #tpu.memory_space<vmem>>, vector<16xf32>,
      tpu.vector_store %arg7[%swap3A_164, %swap3A_165], %broadcast_in_dim3A_44 {strides = array<i32>} : memref<64x640xf32, #tpu.memory_space<vmem>>, vector<16xf32>,
      %swap3A_167 = arith.index_cast %scan3A_97 : i32 to index
      %swap3A_168 = arith.constant 368 : index
      %swap3A_169 = tpu.vector_load %arg7[%swap3A_167, %swap3A_168] {strides = array<i32>} : memref<64x640xf32, #tpu.memory_space<vmem>>, vector<16xf32>,
      tpu.vector_store %arg7[%swap3A_167, %swap3A_168], %broadcast_in_dim3A_44 {strides = array<i32>} : memref<64x640xf32, #tpu.memory_space<vmem>>, vector<16xf32>,
      %swap3A_170 = arith.index_cast %scan3A_97 : i32 to index
      %swap3A_171 = arith.constant 384 : index
      %swap3A_172 = tpu.vector_load %arg7[%swap3A_170, %swap3A_171] {strides = array<i32>} : memref<64x640xf32, #tpu.memory_space<vmem>>, vector<16xf32>,
      tpu.vector_store %arg7[%swap3A_170, %swap3A_171], %broadcast_in_dim3A_44 {strides = array<i32>} : memref<64x640xf32, #tpu.memory_space<vmem>>, vector<16xf32>,
      %swap3A_173 = arith.index_cast %scan3A_97 : i32 to index
      %swap3A_174 = arith.constant 400 : index
      %swap3A_175 = tpu.vector_load %arg7[%swap3A_173, %swap3A_174] {strides = array<i32>} : memref<64x640xf32, #tpu.memory_space<vmem>>, vector<16xf32>,
      tpu.vector_store %arg7[%swap3A_173, %swap3A_174], %broadcast_in_dim3A_44 {strides = array<i32>} : memref<64x640xf32, #tpu.memory_space<vmem>>, vector<16xf32>,
      %swap3A_176 = arith.index_cast %scan3A_97 : i32 to index
      %swap3A_177 = arith.constant 416 : index
      %swap3A_178 = tpu.vector_load %arg7[%swap3A_176, %swap3A_177] {strides = array<i32>} : memref<64x640xf32, #tpu.memory_space<vmem>>, vector<16xf32>,
      tpu.vector_store %arg7[%swap3A_176, %swap3A_177], %broadcast_in_dim3A_44 {strides = array<i32>} : memref<64x640xf32, #tpu.memory_space<vmem>>, vector<16xf32>,
      %swap3A_179 = arith.index_cast %scan3A_97 : i32 to index
      %swap3A_180 = arith.constant 432 : index
      %swap3A_181 = tpu.vector_load %arg7[%swap3A_179, %swap3A_180] {strides = array<i32>} : memref<64x640xf32, #tpu.memory_space<vmem>>, vector<16xf32>,
      tpu.vector_store %arg7[%swap3A_179, %swap3A_180], %broadcast_in_dim3A_44 {strides = array<i32>} : memref<64x640xf32, #tpu.memory_space<vmem>>, vector<16xf32>,
      %swap3A_182 = arith.index_cast %scan3A_97 : i32 to index
      %swap3A_183 = arith.constant 448 : index
      %swap3A_184 = tpu.vector_load %arg7[%swap3A_182, %swap3A_183] {strides = array<i32>} : memref<64x640xf32, #tpu.memory_space<vmem>>, vector<16xf32>,
      tpu.vector_store %arg7[%swap3A_182, %swap3A_183], %broadcast_in_dim3A_44 {strides = array<i32>} : memref<64x640xf32, #tpu.memory_space<vmem>>, vector<16xf32>,
      %swap3A_185 = arith.index_cast %scan3A_97 : i32 to index
      %swap3A_186 = arith.constant 464 : index
      %swap3A_187 = tpu.vector_load %arg7[%swap3A_185, %swap3A_186] {strides = array<i32>} : memref<64x640xf32, #tpu.memory_space<vmem>>, vector<16xf32>,
      tpu.vector_store %arg7[%swap3A_185, %swap3A_186], %broadcast_in_dim3A_44 {strides = array<i32>} : memref<64x640xf32, #tpu.memory_space<vmem>>, vector<16xf32>,
      %swap3A_188 = arith.index_cast %scan3A_97 : i32 to index
      %swap3A_189 = arith.constant 480 : index
      %swap3A_190 = tpu.vector_load %arg7[%swap3A_188, %swap3A_189] {strides = array<i32>} : memref<64x640xf32, #tpu.memory_space<vmem>>, vector<16xf32>,
      tpu.vector_store %arg7[%swap3A_188, %swap3A_189], %broadcast_in_dim3A_44 {strides = array<i32>} : memref<64x640xf32, #tpu.memory_space<vmem>>, vector<16xf32>,
      %swap3A_191 = arith.index_cast %scan3A_97 : i32 to index
      %swap3A_192 = arith.constant 496 : index
      %swap3A_193 = tpu.vector_load %arg7[%swap3A_191, %swap3A_192] {strides = array<i32>} : memref<64x640xf32, #tpu.memory_space<vmem>>, vector<16xf32>,
      tpu.vector_store %arg7[%swap3A_191, %swap3A_192], %broadcast_in_dim3A_44 {strides = array<i32>} : memref<64x640xf32, #tpu.memory_space<vmem>>, vector<16xf32>,
      %swap3A_194 = arith.index_cast %scan3A_97 : i32 to index
      %swap3A_195 = arith.constant 512 : index
      %swap3A_196 = tpu.vector_load %arg7[%swap3A_194, %swap3A_195] {strides = array<i32>} : memref<64x640xf32, #tpu.memory_space<vmem>>, vector<16xf32>,
      tpu.vector_store %arg7[%swap3A_194, %swap3A_195], %broadcast_in_dim3A_44 {strides = array<i32>} : memref<64x640xf32, #tpu.memory_space<vmem>>, vector<16xf32>,
      %swap3A_197 = arith.index_cast %scan3A_97 : i32 to index
      %swap3A_198 = arith.constant 528 : index
      %swap3A_199 = tpu.vector_load %arg7[%swap3A_197, %swap3A_198] {strides = array<i32>} : memref<64x640xf32, #tpu.memory_space<vmem>>, vector<16xf32>,
      tpu.vector_store %arg7[%swap3A_197, %swap3A_198], %broadcast_in_dim3A_44 {strides = array<i32>} : memref<64x640xf32, #tpu.memory_space<vmem>>, vector<16xf32>,
      %swap3A_200 = arith.index_cast %scan3A_97 : i32 to index
      %swap3A_201 = arith.constant 544 : index
      %swap3A_202 = tpu.vector_load %arg7[%swap3A_200, %swap3A_201] {strides = array<i32>} : memref<64x640xf32, #tpu.memory_space<vmem>>, vector<16xf32>,
      tpu.vector_store %arg7[%swap3A_200, %swap3A_201], %broadcast_in_dim3A_44 {strides = array<i32>} : memref<64x640xf32, #tpu.memory_space<vmem>>, vector<16xf32>,
      %swap3A_203 = arith.index_cast %scan3A_97 : i32 to index
      %swap3A_204 = arith.constant 560 : index
      %swap3A_205 = tpu.vector_load %arg7[%swap3A_203, %swap3A_204] {strides = array<i32>} : memref<64x640xf32, #tpu.memory_space<vmem>>, vector<16xf32>,
      tpu.vector_store %arg7[%swap3A_203, %swap3A_204], %broadcast_in_dim3A_44 {strides = array<i32>} : memref<64x640xf32, #tpu.memory_space<vmem>>, vector<16xf32>,
      %swap3A_206 = arith.index_cast %scan3A_97 : i32 to index
      %swap3A_207 = arith.constant 576 : index
      %swap3A_208 = tpu.vector_load %arg7[%swap3A_206, %swap3A_207] {strides = array<i32>} : memref<64x640xf32, #tpu.memory_space<vmem>>, vector<16xf32>,
      tpu.vector_store %arg7[%swap3A_206, %swap3A_207], %broadcast_in_dim3A_44 {strides = array<i32>} : memref<64x640xf32, #tpu.memory_space<vmem>>, vector<16xf32>,
      %swap3A_209 = arith.index_cast %scan3A_97 : i32 to index
      %swap3A_210 = arith.constant 592 : index
      %swap3A_211 = tpu.vector_load %arg7[%swap3A_209, %swap3A_210] {strides = array<i32>} : memref<64x640xf32, #tpu.memory_space<vmem>>, vector<16xf32>,
      tpu.vector_store %arg7[%swap3A_209, %swap3A_210], %broadcast_in_dim3A_44 {strides = array<i32>} : memref<64x640xf32, #tpu.memory_space<vmem>>, vector<16xf32>,
      %swap3A_212 = arith.index_cast %scan3A_97 : i32 to index
      %swap3A_213 = arith.constant 608 : index
      %swap3A_214 = tpu.vector_load %arg7[%swap3A_212, %swap3A_213] {strides = array<i32>} : memref<64x640xf32, #tpu.memory_space<vmem>>, vector<16xf32>,
      tpu.vector_store %arg7[%swap3A_212, %swap3A_213], %broadcast_in_dim3A_44 {strides = array<i32>} : memref<64x640xf32, #tpu.memory_space<vmem>>, vector<16xf32>,
      %swap3A_215 = arith.index_cast %scan3A_97 : i32 to index
      %swap3A_216 = arith.constant 624 : index
      %swap3A_217 = tpu.vector_load %arg7[%swap3A_215, %swap3A_216] {strides = array<i32>} : memref<64x640xf32, #tpu.memory_space<vmem>>, vector<16xf32>,
      tpu.vector_store %arg7[%swap3A_215, %swap3A_216], %broadcast_in_dim3A_44 {strides = array<i32>} : memref<64x640xf32, #tpu.memory_space<vmem>>, vector<16xf32>,
      %scan3A_218 = arith.constant 0 : i32
      scf.yield %scan3A_218 : i32
    }
    %scan3A_50 = arith.constant 64 : i32
    %dma_wait3A = tpu.memref_slice %arg2[%select_n3A, %mul3A_34] : memref<4x20480xf32, #tpu.memory_space<hbm>> -> memref<1x2560xf32, #tpu.memory_space<hbm>>
    %dma_wait3A_51 = tpu.memref_squeeze %dma_wait3A : memref<1x2560xf32, #tpu.memory_space<hbm>> -> memref<2560xf32, #tpu.memory_space<hbm>>
    %dma_wait3A_52 = tpu.memref_slice %arg2[%select_n3A, %mul3A_34] : memref<4x20480xf32, #tpu.memory_space<hbm>> -> memref<1x2560xf32, #tpu.memory_space<hbm>>
    %dma_wait3A_53 = tpu.memref_squeeze %dma_wait3A_52 : memref<1x2560xf32, #tpu.memory_space<hbm>> -> memref<2560xf32, #tpu.memory_space<hbm>>
    tpu.wait_dma2 semaphore(%arg8 : memref<!tpu.dma_semaphore, #tpu.memory_space<semaphore_mem>>) src(%dma_wait3A_53 : memref<2560xf32, #tpu.memory_space<hbm>>) dst(%arg5 : memref<2560xf32, #tpu.memory_space<vmem>>)
    %dma_wait3A_54 = arith.constant 0 : i32
    %dma_wait3A_55 = tpu.memref_slice %arg3[%select_n3A, %dma_wait3A_54] : memref<4x25600xf32, #tpu.memory_space<hbm>> -> memref<1x25600xf32, #tpu.memory_space<hbm>>
    %dma_wait3A_56 = tpu.memref_squeeze %dma_wait3A_55 : memref<1x25600xf32, #tpu.memory_space<hbm>> -> memref<25600xf32, #tpu.memory_space<hbm>>
    %dma_wait3A_57 = arith.constant 0 : i32
    %dma_wait3A_58 = tpu.memref_slice %arg3[%select_n3A, %dma_wait3A_57] : memref<4x25600xf32, #tpu.memory_space<hbm>> -> memref<1x25600xf32, #tpu.memory_space<hbm>>
    %dma_wait3A_59 = tpu.memref_squeeze %dma_wait3A_58 : memref<1x25600xf32, #tpu.memory_space<hbm>> -> memref<25600xf32, #tpu.memory_space<hbm>>
    tpu.wait_dma2 semaphore(%arg9 : memref<!tpu.dma_semaphore, #tpu.memory_space<semaphore_mem>>) src(%dma_wait3A_59 : memref<25600xf32, #tpu.memory_space<hbm>>) dst(%arg6 : memref<25600xf32, #tpu.memory_space<vmem>>)
    %jit3A_60 = arith.constant 2 : i32
    %eq3A_61 = arith.constant 0 : i32
    %eq3A_62 = arith.cmpi eq, %jit3A_60, %eq3A_61 : i32
    %jit3A_63 = arith.constant 1 : i32
    %select_n3A_64 = arith.select %eq3A_62, %jit3A_63, %jit3A_60 : i32
    %rem3A_65 = vector.broadcast %select_n3A_64 : i32 to vector<16xi32>
    %rem3A_66 = arith.remsi %iota3A, %rem3A_65 : vector<16xi32>
    %ne3A_67 = arith.constant 0 : i32
    %ne3A_68 = vector.broadcast %ne3A_67 : i32 to vector<16xi32>
    %ne3A_69 = arith.cmpi ne, %rem3A_66, %ne3A_68 : vector<16xi32>
    %lt3A_70 = arith.constant 0 : i32
    %lt3A_71 = vector.broadcast %lt3A_70 : i32 to vector<16xi32>
    %lt3A_72 = arith.cmpi slt, %rem3A_66, %lt3A_71 : vector<16xi32>
    %lt3A_73 = arith.constant 0 : i32
    %lt3A_74 = arith.cmpi slt, %select_n3A_64, %lt3A_73 : i32
    %ne3A_75 = vector.broadcast %lt3A_74 : i1 to vector<16xi1>
    %ne3A_76 = vector.broadcast %ne3A_75 : vector<16xi1> to vector<16xi1>
    %ne3A_77 = arith.xori %lt3A_72, %ne3A_76 : vector<16xi1>
    %and3A_78 = arith.andi %ne3A_77, %ne3A_69 : vector<16xi1>
    %add3A_79 = vector.broadcast %select_n3A_64 : i32 to vector<16xi32>
    %add3A_80 = arith.addi %rem3A_66, %add3A_79 : vector<16xi32>
    %select_n3A_81 = arith.select %and3A_78, %add3A_80, %rem3A_66 : vector<16xi1>, vector<16xi32>
    %eq3A_82 = arith.constant 0 : i32
    %eq3A_83 = vector.broadcast %eq3A_82 : i32 to vector<16xi32>
    %eq3A_84 = arith.cmpi eq, %select_n3A_81, %eq3A_83 : vector<16xi32>
    %jit3A_85 = arith.constant 5.334000e-01 : f32
    %jit3A_86 = arith.constant 5.167000e-01 : f32
    %broadcast_in_dim3A_87 = vector.broadcast %jit3A_85 : f32 to vector<16xf32>
    %broadcast_in_dim3A_88 = vector.broadcast %jit3A_86 : f32 to vector<16xf32>
    %select_n3A_89 = arith.select %eq3A_84, %broadcast_in_dim3A_87, %broadcast_in_dim3A_88 : vector<16xi1>, vector<16xf32>
    %scan3A_90 = arith.constant 0 : i32
    %scan3A_91 = arith.constant 0 : i32
    %scan3A_92 = arith.constant 192 : i32
    %scan3A_93 = arith.addi %scan3A_91, %scan3A_92 : i32
    %scan3A_94 = arith.constant 1 : i32
    %scan3A_95 = scf.for %scan3A_97 = %scan3A_91 to %scan3A_93 step %scan3A_94 iter_args(%scan3A_98 = %scan3A_90) -> (i32)  : i32 {
      %jit3A_99 = arith.constant 3 : i32
      %div3A_100 = arith.divsi %scan3A_97, %jit3A_99 : i32
      %sign3A_101 = arith.constant 0 : i32
      %sign3A_102 = arith.cmpi sgt, %scan3A_97, %sign3A_101 : i32
      %sign3A_103 = arith.extui %sign3A_102 : i1 to i32
      %sign3A_104 = arith.constant 0 : i32
      %sign3A_105 = arith.cmpi slt, %scan3A_97, %sign3A_104 : i32
      %sign3A_106 = arith.extui %sign3A_105 : i1 to i32
      %sign3A_107 = arith.subi %sign3A_103, %sign3A_106 : i32
      %sign3A_108 = arith.constant 0 : i32
      %sign3A_109 = arith.cmpi sgt, %jit3A_99, %sign3A_108 : i32
      %sign3A_110 = arith.extui %sign3A_109 : i1 to i32
      %sign3A_111 = arith.constant 0 : i32
      %sign3A_112 = arith.cmpi slt, %jit3A_99, %sign3A_111 : i32
      %sign3A_113 = arith.extui %sign3A_112 : i1 to i32
      %sign3A_114 = arith.subi %sign3A_110, %sign3A_113 : i32
      %ne3A_115 = arith.cmpi ne, %sign3A_107, %sign3A_114 : i32
      %rem3A_116 = arith.remsi %scan3A_97, %jit3A_99 : i32
      %ne3A_117 = arith.constant 0 : i32
      %ne3A_118 = arith.cmpi ne, %rem3A_116, %ne3A_117 : i32
      %and3A_119 = arith.andi %ne3A_115, %ne3A_118 : i1
      %sub3A_120 = arith.constant 1 : i32
      %sub3A_121 = arith.subi %div3A_100, %sub3A_120 : i32
      %select_n3A_122 = arith.select %and3A_119, %sub3A_121, %div3A_100 : i32
      %jit3A_123 = arith.constant 3 : i32
      %eq3A_124 = arith.constant 0 : i32
      %eq3A_125 = arith.cmpi eq, %jit3A_123, %eq3A_124 : i32
      %jit3A_126 = arith.constant 1 : i32
      %select_n3A_127 = arith.select %eq3A_125, %jit3A_126, %jit3A_123 : i32
      %rem3A_128 = arith.remsi %scan3A_97, %select_n3A_127 : i32
      %ne3A_129 = arith.constant 0 : i32
      %ne3A_130 = arith.cmpi ne, %rem3A_128, %ne3A_129 : i32
      %lt3A_131 = arith.constant 0 : i32
      %lt3A_132 = arith.cmpi slt, %rem3A_128, %lt3A_131 : i32
      %lt3A_133 = arith.constant 0 : i32
      %lt3A_134 = arith.cmpi slt, %select_n3A_127, %lt3A_133 : i32
      %ne3A_135 = arith.xori %lt3A_132, %lt3A_134 : i1
      %and3A_136 = arith.andi %ne3A_135, %ne3A_130 : i1
      %add3A_137 = arith.addi %rem3A_128, %select_n3A_127 : i32
      %select_n3A_138 = arith.select %and3A_136, %add3A_137, %rem3A_128 : i32
      %mul3A_139 = arith.constant 16 : i32
      %mul3A_140 = arith.muli %select_n3A_138, %mul3A_139 : i32
      %jit3A_141 = arith.constant 2 : i32
      %div3A_142 = arith.divsi %select_n3A_138, %jit3A_141 : i32
      %sign3A_143 = arith.constant 0 : i32
      %sign3A_144 = arith.cmpi sgt, %select_n3A_138, %sign3A_143 : i32
      %sign3A_145 = arith.extui %sign3A_144 : i1 to i32
      %sign3A_146 = arith.constant 0 : i32
      %sign3A_147 = arith.cmpi slt, %select_n3A_138, %sign3A_146 : i32
      %sign3A_148 = arith.extui %sign3A_147 : i1 to i32
      %sign3A_149 = arith.subi %sign3A_145, %sign3A_148 : i32
      %sign3A_150 = arith.constant 0 : i32
      %sign3A_151 = arith.cmpi sgt, %jit3A_141, %sign3A_150 : i32
      %sign3A_152 = arith.extui %sign3A_151 : i1 to i32
      %sign3A_153 = arith.constant 0 : i32
      %sign3A_154 = arith.cmpi slt, %jit3A_141, %sign3A_153 : i32
      %sign3A_155 = arith.extui %sign3A_154 : i1 to i32
      %sign3A_156 = arith.subi %sign3A_152, %sign3A_155 : i32
      %ne3A_157 = arith.cmpi ne, %sign3A_149, %sign3A_156 : i32
      %rem3A_158 = arith.remsi %select_n3A_138, %jit3A_141 : i32
      %ne3A_159 = arith.constant 0 : i32
      %ne3A_160 = arith.cmpi ne, %rem3A_158, %ne3A_159 : i32
      %and3A_161 = arith.andi %ne3A_157, %ne3A_160 : i1
      %sub3A_162 = arith.constant 1 : i32
      %sub3A_163 = arith.subi %div3A_142, %sub3A_162 : i32
      %select_n3A_164 = arith.select %and3A_161, %sub3A_163, %div3A_142 : i32
      %mul3A_165 = arith.constant 8 : i32
      %mul3A_166 = arith.muli %mul3A_165, %select_n3A_164 : i32
      %sub3A_167 = arith.subi %mul3A_140, %mul3A_166 : i32
      %mul3A_168 = arith.constant 40 : i32
      %mul3A_169 = arith.muli %select_n3A_122, %mul3A_168 : i32
      %add3A_170 = arith.addi %mul3A_169, %sub3A_167 : i32
      %get3A = arith.index_cast %add3A_170 : i32 to index
      %get3A_171 = tpu.vector_load %arg5[%get3A] {strides = array<i32>} : memref<2560xf32, #tpu.memory_space<vmem>>, vector<16xf32>,
      %eq3A_172 = arith.constant 2 : i32
      %eq3A_173 = arith.cmpi eq, %select_n3A_138, %eq3A_172 : i32
      %jit3A_174 = arith.constant 8 : i32
      %jit3A_175 = arith.constant 0 : i32
      %select_n3A_176 = arith.select %eq3A_173, %jit3A_174, %jit3A_175 : i32
      %ge3A = arith.constant 5.000000e-01 : f32
      %ge3A_177 = vector.broadcast %ge3A : f32 to vector<16xf32>
      %ge3A_178 = arith.cmpf oge, %get3A_171, %ge3A_177 : vector<16xf32>
      %lt3A_179 = arith.cmpf olt, %get3A_171, %select_n3A_89 : vector<16xf32>
      %and3A_180 = arith.andi %ge3A_178, %lt3A_179 : vector<16xi1>
      %ge3A_181 = vector.broadcast %select_n3A_176 : i32 to vector<16xi32>
      %ge3A_182 = arith.cmpi sge, %iota3A, %ge3A_181 : vector<16xi32>
      %and3A_183 = arith.andi %and3A_180, %ge3A_182 : vector<16xi1>
      %all_reduce_population_count3A = tpu.all_reduce %and3A_183 {dim = 0 : i64, kind = #tpu.reduction_kind<sum>} : vector<16xi1> -> vector<16xi32>
      %slice3A = vector.extract_strided_slice %all_reduce_population_count3A {offsets = [0], sizes = [1], strides = [1]} : vector<16xi32> to vector<1xi32>
      %squeeze3A = vector.extract %slice3A[0] : i32 from vector<1xi32>
      %gt3A = arith.constant 0 : i32
      %gt3A_184 = arith.cmpi sgt, %squeeze3A, %gt3A : i32
      %convert_element_type3A = arith.extui %gt3A_184 : i1 to i32
      %cond3A = arith.constant 0 : i32
      %cond3A_185 = arith.cmpi ne, %convert_element_type3A, %cond3A : i32
      scf.if %cond3A_185 {
        %jit3A_187 = arith.constant 1 : i32
        %jit3A_188 = arith.constant 0 : i32
        %broadcast_in_dim3A_189 = vector.broadcast %jit3A_187 : i32 to vector<16xi32>
        %broadcast_in_dim3A_190 = vector.broadcast %jit3A_188 : i32 to vector<16xi32>
        %select_n3A_191 = arith.select %and3A_183, %broadcast_in_dim3A_189, %broadcast_in_dim3A_190 : vector<16xi1>, vector<16xi32>
        %while3A = arith.constant 0 : i32
        %while3A_192 = arith.subi %squeeze3A, %while3A : i32
        %while3A_193 = arith.addi %while3A, %while3A_192 : i32
        %while3A_194 = arith.constant 1 : i32
        %while3A_195 = arith.divsi %while3A_192, %while3A_194 : i32
        %while3A_196 = arith.muli %while3A_195, %while3A_194 : i32
        %while3A_197 = arith.addi %while3A, %while3A_196 : i32
        %while3A_198 = arith.constant 1 : i32
        %while3A_199 = scf.for %while3A_202 = %while3A to %while3A_197 step %while3A_198 iter_args(%while3A_203 = %select_n3A_191) -> (vector<16xi32>)  : i32 {
          %gt3A_204 = arith.constant 0 : i32
          %gt3A_205 = vector.broadcast %gt3A_204 : i32 to vector<16xi32>
          %gt3A_206 = arith.cmpi sgt, %while3A_203, %gt3A_205 : vector<16xi32>
          %all_reduce_ffs3A = tpu.all_reduce %gt3A_206 {dim = 0 : i64, kind = #tpu.reduction_kind<find_first_set>} : vector<16xi1> -> vector<16xi32>
          %slice3A_207 = vector.extract_strided_slice %all_reduce_ffs3A {offsets = [0], sizes = [1], strides = [1]} : vector<16xi32> to vector<1xi32>
          %squeeze3A_208 = vector.extract %slice3A_207[0] : i32 from vector<1xi32>
          %add3A_209 = arith.addi %sub3A_167, %squeeze3A_208 : i32
          %jit3A_210 = arith.constant 2 : i32
          %eq3A_211 = arith.constant 0 : i32
          %eq3A_212 = arith.cmpi eq, %jit3A_210, %eq3A_211 : i32
          %jit3A_213 = arith.constant 1 : i32
          %select_n3A_214 = arith.select %eq3A_212, %jit3A_213, %jit3A_210 : i32
          %rem3A_215 = arith.remsi %squeeze3A_208, %select_n3A_214 : i32
          %ne3A_216 = arith.constant 0 : i32
          %ne3A_217 = arith.cmpi ne, %rem3A_215, %ne3A_216 : i32
          %lt3A_218 = arith.constant 0 : i32
          %lt3A_219 = arith.cmpi slt, %rem3A_215, %lt3A_218 : i32
          %lt3A_220 = arith.constant 0 : i32
          %lt3A_221 = arith.cmpi slt, %select_n3A_214, %lt3A_220 : i32
          %ne3A_222 = arith.xori %lt3A_219, %lt3A_221 : i1
          %and3A_223 = arith.andi %ne3A_222, %ne3A_217 : i1
          %add3A_224 = arith.addi %rem3A_215, %select_n3A_214 : i32
          %select_n3A_225 = arith.select %and3A_223, %add3A_224, %rem3A_215 : i32
          %eq3A_226 = arith.constant 0 : i32
          %eq3A_227 = arith.cmpi eq, %select_n3A_225, %eq3A_226 : i32
          %jit3A_228 = arith.constant -1.500000e+01 : f32
          %jit3A_229 = arith.constant -3.000000e+01 : f32
          %select_n3A_230 = arith.select %eq3A_227, %jit3A_228, %jit3A_229 : f32
          %eq3A_231 = arith.constant 0 : i32
          %eq3A_232 = arith.cmpi eq, %select_n3A_225, %eq3A_231 : i32
          %jit3A_233 = arith.constant 3.000000e+01 : f32
          %jit3A_234 = arith.constant 6.000000e+01 : f32
          %select_n3A_235 = arith.select %eq3A_232, %jit3A_233, %jit3A_234 : f32
          %eq3A_236 = arith.constant 0 : i32
          %eq3A_237 = arith.cmpi eq, %select_n3A_225, %eq3A_236 : i32
          %jit3A_238 = arith.constant 0.0666666701 : f32
          %jit3A_239 = arith.constant 0.0333333351 : f32
          %select_n3A_240 = arith.select %eq3A_237, %jit3A_238, %jit3A_239 : f32
          %lt3A_241 = arith.constant 0 : i32
          %lt3A_242 = vector.broadcast %lt3A_241 : i32 to vector<16xi32>
          %lt3A_243 = arith.cmpi slt, %all_reduce_ffs3A, %lt3A_242 : vector<16xi32>
          %add3A_244 = arith.constant 16 : i32
          %add3A_245 = vector.broadcast %add3A_244 : i32 to vector<16xi32>
          %add3A_246 = arith.addi %all_reduce_ffs3A, %add3A_245 : vector<16xi32>
          %select_n3A_247 = arith.select %lt3A_243, %add3A_246, %all_reduce_ffs3A : vector<16xi1>, vector<16xi32>
          %broadcast_in_dim3A_248 = vector.shape_cast %select_n3A_247 : vector<16xi32> to vector<16x1xi32>
          %gather3A = vector.shape_cast %broadcast_in_dim3A_248 : vector<16x1xi32> to vector<16xi32>
          %gather3A_249 = tpu.dynamic_gather %get3A_171[%gather3A] in [0] : vector<16xf32>, vector<16xi32> -> vector<16xf32>
          %slice3A_250 = vector.extract_strided_slice %gather3A_249 {offsets = [0], sizes = [1], strides = [1]} : vector<16xf32> to vector<1xf32>
          %squeeze3A_251 = vector.extract %slice3A_250[0] : f32 from vector<1xf32>
          %mul3A_252 = arith.mulf %select_n3A_235, %squeeze3A_251 : f32
          %add3A_253 = arith.addf %select_n3A_230, %mul3A_252 : f32
          %mul3A_254 = arith.constant 640 : i32
          %mul3A_255 = arith.muli %add3A_209, %mul3A_254 : i32
          %add3A_256 = arith.constant 0 : i32
          %add3A_257 = arith.addi %mul3A_255, %add3A_256 : i32
          %get3A_258 = arith.index_cast %add3A_257 : i32 to index
          %get3A_259 = tpu.vector_load %arg6[%get3A_258] {strides = array<i32>} : memref<25600xf32, #tpu.memory_space<vmem>>, vector<16xf32>,
          %get3A_260 = arith.index_cast %select_n3A_122 : i32 to index
          %get3A_261 = arith.constant 0 : index
          %get3A_262 = tpu.vector_load %arg7[%get3A_260, %get3A_261] {strides = array<i32>} : memref<64x640xf32, #tpu.memory_space<vmem>>, vector<16xf32>,
          %sub3A_263 = vector.broadcast %add3A_253 : f32 to vector<16xf32>
          %sub3A_264 = arith.subf %get3A_259, %sub3A_263 : vector<16xf32>
          %max3A = arith.constant 0.000000e+00 : f32
          %max3A_265 = vector.broadcast %max3A : f32 to vector<16xf32>
          %max3A_266 = arith.maximumf %sub3A_264, %max3A_265 : vector<16xf32>
          %mul3A_267 = vector.broadcast %select_n3A_240 : f32 to vector<16xf32>
          %mul3A_268 = arith.mulf %mul3A_267, %max3A_266 : vector<16xf32>
          %add3A_269 = arith.addf %get3A_262, %mul3A_268 : vector<16xf32>
          %swap3A = arith.index_cast %select_n3A_122 : i32 to index
          %swap3A_270 = arith.constant 0 : index
          %swap3A_271 = tpu.vector_load %arg7[%swap3A, %swap3A_270] {strides = array<i32>} : memref<64x640xf32, #tpu.memory_space<vmem>>, vector<16xf32>,
          tpu.vector_store %arg7[%swap3A, %swap3A_270], %add3A_269 {strides = array<i32>} : memref<64x640xf32, #tpu.memory_space<vmem>>, vector<16xf32>,
          %mul3A_272 = arith.constant 640 : i32
          %mul3A_273 = arith.muli %add3A_209, %mul3A_272 : i32
          %add3A_274 = arith.constant 16 : i32
          %add3A_275 = arith.addi %mul3A_273, %add3A_274 : i32
          %get3A_276 = arith.index_cast %add3A_275 : i32 to index
          %get3A_277 = tpu.vector_load %arg6[%get3A_276] {strides = array<i32>} : memref<25600xf32, #tpu.memory_space<vmem>>, vector<16xf32>,
          %get3A_278 = arith.index_cast %select_n3A_122 : i32 to index
          %get3A_279 = arith.constant 16 : index
          %get3A_280 = tpu.vector_load %arg7[%get3A_278, %get3A_279] {strides = array<i32>} : memref<64x640xf32, #tpu.memory_space<vmem>>, vector<16xf32>,
          %sub3A_281 = vector.broadcast %add3A_253 : f32 to vector<16xf32>
          %sub3A_282 = arith.subf %get3A_277, %sub3A_281 : vector<16xf32>
          %max3A_283 = arith.constant 0.000000e+00 : f32
          %max3A_284 = vector.broadcast %max3A_283 : f32 to vector<16xf32>
          %max3A_285 = arith.maximumf %sub3A_282, %max3A_284 : vector<16xf32>
          %mul3A_286 = vector.broadcast %select_n3A_240 : f32 to vector<16xf32>
          %mul3A_287 = arith.mulf %mul3A_286, %max3A_285 : vector<16xf32>
          %add3A_288 = arith.addf %get3A_280, %mul3A_287 : vector<16xf32>
          %swap3A_289 = arith.index_cast %select_n3A_122 : i32 to index
          %swap3A_290 = arith.constant 16 : index
          %swap3A_291 = tpu.vector_load %arg7[%swap3A_289, %swap3A_290] {strides = array<i32>} : memref<64x640xf32, #tpu.memory_space<vmem>>, vector<16xf32>,
          tpu.vector_store %arg7[%swap3A_289, %swap3A_290], %add3A_288 {strides = array<i32>} : memref<64x640xf32, #tpu.memory_space<vmem>>, vector<16xf32>,
          %mul3A_292 = arith.constant 640 : i32
          %mul3A_293 = arith.muli %add3A_209, %mul3A_292 : i32
          %add3A_294 = arith.constant 32 : i32
          %add3A_295 = arith.addi %mul3A_293, %add3A_294 : i32
          %get3A_296 = arith.index_cast %add3A_295 : i32 to index
          %get3A_297 = tpu.vector_load %arg6[%get3A_296] {strides = array<i32>} : memref<25600xf32, #tpu.memory_space<vmem>>, vector<16xf32>,
          %get3A_298 = arith.index_cast %select_n3A_122 : i32 to index
          %get3A_299 = arith.constant 32 : index
          %get3A_300 = tpu.vector_load %arg7[%get3A_298, %get3A_299] {strides = array<i32>} : memref<64x640xf32, #tpu.memory_space<vmem>>, vector<16xf32>,
          %sub3A_301 = vector.broadcast %add3A_253 : f32 to vector<16xf32>
          %sub3A_302 = arith.subf %get3A_297, %sub3A_301 : vector<16xf32>
          %max3A_303 = arith.constant 0.000000e+00 : f32
          %max3A_304 = vector.broadcast %max3A_303 : f32 to vector<16xf32>
          %max3A_305 = arith.maximumf %sub3A_302, %max3A_304 : vector<16xf32>
          %mul3A_306 = vector.broadcast %select_n3A_240 : f32 to vector<16xf32>
          %mul3A_307 = arith.mulf %mul3A_306, %max3A_305 : vector<16xf32>
          %add3A_308 = arith.addf %get3A_300, %mul3A_307 : vector<16xf32>
          %swap3A_309 = arith.index_cast %select_n3A_122 : i32 to index
          %swap3A_310 = arith.constant 32 : index
          %swap3A_311 = tpu.vector_load %arg7[%swap3A_309, %swap3A_310] {strides = array<i32>} : memref<64x640xf32, #tpu.memory_space<vmem>>, vector<16xf32>,
          tpu.vector_store %arg7[%swap3A_309, %swap3A_310], %add3A_308 {strides = array<i32>} : memref<64x640xf32, #tpu.memory_space<vmem>>, vector<16xf32>,
          %mul3A_312 = arith.constant 640 : i32
          %mul3A_313 = arith.muli %add3A_209, %mul3A_312 : i32
          %add3A_314 = arith.constant 48 : i32
          %add3A_315 = arith.addi %mul3A_313, %add3A_314 : i32
          %get3A_316 = arith.index_cast %add3A_315 : i32 to index
          %get3A_317 = tpu.vector_load %arg6[%get3A_316] {strides = array<i32>} : memref<25600xf32, #tpu.memory_space<vmem>>, vector<16xf32>,
          %get3A_318 = arith.index_cast %select_n3A_122 : i32 to index
          %get3A_319 = arith.constant 48 : index
          %get3A_320 = tpu.vector_load %arg7[%get3A_318, %get3A_319] {strides = array<i32>} : memref<64x640xf32, #tpu.memory_space<vmem>>, vector<16xf32>,
          %sub3A_321 = vector.broadcast %add3A_253 : f32 to vector<16xf32>
          %sub3A_322 = arith.subf %get3A_317, %sub3A_321 : vector<16xf32>
          %max3A_323 = arith.constant 0.000000e+00 : f32
          %max3A_324 = vector.broadcast %max3A_323 : f32 to vector<16xf32>
          %max3A_325 = arith.maximumf %sub3A_322, %max3A_324 : vector<16xf32>
          %mul3A_326 = vector.broadcast %select_n3A_240 : f32 to vector<16xf32>
          %mul3A_327 = arith.mulf %mul3A_326, %max3A_325 : vector<16xf32>
          %add3A_328 = arith.addf %get3A_320, %mul3A_327 : vector<16xf32>
          %swap3A_329 = arith.index_cast %select_n3A_122 : i32 to index
          %swap3A_330 = arith.constant 48 : index
          %swap3A_331 = tpu.vector_load %arg7[%swap3A_329, %swap3A_330] {strides = array<i32>} : memref<64x640xf32, #tpu.memory_space<vmem>>, vector<16xf32>,
          tpu.vector_store %arg7[%swap3A_329, %swap3A_330], %add3A_328 {strides = array<i32>} : memref<64x640xf32, #tpu.memory_space<vmem>>, vector<16xf32>,
          %mul3A_332 = arith.constant 640 : i32
          %mul3A_333 = arith.muli %add3A_209, %mul3A_332 : i32
          %add3A_334 = arith.constant 64 : i32
          %add3A_335 = arith.addi %mul3A_333, %add3A_334 : i32
          %get3A_336 = arith.index_cast %add3A_335 : i32 to index
          %get3A_337 = tpu.vector_load %arg6[%get3A_336] {strides = array<i32>} : memref<25600xf32, #tpu.memory_space<vmem>>, vector<16xf32>,
          %get3A_338 = arith.index_cast %select_n3A_122 : i32 to index
          %get3A_339 = arith.constant 64 : index
          %get3A_340 = tpu.vector_load %arg7[%get3A_338, %get3A_339] {strides = array<i32>} : memref<64x640xf32, #tpu.memory_space<vmem>>, vector<16xf32>,
          %sub3A_341 = vector.broadcast %add3A_253 : f32 to vector<16xf32>
          %sub3A_342 = arith.subf %get3A_337, %sub3A_341 : vector<16xf32>
          %max3A_343 = arith.constant 0.000000e+00 : f32
          %max3A_344 = vector.broadcast %max3A_343 : f32 to vector<16xf32>
          %max3A_345 = arith.maximumf %sub3A_342, %max3A_344 : vector<16xf32>
          %mul3A_346 = vector.broadcast %select_n3A_240 : f32 to vector<16xf32>
          %mul3A_347 = arith.mulf %mul3A_346, %max3A_345 : vector<16xf32>
          %add3A_348 = arith.addf %get3A_340, %mul3A_347 : vector<16xf32>
          %swap3A_349 = arith.index_cast %select_n3A_122 : i32 to index
          %swap3A_350 = arith.constant 64 : index
          %swap3A_351 = tpu.vector_load %arg7[%swap3A_349, %swap3A_350] {strides = array<i32>} : memref<64x640xf32, #tpu.memory_space<vmem>>, vector<16xf32>,
          tpu.vector_store %arg7[%swap3A_349, %swap3A_350], %add3A_348 {strides = array<i32>} : memref<64x640xf32, #tpu.memory_space<vmem>>, vector<16xf32>,
          %mul3A_352 = arith.constant 640 : i32
          %mul3A_353 = arith.muli %add3A_209, %mul3A_352 : i32
          %add3A_354 = arith.constant 80 : i32
          %add3A_355 = arith.addi %mul3A_353, %add3A_354 : i32
          %get3A_356 = arith.index_cast %add3A_355 : i32 to index
          %get3A_357 = tpu.vector_load %arg6[%get3A_356] {strides = array<i32>} : memref<25600xf32, #tpu.memory_space<vmem>>, vector<16xf32>,
          %get3A_358 = arith.index_cast %select_n3A_122 : i32 to index
          %get3A_359 = arith.constant 80 : index
          %get3A_360 = tpu.vector_load %arg7[%get3A_358, %get3A_359] {strides = array<i32>} : memref<64x640xf32, #tpu.memory_space<vmem>>, vector<16xf32>,
          %sub3A_361 = vector.broadcast %add3A_253 : f32 to vector<16xf32>
          %sub3A_362 = arith.subf %get3A_357, %sub3A_361 : vector<16xf32>
          %max3A_363 = arith.constant 0.000000e+00 : f32
          %max3A_364 = vector.broadcast %max3A_363 : f32 to vector<16xf32>
          %max3A_365 = arith.maximumf %sub3A_362, %max3A_364 : vector<16xf32>
          %mul3A_366 = vector.broadcast %select_n3A_240 : f32 to vector<16xf32>
          %mul3A_367 = arith.mulf %mul3A_366, %max3A_365 : vector<16xf32>
          %add3A_368 = arith.addf %get3A_360, %mul3A_367 : vector<16xf32>
          %swap3A_369 = arith.index_cast %select_n3A_122 : i32 to index
          %swap3A_370 = arith.constant 80 : index
          %swap3A_371 = tpu.vector_load %arg7[%swap3A_369, %swap3A_370] {strides = array<i32>} : memref<64x640xf32, #tpu.memory_space<vmem>>, vector<16xf32>,
          tpu.vector_store %arg7[%swap3A_369, %swap3A_370], %add3A_368 {strides = array<i32>} : memref<64x640xf32, #tpu.memory_space<vmem>>, vector<16xf32>,
          %mul3A_372 = arith.constant 640 : i32
          %mul3A_373 = arith.muli %add3A_209, %mul3A_372 : i32
          %add3A_374 = arith.constant 96 : i32
          %add3A_375 = arith.addi %mul3A_373, %add3A_374 : i32
          %get3A_376 = arith.index_cast %add3A_375 : i32 to index
          %get3A_377 = tpu.vector_load %arg6[%get3A_376] {strides = array<i32>} : memref<25600xf32, #tpu.memory_space<vmem>>, vector<16xf32>,
          %get3A_378 = arith.index_cast %select_n3A_122 : i32 to index
          %get3A_379 = arith.constant 96 : index
          %get3A_380 = tpu.vector_load %arg7[%get3A_378, %get3A_379] {strides = array<i32>} : memref<64x640xf32, #tpu.memory_space<vmem>>, vector<16xf32>,
          %sub3A_381 = vector.broadcast %add3A_253 : f32 to vector<16xf32>
          %sub3A_382 = arith.subf %get3A_377, %sub3A_381 : vector<16xf32>
          %max3A_383 = arith.constant 0.000000e+00 : f32
          %max3A_384 = vector.broadcast %max3A_383 : f32 to vector<16xf32>
          %max3A_385 = arith.maximumf %sub3A_382, %max3A_384 : vector<16xf32>
          %mul3A_386 = vector.broadcast %select_n3A_240 : f32 to vector<16xf32>
          %mul3A_387 = arith.mulf %mul3A_386, %max3A_385 : vector<16xf32>
          %add3A_388 = arith.addf %get3A_380, %mul3A_387 : vector<16xf32>
          %swap3A_389 = arith.index_cast %select_n3A_122 : i32 to index
          %swap3A_390 = arith.constant 96 : index
          %swap3A_391 = tpu.vector_load %arg7[%swap3A_389, %swap3A_390] {strides = array<i32>} : memref<64x640xf32, #tpu.memory_space<vmem>>, vector<16xf32>,
          tpu.vector_store %arg7[%swap3A_389, %swap3A_390], %add3A_388 {strides = array<i32>} : memref<64x640xf32, #tpu.memory_space<vmem>>, vector<16xf32>,
          %mul3A_392 = arith.constant 640 : i32
          %mul3A_393 = arith.muli %add3A_209, %mul3A_392 : i32
          %add3A_394 = arith.constant 112 : i32
          %add3A_395 = arith.addi %mul3A_393, %add3A_394 : i32
          %get3A_396 = arith.index_cast %add3A_395 : i32 to index
          %get3A_397 = tpu.vector_load %arg6[%get3A_396] {strides = array<i32>} : memref<25600xf32, #tpu.memory_space<vmem>>, vector<16xf32>,
          %get3A_398 = arith.index_cast %select_n3A_122 : i32 to index
          %get3A_399 = arith.constant 112 : index
          %get3A_400 = tpu.vector_load %arg7[%get3A_398, %get3A_399] {strides = array<i32>} : memref<64x640xf32, #tpu.memory_space<vmem>>, vector<16xf32>,
          %sub3A_401 = vector.broadcast %add3A_253 : f32 to vector<16xf32>
          %sub3A_402 = arith.subf %get3A_397, %sub3A_401 : vector<16xf32>
          %max3A_403 = arith.constant 0.000000e+00 : f32
          %max3A_404 = vector.broadcast %max3A_403 : f32 to vector<16xf32>
          %max3A_405 = arith.maximumf %sub3A_402, %max3A_404 : vector<16xf32>
          %mul3A_406 = vector.broadcast %select_n3A_240 : f32 to vector<16xf32>
          %mul3A_407 = arith.mulf %mul3A_406, %max3A_405 : vector<16xf32>
          %add3A_408 = arith.addf %get3A_400, %mul3A_407 : vector<16xf32>
          %swap3A_409 = arith.index_cast %select_n3A_122 : i32 to index
          %swap3A_410 = arith.constant 112 : index
          %swap3A_411 = tpu.vector_load %arg7[%swap3A_409, %swap3A_410] {strides = array<i32>} : memref<64x640xf32, #tpu.memory_space<vmem>>, vector<16xf32>,
          tpu.vector_store %arg7[%swap3A_409, %swap3A_410], %add3A_408 {strides = array<i32>} : memref<64x640xf32, #tpu.memory_space<vmem>>, vector<16xf32>,
          %mul3A_412 = arith.constant 640 : i32
          %mul3A_413 = arith.muli %add3A_209, %mul3A_412 : i32
          %add3A_414 = arith.constant 128 : i32
          %add3A_415 = arith.addi %mul3A_413, %add3A_414 : i32
          %get3A_416 = arith.index_cast %add3A_415 : i32 to index
          %get3A_417 = tpu.vector_load %arg6[%get3A_416] {strides = array<i32>} : memref<25600xf32, #tpu.memory_space<vmem>>, vector<16xf32>,
          %get3A_418 = arith.index_cast %select_n3A_122 : i32 to index
          %get3A_419 = arith.constant 128 : index
          %get3A_420 = tpu.vector_load %arg7[%get3A_418, %get3A_419] {strides = array<i32>} : memref<64x640xf32, #tpu.memory_space<vmem>>, vector<16xf32>,
          %sub3A_421 = vector.broadcast %add3A_253 : f32 to vector<16xf32>
          %sub3A_422 = arith.subf %get3A_417, %sub3A_421 : vector<16xf32>
          %max3A_423 = arith.constant 0.000000e+00 : f32
          %max3A_424 = vector.broadcast %max3A_423 : f32 to vector<16xf32>
          %max3A_425 = arith.maximumf %sub3A_422, %max3A_424 : vector<16xf32>
          %mul3A_426 = vector.broadcast %select_n3A_240 : f32 to vector<16xf32>
          %mul3A_427 = arith.mulf %mul3A_426, %max3A_425 : vector<16xf32>
          %add3A_428 = arith.addf %get3A_420, %mul3A_427 : vector<16xf32>
          %swap3A_429 = arith.index_cast %select_n3A_122 : i32 to index
          %swap3A_430 = arith.constant 128 : index
          %swap3A_431 = tpu.vector_load %arg7[%swap3A_429, %swap3A_430] {strides = array<i32>} : memref<64x640xf32, #tpu.memory_space<vmem>>, vector<16xf32>,
          tpu.vector_store %arg7[%swap3A_429, %swap3A_430], %add3A_428 {strides = array<i32>} : memref<64x640xf32, #tpu.memory_space<vmem>>, vector<16xf32>,
          %mul3A_432 = arith.constant 640 : i32
          %mul3A_433 = arith.muli %add3A_209, %mul3A_432 : i32
          %add3A_434 = arith.constant 144 : i32
          %add3A_435 = arith.addi %mul3A_433, %add3A_434 : i32
          %get3A_436 = arith.index_cast %add3A_435 : i32 to index
          %get3A_437 = tpu.vector_load %arg6[%get3A_436] {strides = array<i32>} : memref<25600xf32, #tpu.memory_space<vmem>>, vector<16xf32>,
          %get3A_438 = arith.index_cast %select_n3A_122 : i32 to index
          %get3A_439 = arith.constant 144 : index
          %get3A_440 = tpu.vector_load %arg7[%get3A_438, %get3A_439] {strides = array<i32>} : memref<64x640xf32, #tpu.memory_space<vmem>>, vector<16xf32>,
          %sub3A_441 = vector.broadcast %add3A_253 : f32 to vector<16xf32>
          %sub3A_442 = arith.subf %get3A_437, %sub3A_441 : vector<16xf32>
          %max3A_443 = arith.constant 0.000000e+00 : f32
          %max3A_444 = vector.broadcast %max3A_443 : f32 to vector<16xf32>
          %max3A_445 = arith.maximumf %sub3A_442, %max3A_444 : vector<16xf32>
          %mul3A_446 = vector.broadcast %select_n3A_240 : f32 to vector<16xf32>
          %mul3A_447 = arith.mulf %mul3A_446, %max3A_445 : vector<16xf32>
          %add3A_448 = arith.addf %get3A_440, %mul3A_447 : vector<16xf32>
          %swap3A_449 = arith.index_cast %select_n3A_122 : i32 to index
          %swap3A_450 = arith.constant 144 : index
          %swap3A_451 = tpu.vector_load %arg7[%swap3A_449, %swap3A_450] {strides = array<i32>} : memref<64x640xf32, #tpu.memory_space<vmem>>, vector<16xf32>,
          tpu.vector_store %arg7[%swap3A_449, %swap3A_450], %add3A_448 {strides = array<i32>} : memref<64x640xf32, #tpu.memory_space<vmem>>, vector<16xf32>,
          %mul3A_452 = arith.constant 640 : i32
          %mul3A_453 = arith.muli %add3A_209, %mul3A_452 : i32
          %add3A_454 = arith.constant 160 : i32
          %add3A_455 = arith.addi %mul3A_453, %add3A_454 : i32
          %get3A_456 = arith.index_cast %add3A_455 : i32 to index
          %get3A_457 = tpu.vector_load %arg6[%get3A_456] {strides = array<i32>} : memref<25600xf32, #tpu.memory_space<vmem>>, vector<16xf32>,
          %get3A_458 = arith.index_cast %select_n3A_122 : i32 to index
          %get3A_459 = arith.constant 160 : index
          %get3A_460 = tpu.vector_load %arg7[%get3A_458, %get3A_459] {strides = array<i32>} : memref<64x640xf32, #tpu.memory_space<vmem>>, vector<16xf32>,
          %sub3A_461 = vector.broadcast %add3A_253 : f32 to vector<16xf32>
          %sub3A_462 = arith.subf %get3A_457, %sub3A_461 : vector<16xf32>
          %max3A_463 = arith.constant 0.000000e+00 : f32
          %max3A_464 = vector.broadcast %max3A_463 : f32 to vector<16xf32>
          %max3A_465 = arith.maximumf %sub3A_462, %max3A_464 : vector<16xf32>
          %mul3A_466 = vector.broadcast %select_n3A_240 : f32 to vector<16xf32>
          %mul3A_467 = arith.mulf %mul3A_466, %max3A_465 : vector<16xf32>
          %add3A_468 = arith.addf %get3A_460, %mul3A_467 : vector<16xf32>
          %swap3A_469 = arith.index_cast %select_n3A_122 : i32 to index
          %swap3A_470 = arith.constant 160 : index
          %swap3A_471 = tpu.vector_load %arg7[%swap3A_469, %swap3A_470] {strides = array<i32>} : memref<64x640xf32, #tpu.memory_space<vmem>>, vector<16xf32>,
          tpu.vector_store %arg7[%swap3A_469, %swap3A_470], %add3A_468 {strides = array<i32>} : memref<64x640xf32, #tpu.memory_space<vmem>>, vector<16xf32>,
          %mul3A_472 = arith.constant 640 : i32
          %mul3A_473 = arith.muli %add3A_209, %mul3A_472 : i32
          %add3A_474 = arith.constant 176 : i32
          %add3A_475 = arith.addi %mul3A_473, %add3A_474 : i32
          %get3A_476 = arith.index_cast %add3A_475 : i32 to index
          %get3A_477 = tpu.vector_load %arg6[%get3A_476] {strides = array<i32>} : memref<25600xf32, #tpu.memory_space<vmem>>, vector<16xf32>,
          %get3A_478 = arith.index_cast %select_n3A_122 : i32 to index
          %get3A_479 = arith.constant 176 : index
          %get3A_480 = tpu.vector_load %arg7[%get3A_478, %get3A_479] {strides = array<i32>} : memref<64x640xf32, #tpu.memory_space<vmem>>, vector<16xf32>,
          %sub3A_481 = vector.broadcast %add3A_253 : f32 to vector<16xf32>
          %sub3A_482 = arith.subf %get3A_477, %sub3A_481 : vector<16xf32>
          %max3A_483 = arith.constant 0.000000e+00 : f32
          %max3A_484 = vector.broadcast %max3A_483 : f32 to vector<16xf32>
          %max3A_485 = arith.maximumf %sub3A_482, %max3A_484 : vector<16xf32>
          %mul3A_486 = vector.broadcast %select_n3A_240 : f32 to vector<16xf32>
          %mul3A_487 = arith.mulf %mul3A_486, %max3A_485 : vector<16xf32>
          %add3A_488 = arith.addf %get3A_480, %mul3A_487 : vector<16xf32>
          %swap3A_489 = arith.index_cast %select_n3A_122 : i32 to index
          %swap3A_490 = arith.constant 176 : index
          %swap3A_491 = tpu.vector_load %arg7[%swap3A_489, %swap3A_490] {strides = array<i32>} : memref<64x640xf32, #tpu.memory_space<vmem>>, vector<16xf32>,
          tpu.vector_store %arg7[%swap3A_489, %swap3A_490], %add3A_488 {strides = array<i32>} : memref<64x640xf32, #tpu.memory_space<vmem>>, vector<16xf32>,
          %mul3A_492 = arith.constant 640 : i32
          %mul3A_493 = arith.muli %add3A_209, %mul3A_492 : i32
          %add3A_494 = arith.constant 192 : i32
          %add3A_495 = arith.addi %mul3A_493, %add3A_494 : i32
          %get3A_496 = arith.index_cast %add3A_495 : i32 to index
          %get3A_497 = tpu.vector_load %arg6[%get3A_496] {strides = array<i32>} : memref<25600xf32, #tpu.memory_space<vmem>>, vector<16xf32>,
          %get3A_498 = arith.index_cast %select_n3A_122 : i32 to index
          %get3A_499 = arith.constant 192 : index
          %get3A_500 = tpu.vector_load %arg7[%get3A_498, %get3A_499] {strides = array<i32>} : memref<64x640xf32, #tpu.memory_space<vmem>>, vector<16xf32>,
          %sub3A_501 = vector.broadcast %add3A_253 : f32 to vector<16xf32>
          %sub3A_502 = arith.subf %get3A_497, %sub3A_501 : vector<16xf32>
          %max3A_503 = arith.constant 0.000000e+00 : f32
          %max3A_504 = vector.broadcast %max3A_503 : f32 to vector<16xf32>
          %max3A_505 = arith.maximumf %sub3A_502, %max3A_504 : vector<16xf32>
          %mul3A_506 = vector.broadcast %select_n3A_240 : f32 to vector<16xf32>
          %mul3A_507 = arith.mulf %mul3A_506, %max3A_505 : vector<16xf32>
          %add3A_508 = arith.addf %get3A_500, %mul3A_507 : vector<16xf32>
          %swap3A_509 = arith.index_cast %select_n3A_122 : i32 to index
          %swap3A_510 = arith.constant 192 : index
          %swap3A_511 = tpu.vector_load %arg7[%swap3A_509, %swap3A_510] {strides = array<i32>} : memref<64x640xf32, #tpu.memory_space<vmem>>, vector<16xf32>,
          tpu.vector_store %arg7[%swap3A_509, %swap3A_510], %add3A_508 {strides = array<i32>} : memref<64x640xf32, #tpu.memory_space<vmem>>, vector<16xf32>,
          %mul3A_512 = arith.constant 640 : i32
          %mul3A_513 = arith.muli %add3A_209, %mul3A_512 : i32
          %add3A_514 = arith.constant 208 : i32
          %add3A_515 = arith.addi %mul3A_513, %add3A_514 : i32
          %get3A_516 = arith.index_cast %add3A_515 : i32 to index
          %get3A_517 = tpu.vector_load %arg6[%get3A_516] {strides = array<i32>} : memref<25600xf32, #tpu.memory_space<vmem>>, vector<16xf32>,
          %get3A_518 = arith.index_cast %select_n3A_122 : i32 to index
          %get3A_519 = arith.constant 208 : index
          %get3A_520 = tpu.vector_load %arg7[%get3A_518, %get3A_519] {strides = array<i32>} : memref<64x640xf32, #tpu.memory_space<vmem>>, vector<16xf32>,
          %sub3A_521 = vector.broadcast %add3A_253 : f32 to vector<16xf32>
          %sub3A_522 = arith.subf %get3A_517, %sub3A_521 : vector<16xf32>
          %max3A_523 = arith.constant 0.000000e+00 : f32
          %max3A_524 = vector.broadcast %max3A_523 : f32 to vector<16xf32>
          %max3A_525 = arith.maximumf %sub3A_522, %max3A_524 : vector<16xf32>
          %mul3A_526 = vector.broadcast %select_n3A_240 : f32 to vector<16xf32>
          %mul3A_527 = arith.mulf %mul3A_526, %max3A_525 : vector<16xf32>
          %add3A_528 = arith.addf %get3A_520, %mul3A_527 : vector<16xf32>
          %swap3A_529 = arith.index_cast %select_n3A_122 : i32 to index
          %swap3A_530 = arith.constant 208 : index
          %swap3A_531 = tpu.vector_load %arg7[%swap3A_529, %swap3A_530] {strides = array<i32>} : memref<64x640xf32, #tpu.memory_space<vmem>>, vector<16xf32>,
          tpu.vector_store %arg7[%swap3A_529, %swap3A_530], %add3A_528 {strides = array<i32>} : memref<64x640xf32, #tpu.memory_space<vmem>>, vector<16xf32>,
          %mul3A_532 = arith.constant 640 : i32
          %mul3A_533 = arith.muli %add3A_209, %mul3A_532 : i32
          %add3A_534 = arith.constant 224 : i32
          %add3A_535 = arith.addi %mul3A_533, %add3A_534 : i32
          %get3A_536 = arith.index_cast %add3A_535 : i32 to index
          %get3A_537 = tpu.vector_load %arg6[%get3A_536] {strides = array<i32>} : memref<25600xf32, #tpu.memory_space<vmem>>, vector<16xf32>,
          %get3A_538 = arith.index_cast %select_n3A_122 : i32 to index
          %get3A_539 = arith.constant 224 : index
          %get3A_540 = tpu.vector_load %arg7[%get3A_538, %get3A_539] {strides = array<i32>} : memref<64x640xf32, #tpu.memory_space<vmem>>, vector<16xf32>,
          %sub3A_541 = vector.broadcast %add3A_253 : f32 to vector<16xf32>
          %sub3A_542 = arith.subf %get3A_537, %sub3A_541 : vector<16xf32>
          %max3A_543 = arith.constant 0.000000e+00 : f32
          %max3A_544 = vector.broadcast %max3A_543 : f32 to vector<16xf32>
          %max3A_545 = arith.maximumf %sub3A_542, %max3A_544 : vector<16xf32>
          %mul3A_546 = vector.broadcast %select_n3A_240 : f32 to vector<16xf32>
          %mul3A_547 = arith.mulf %mul3A_546, %max3A_545 : vector<16xf32>
          %add3A_548 = arith.addf %get3A_540, %mul3A_547 : vector<16xf32>
          %swap3A_549 = arith.index_cast %select_n3A_122 : i32 to index
          %swap3A_550 = arith.constant 224 : index
          %swap3A_551 = tpu.vector_load %arg7[%swap3A_549, %swap3A_550] {strides = array<i32>} : memref<64x640xf32, #tpu.memory_space<vmem>>, vector<16xf32>,
          tpu.vector_store %arg7[%swap3A_549, %swap3A_550], %add3A_548 {strides = array<i32>} : memref<64x640xf32, #tpu.memory_space<vmem>>, vector<16xf32>,
          %mul3A_552 = arith.constant 640 : i32
          %mul3A_553 = arith.muli %add3A_209, %mul3A_552 : i32
          %add3A_554 = arith.constant 240 : i32
          %add3A_555 = arith.addi %mul3A_553, %add3A_554 : i32
          %get3A_556 = arith.index_cast %add3A_555 : i32 to index
          %get3A_557 = tpu.vector_load %arg6[%get3A_556] {strides = array<i32>} : memref<25600xf32, #tpu.memory_space<vmem>>, vector<16xf32>,
          %get3A_558 = arith.index_cast %select_n3A_122 : i32 to index
          %get3A_559 = arith.constant 240 : index
          %get3A_560 = tpu.vector_load %arg7[%get3A_558, %get3A_559] {strides = array<i32>} : memref<64x640xf32, #tpu.memory_space<vmem>>, vector<16xf32>,
          %sub3A_561 = vector.broadcast %add3A_253 : f32 to vector<16xf32>
          %sub3A_562 = arith.subf %get3A_557, %sub3A_561 : vector<16xf32>
          %max3A_563 = arith.constant 0.000000e+00 : f32
          %max3A_564 = vector.broadcast %max3A_563 : f32 to vector<16xf32>
          %max3A_565 = arith.maximumf %sub3A_562, %max3A_564 : vector<16xf32>
          %mul3A_566 = vector.broadcast %select_n3A_240 : f32 to vector<16xf32>
          %mul3A_567 = arith.mulf %mul3A_566, %max3A_565 : vector<16xf32>
          %add3A_568 = arith.addf %get3A_560, %mul3A_567 : vector<16xf32>
          %swap3A_569 = arith.index_cast %select_n3A_122 : i32 to index
          %swap3A_570 = arith.constant 240 : index
          %swap3A_571 = tpu.vector_load %arg7[%swap3A_569, %swap3A_570] {strides = array<i32>} : memref<64x640xf32, #tpu.memory_space<vmem>>, vector<16xf32>,
          tpu.vector_store %arg7[%swap3A_569, %swap3A_570], %add3A_568 {strides = array<i32>} : memref<64x640xf32, #tpu.memory_space<vmem>>, vector<16xf32>,
          %mul3A_572 = arith.constant 640 : i32
          %mul3A_573 = arith.muli %add3A_209, %mul3A_572 : i32
          %add3A_574 = arith.constant 256 : i32
          %add3A_575 = arith.addi %mul3A_573, %add3A_574 : i32
          %get3A_576 = arith.index_cast %add3A_575 : i32 to index
          %get3A_577 = tpu.vector_load %arg6[%get3A_576] {strides = array<i32>} : memref<25600xf32, #tpu.memory_space<vmem>>, vector<16xf32>,
          %get3A_578 = arith.index_cast %select_n3A_122 : i32 to index
          %get3A_579 = arith.constant 256 : index
          %get3A_580 = tpu.vector_load %arg7[%get3A_578, %get3A_579] {strides = array<i32>} : memref<64x640xf32, #tpu.memory_space<vmem>>, vector<16xf32>,
          %sub3A_581 = vector.broadcast %add3A_253 : f32 to vector<16xf32>
          %sub3A_582 = arith.subf %get3A_577, %sub3A_581 : vector<16xf32>
          %max3A_583 = arith.constant 0.000000e+00 : f32
          %max3A_584 = vector.broadcast %max3A_583 : f32 to vector<16xf32>
          %max3A_585 = arith.maximumf %sub3A_582, %max3A_584 : vector<16xf32>
          %mul3A_586 = vector.broadcast %select_n3A_240 : f32 to vector<16xf32>
          %mul3A_587 = arith.mulf %mul3A_586, %max3A_585 : vector<16xf32>
          %add3A_588 = arith.addf %get3A_580, %mul3A_587 : vector<16xf32>
          %swap3A_589 = arith.index_cast %select_n3A_122 : i32 to index
          %swap3A_590 = arith.constant 256 : index
          %swap3A_591 = tpu.vector_load %arg7[%swap3A_589, %swap3A_590] {strides = array<i32>} : memref<64x640xf32, #tpu.memory_space<vmem>>, vector<16xf32>,
          tpu.vector_store %arg7[%swap3A_589, %swap3A_590], %add3A_588 {strides = array<i32>} : memref<64x640xf32, #tpu.memory_space<vmem>>, vector<16xf32>,
          %mul3A_592 = arith.constant 640 : i32
          %mul3A_593 = arith.muli %add3A_209, %mul3A_592 : i32
          %add3A_594 = arith.constant 272 : i32
          %add3A_595 = arith.addi %mul3A_593, %add3A_594 : i32
          %get3A_596 = arith.index_cast %add3A_595 : i32 to index
          %get3A_597 = tpu.vector_load %arg6[%get3A_596] {strides = array<i32>} : memref<25600xf32, #tpu.memory_space<vmem>>, vector<16xf32>,
          %get3A_598 = arith.index_cast %select_n3A_122 : i32 to index
          %get3A_599 = arith.constant 272 : index
          %get3A_600 = tpu.vector_load %arg7[%get3A_598, %get3A_599] {strides = array<i32>} : memref<64x640xf32, #tpu.memory_space<vmem>>, vector<16xf32>,
          %sub3A_601 = vector.broadcast %add3A_253 : f32 to vector<16xf32>
          %sub3A_602 = arith.subf %get3A_597, %sub3A_601 : vector<16xf32>
          %max3A_603 = arith.constant 0.000000e+00 : f32
          %max3A_604 = vector.broadcast %max3A_603 : f32 to vector<16xf32>
          %max3A_605 = arith.maximumf %sub3A_602, %max3A_604 : vector<16xf32>
          %mul3A_606 = vector.broadcast %select_n3A_240 : f32 to vector<16xf32>
          %mul3A_607 = arith.mulf %mul3A_606, %max3A_605 : vector<16xf32>
          %add3A_608 = arith.addf %get3A_600, %mul3A_607 : vector<16xf32>
          %swap3A_609 = arith.index_cast %select_n3A_122 : i32 to index
          %swap3A_610 = arith.constant 272 : index
          %swap3A_611 = tpu.vector_load %arg7[%swap3A_609, %swap3A_610] {strides = array<i32>} : memref<64x640xf32, #tpu.memory_space<vmem>>, vector<16xf32>,
          tpu.vector_store %arg7[%swap3A_609, %swap3A_610], %add3A_608 {strides = array<i32>} : memref<64x640xf32, #tpu.memory_space<vmem>>, vector<16xf32>,
          %mul3A_612 = arith.constant 640 : i32
          %mul3A_613 = arith.muli %add3A_209, %mul3A_612 : i32
          %add3A_614 = arith.constant 288 : i32
          %add3A_615 = arith.addi %mul3A_613, %add3A_614 : i32
          %get3A_616 = arith.index_cast %add3A_615 : i32 to index
          %get3A_617 = tpu.vector_load %arg6[%get3A_616] {strides = array<i32>} : memref<25600xf32, #tpu.memory_space<vmem>>, vector<16xf32>,
          %get3A_618 = arith.index_cast %select_n3A_122 : i32 to index
          %get3A_619 = arith.constant 288 : index
          %get3A_620 = tpu.vector_load %arg7[%get3A_618, %get3A_619] {strides = array<i32>} : memref<64x640xf32, #tpu.memory_space<vmem>>, vector<16xf32>,
          %sub3A_621 = vector.broadcast %add3A_253 : f32 to vector<16xf32>
          %sub3A_622 = arith.subf %get3A_617, %sub3A_621 : vector<16xf32>
          %max3A_623 = arith.constant 0.000000e+00 : f32
          %max3A_624 = vector.broadcast %max3A_623 : f32 to vector<16xf32>
          %max3A_625 = arith.maximumf %sub3A_622, %max3A_624 : vector<16xf32>
          %mul3A_626 = vector.broadcast %select_n3A_240 : f32 to vector<16xf32>
          %mul3A_627 = arith.mulf %mul3A_626, %max3A_625 : vector<16xf32>
          %add3A_628 = arith.addf %get3A_620, %mul3A_627 : vector<16xf32>
          %swap3A_629 = arith.index_cast %select_n3A_122 : i32 to index
          %swap3A_630 = arith.constant 288 : index
          %swap3A_631 = tpu.vector_load %arg7[%swap3A_629, %swap3A_630] {strides = array<i32>} : memref<64x640xf32, #tpu.memory_space<vmem>>, vector<16xf32>,
          tpu.vector_store %arg7[%swap3A_629, %swap3A_630], %add3A_628 {strides = array<i32>} : memref<64x640xf32, #tpu.memory_space<vmem>>, vector<16xf32>,
          %mul3A_632 = arith.constant 640 : i32
          %mul3A_633 = arith.muli %add3A_209, %mul3A_632 : i32
          %add3A_634 = arith.constant 304 : i32
          %add3A_635 = arith.addi %mul3A_633, %add3A_634 : i32
          %get3A_636 = arith.index_cast %add3A_635 : i32 to index
          %get3A_637 = tpu.vector_load %arg6[%get3A_636] {strides = array<i32>} : memref<25600xf32, #tpu.memory_space<vmem>>, vector<16xf32>,
          %get3A_638 = arith.index_cast %select_n3A_122 : i32 to index
          %get3A_639 = arith.constant 304 : index
          %get3A_640 = tpu.vector_load %arg7[%get3A_638, %get3A_639] {strides = array<i32>} : memref<64x640xf32, #tpu.memory_space<vmem>>, vector<16xf32>,
          %sub3A_641 = vector.broadcast %add3A_253 : f32 to vector<16xf32>
          %sub3A_642 = arith.subf %get3A_637, %sub3A_641 : vector<16xf32>
          %max3A_643 = arith.constant 0.000000e+00 : f32
          %max3A_644 = vector.broadcast %max3A_643 : f32 to vector<16xf32>
          %max3A_645 = arith.maximumf %sub3A_642, %max3A_644 : vector<16xf32>
          %mul3A_646 = vector.broadcast %select_n3A_240 : f32 to vector<16xf32>
          %mul3A_647 = arith.mulf %mul3A_646, %max3A_645 : vector<16xf32>
          %add3A_648 = arith.addf %get3A_640, %mul3A_647 : vector<16xf32>
          %swap3A_649 = arith.index_cast %select_n3A_122 : i32 to index
          %swap3A_650 = arith.constant 304 : index
          %swap3A_651 = tpu.vector_load %arg7[%swap3A_649, %swap3A_650] {strides = array<i32>} : memref<64x640xf32, #tpu.memory_space<vmem>>, vector<16xf32>,
          tpu.vector_store %arg7[%swap3A_649, %swap3A_650], %add3A_648 {strides = array<i32>} : memref<64x640xf32, #tpu.memory_space<vmem>>, vector<16xf32>,
          %mul3A_652 = arith.constant 640 : i32
          %mul3A_653 = arith.muli %add3A_209, %mul3A_652 : i32
          %add3A_654 = arith.constant 320 : i32
          %add3A_655 = arith.addi %mul3A_653, %add3A_654 : i32
          %get3A_656 = arith.index_cast %add3A_655 : i32 to index
          %get3A_657 = tpu.vector_load %arg6[%get3A_656] {strides = array<i32>} : memref<25600xf32, #tpu.memory_space<vmem>>, vector<16xf32>,
          %get3A_658 = arith.index_cast %select_n3A_122 : i32 to index
          %get3A_659 = arith.constant 320 : index
          %get3A_660 = tpu.vector_load %arg7[%get3A_658, %get3A_659] {strides = array<i32>} : memref<64x640xf32, #tpu.memory_space<vmem>>, vector<16xf32>,
          %sub3A_661 = vector.broadcast %add3A_253 : f32 to vector<16xf32>
          %sub3A_662 = arith.subf %get3A_657, %sub3A_661 : vector<16xf32>
          %max3A_663 = arith.constant 0.000000e+00 : f32
          %max3A_664 = vector.broadcast %max3A_663 : f32 to vector<16xf32>
          %max3A_665 = arith.maximumf %sub3A_662, %max3A_664 : vector<16xf32>
          %mul3A_666 = vector.broadcast %select_n3A_240 : f32 to vector<16xf32>
          %mul3A_667 = arith.mulf %mul3A_666, %max3A_665 : vector<16xf32>
          %add3A_668 = arith.addf %get3A_660, %mul3A_667 : vector<16xf32>
          %swap3A_669 = arith.index_cast %select_n3A_122 : i32 to index
          %swap3A_670 = arith.constant 320 : index
          %swap3A_671 = tpu.vector_load %arg7[%swap3A_669, %swap3A_670] {strides = array<i32>} : memref<64x640xf32, #tpu.memory_space<vmem>>, vector<16xf32>,
          tpu.vector_store %arg7[%swap3A_669, %swap3A_670], %add3A_668 {strides = array<i32>} : memref<64x640xf32, #tpu.memory_space<vmem>>, vector<16xf32>,
          %mul3A_672 = arith.constant 640 : i32
          %mul3A_673 = arith.muli %add3A_209, %mul3A_672 : i32
          %add3A_674 = arith.constant 336 : i32
          %add3A_675 = arith.addi %mul3A_673, %add3A_674 : i32
          %get3A_676 = arith.index_cast %add3A_675 : i32 to index
          %get3A_677 = tpu.vector_load %arg6[%get3A_676] {strides = array<i32>} : memref<25600xf32, #tpu.memory_space<vmem>>, vector<16xf32>,
          %get3A_678 = arith.index_cast %select_n3A_122 : i32 to index
          %get3A_679 = arith.constant 336 : index
          %get3A_680 = tpu.vector_load %arg7[%get3A_678, %get3A_679] {strides = array<i32>} : memref<64x640xf32, #tpu.memory_space<vmem>>, vector<16xf32>,
          %sub3A_681 = vector.broadcast %add3A_253 : f32 to vector<16xf32>
          %sub3A_682 = arith.subf %get3A_677, %sub3A_681 : vector<16xf32>
          %max3A_683 = arith.constant 0.000000e+00 : f32
          %max3A_684 = vector.broadcast %max3A_683 : f32 to vector<16xf32>
          %max3A_685 = arith.maximumf %sub3A_682, %max3A_684 : vector<16xf32>
          %mul3A_686 = vector.broadcast %select_n3A_240 : f32 to vector<16xf32>
          %mul3A_687 = arith.mulf %mul3A_686, %max3A_685 : vector<16xf32>
          %add3A_688 = arith.addf %get3A_680, %mul3A_687 : vector<16xf32>
          %swap3A_689 = arith.index_cast %select_n3A_122 : i32 to index
          %swap3A_690 = arith.constant 336 : index
          %swap3A_691 = tpu.vector_load %arg7[%swap3A_689, %swap3A_690] {strides = array<i32>} : memref<64x640xf32, #tpu.memory_space<vmem>>, vector<16xf32>,
          tpu.vector_store %arg7[%swap3A_689, %swap3A_690], %add3A_688 {strides = array<i32>} : memref<64x640xf32, #tpu.memory_space<vmem>>, vector<16xf32>,
          %mul3A_692 = arith.constant 640 : i32
          %mul3A_693 = arith.muli %add3A_209, %mul3A_692 : i32
          %add3A_694 = arith.constant 352 : i32
          %add3A_695 = arith.addi %mul3A_693, %add3A_694 : i32
          %get3A_696 = arith.index_cast %add3A_695 : i32 to index
          %get3A_697 = tpu.vector_load %arg6[%get3A_696] {strides = array<i32>} : memref<25600xf32, #tpu.memory_space<vmem>>, vector<16xf32>,
          %get3A_698 = arith.index_cast %select_n3A_122 : i32 to index
          %get3A_699 = arith.constant 352 : index
          %get3A_700 = tpu.vector_load %arg7[%get3A_698, %get3A_699] {strides = array<i32>} : memref<64x640xf32, #tpu.memory_space<vmem>>, vector<16xf32>,
          %sub3A_701 = vector.broadcast %add3A_253 : f32 to vector<16xf32>
          %sub3A_702 = arith.subf %get3A_697, %sub3A_701 : vector<16xf32>
          %max3A_703 = arith.constant 0.000000e+00 : f32
          %max3A_704 = vector.broadcast %max3A_703 : f32 to vector<16xf32>
          %max3A_705 = arith.maximumf %sub3A_702, %max3A_704 : vector<16xf32>
          %mul3A_706 = vector.broadcast %select_n3A_240 : f32 to vector<16xf32>
          %mul3A_707 = arith.mulf %mul3A_706, %max3A_705 : vector<16xf32>
          %add3A_708 = arith.addf %get3A_700, %mul3A_707 : vector<16xf32>
          %swap3A_709 = arith.index_cast %select_n3A_122 : i32 to index
          %swap3A_710 = arith.constant 352 : index
          %swap3A_711 = tpu.vector_load %arg7[%swap3A_709, %swap3A_710] {strides = array<i32>} : memref<64x640xf32, #tpu.memory_space<vmem>>, vector<16xf32>,
          tpu.vector_store %arg7[%swap3A_709, %swap3A_710], %add3A_708 {strides = array<i32>} : memref<64x640xf32, #tpu.memory_space<vmem>>, vector<16xf32>,
          %mul3A_712 = arith.constant 640 : i32
          %mul3A_713 = arith.muli %add3A_209, %mul3A_712 : i32
          %add3A_714 = arith.constant 368 : i32
          %add3A_715 = arith.addi %mul3A_713, %add3A_714 : i32
          %get3A_716 = arith.index_cast %add3A_715 : i32 to index
          %get3A_717 = tpu.vector_load %arg6[%get3A_716] {strides = array<i32>} : memref<25600xf32, #tpu.memory_space<vmem>>, vector<16xf32>,
          %get3A_718 = arith.index_cast %select_n3A_122 : i32 to index
          %get3A_719 = arith.constant 368 : index
          %get3A_720 = tpu.vector_load %arg7[%get3A_718, %get3A_719] {strides = array<i32>} : memref<64x640xf32, #tpu.memory_space<vmem>>, vector<16xf32>,
          %sub3A_721 = vector.broadcast %add3A_253 : f32 to vector<16xf32>
          %sub3A_722 = arith.subf %get3A_717, %sub3A_721 : vector<16xf32>
          %max3A_723 = arith.constant 0.000000e+00 : f32
          %max3A_724 = vector.broadcast %max3A_723 : f32 to vector<16xf32>
          %max3A_725 = arith.maximumf %sub3A_722, %max3A_724 : vector<16xf32>
          %mul3A_726 = vector.broadcast %select_n3A_240 : f32 to vector<16xf32>
          %mul3A_727 = arith.mulf %mul3A_726, %max3A_725 : vector<16xf32>
          %add3A_728 = arith.addf %get3A_720, %mul3A_727 : vector<16xf32>
          %swap3A_729 = arith.index_cast %select_n3A_122 : i32 to index
          %swap3A_730 = arith.constant 368 : index
          %swap3A_731 = tpu.vector_load %arg7[%swap3A_729, %swap3A_730] {strides = array<i32>} : memref<64x640xf32, #tpu.memory_space<vmem>>, vector<16xf32>,
          tpu.vector_store %arg7[%swap3A_729, %swap3A_730], %add3A_728 {strides = array<i32>} : memref<64x640xf32, #tpu.memory_space<vmem>>, vector<16xf32>,
          %mul3A_732 = arith.constant 640 : i32
          %mul3A_733 = arith.muli %add3A_209, %mul3A_732 : i32
          %add3A_734 = arith.constant 384 : i32
          %add3A_735 = arith.addi %mul3A_733, %add3A_734 : i32
          %get3A_736 = arith.index_cast %add3A_735 : i32 to index
          %get3A_737 = tpu.vector_load %arg6[%get3A_736] {strides = array<i32>} : memref<25600xf32, #tpu.memory_space<vmem>>, vector<16xf32>,
          %get3A_738 = arith.index_cast %select_n3A_122 : i32 to index
          %get3A_739 = arith.constant 384 : index
          %get3A_740 = tpu.vector_load %arg7[%get3A_738, %get3A_739] {strides = array<i32>} : memref<64x640xf32, #tpu.memory_space<vmem>>, vector<16xf32>,
          %sub3A_741 = vector.broadcast %add3A_253 : f32 to vector<16xf32>
          %sub3A_742 = arith.subf %get3A_737, %sub3A_741 : vector<16xf32>
          %max3A_743 = arith.constant 0.000000e+00 : f32
          %max3A_744 = vector.broadcast %max3A_743 : f32 to vector<16xf32>
          %max3A_745 = arith.maximumf %sub3A_742, %max3A_744 : vector<16xf32>
          %mul3A_746 = vector.broadcast %select_n3A_240 : f32 to vector<16xf32>
          %mul3A_747 = arith.mulf %mul3A_746, %max3A_745 : vector<16xf32>
          %add3A_748 = arith.addf %get3A_740, %mul3A_747 : vector<16xf32>
          %swap3A_749 = arith.index_cast %select_n3A_122 : i32 to index
          %swap3A_750 = arith.constant 384 : index
          %swap3A_751 = tpu.vector_load %arg7[%swap3A_749, %swap3A_750] {strides = array<i32>} : memref<64x640xf32, #tpu.memory_space<vmem>>, vector<16xf32>,
          tpu.vector_store %arg7[%swap3A_749, %swap3A_750], %add3A_748 {strides = array<i32>} : memref<64x640xf32, #tpu.memory_space<vmem>>, vector<16xf32>,
          %mul3A_752 = arith.constant 640 : i32
          %mul3A_753 = arith.muli %add3A_209, %mul3A_752 : i32
          %add3A_754 = arith.constant 400 : i32
          %add3A_755 = arith.addi %mul3A_753, %add3A_754 : i32
          %get3A_756 = arith.index_cast %add3A_755 : i32 to index
          %get3A_757 = tpu.vector_load %arg6[%get3A_756] {strides = array<i32>} : memref<25600xf32, #tpu.memory_space<vmem>>, vector<16xf32>,
          %get3A_758 = arith.index_cast %select_n3A_122 : i32 to index
          %get3A_759 = arith.constant 400 : index
          %get3A_760 = tpu.vector_load %arg7[%get3A_758, %get3A_759] {strides = array<i32>} : memref<64x640xf32, #tpu.memory_space<vmem>>, vector<16xf32>,
          %sub3A_761 = vector.broadcast %add3A_253 : f32 to vector<16xf32>
          %sub3A_762 = arith.subf %get3A_757, %sub3A_761 : vector<16xf32>
          %max3A_763 = arith.constant 0.000000e+00 : f32
          %max3A_764 = vector.broadcast %max3A_763 : f32 to vector<16xf32>
          %max3A_765 = arith.maximumf %sub3A_762, %max3A_764 : vector<16xf32>
          %mul3A_766 = vector.broadcast %select_n3A_240 : f32 to vector<16xf32>
          %mul3A_767 = arith.mulf %mul3A_766, %max3A_765 : vector<16xf32>
          %add3A_768 = arith.addf %get3A_760, %mul3A_767 : vector<16xf32>
          %swap3A_769 = arith.index_cast %select_n3A_122 : i32 to index
          %swap3A_770 = arith.constant 400 : index
          %swap3A_771 = tpu.vector_load %arg7[%swap3A_769, %swap3A_770] {strides = array<i32>} : memref<64x640xf32, #tpu.memory_space<vmem>>, vector<16xf32>,
          tpu.vector_store %arg7[%swap3A_769, %swap3A_770], %add3A_768 {strides = array<i32>} : memref<64x640xf32, #tpu.memory_space<vmem>>, vector<16xf32>,
          %mul3A_772 = arith.constant 640 : i32
          %mul3A_773 = arith.muli %add3A_209, %mul3A_772 : i32
          %add3A_774 = arith.constant 416 : i32
          %add3A_775 = arith.addi %mul3A_773, %add3A_774 : i32
          %get3A_776 = arith.index_cast %add3A_775 : i32 to index
          %get3A_777 = tpu.vector_load %arg6[%get3A_776] {strides = array<i32>} : memref<25600xf32, #tpu.memory_space<vmem>>, vector<16xf32>,
          %get3A_778 = arith.index_cast %select_n3A_122 : i32 to index
          %get3A_779 = arith.constant 416 : index
          %get3A_780 = tpu.vector_load %arg7[%get3A_778, %get3A_779] {strides = array<i32>} : memref<64x640xf32, #tpu.memory_space<vmem>>, vector<16xf32>,
          %sub3A_781 = vector.broadcast %add3A_253 : f32 to vector<16xf32>
          %sub3A_782 = arith.subf %get3A_777, %sub3A_781 : vector<16xf32>
          %max3A_783 = arith.constant 0.000000e+00 : f32
          %max3A_784 = vector.broadcast %max3A_783 : f32 to vector<16xf32>
          %max3A_785 = arith.maximumf %sub3A_782, %max3A_784 : vector<16xf32>
          %mul3A_786 = vector.broadcast %select_n3A_240 : f32 to vector<16xf32>
          %mul3A_787 = arith.mulf %mul3A_786, %max3A_785 : vector<16xf32>
          %add3A_788 = arith.addf %get3A_780, %mul3A_787 : vector<16xf32>
          %swap3A_789 = arith.index_cast %select_n3A_122 : i32 to index
          %swap3A_790 = arith.constant 416 : index
          %swap3A_791 = tpu.vector_load %arg7[%swap3A_789, %swap3A_790] {strides = array<i32>} : memref<64x640xf32, #tpu.memory_space<vmem>>, vector<16xf32>,
          tpu.vector_store %arg7[%swap3A_789, %swap3A_790], %add3A_788 {strides = array<i32>} : memref<64x640xf32, #tpu.memory_space<vmem>>, vector<16xf32>,
          %mul3A_792 = arith.constant 640 : i32
          %mul3A_793 = arith.muli %add3A_209, %mul3A_792 : i32
          %add3A_794 = arith.constant 432 : i32
          %add3A_795 = arith.addi %mul3A_793, %add3A_794 : i32
          %get3A_796 = arith.index_cast %add3A_795 : i32 to index
          %get3A_797 = tpu.vector_load %arg6[%get3A_796] {strides = array<i32>} : memref<25600xf32, #tpu.memory_space<vmem>>, vector<16xf32>,
          %get3A_798 = arith.index_cast %select_n3A_122 : i32 to index
          %get3A_799 = arith.constant 432 : index
          %get3A_800 = tpu.vector_load %arg7[%get3A_798, %get3A_799] {strides = array<i32>} : memref<64x640xf32, #tpu.memory_space<vmem>>, vector<16xf32>,
          %sub3A_801 = vector.broadcast %add3A_253 : f32 to vector<16xf32>
          %sub3A_802 = arith.subf %get3A_797, %sub3A_801 : vector<16xf32>
          %max3A_803 = arith.constant 0.000000e+00 : f32
          %max3A_804 = vector.broadcast %max3A_803 : f32 to vector<16xf32>
          %max3A_805 = arith.maximumf %sub3A_802, %max3A_804 : vector<16xf32>
          %mul3A_806 = vector.broadcast %select_n3A_240 : f32 to vector<16xf32>
          %mul3A_807 = arith.mulf %mul3A_806, %max3A_805 : vector<16xf32>
          %add3A_808 = arith.addf %get3A_800, %mul3A_807 : vector<16xf32>
          %swap3A_809 = arith.index_cast %select_n3A_122 : i32 to index
          %swap3A_810 = arith.constant 432 : index
          %swap3A_811 = tpu.vector_load %arg7[%swap3A_809, %swap3A_810] {strides = array<i32>} : memref<64x640xf32, #tpu.memory_space<vmem>>, vector<16xf32>,
          tpu.vector_store %arg7[%swap3A_809, %swap3A_810], %add3A_808 {strides = array<i32>} : memref<64x640xf32, #tpu.memory_space<vmem>>, vector<16xf32>,
          %mul3A_812 = arith.constant 640 : i32
          %mul3A_813 = arith.muli %add3A_209, %mul3A_812 : i32
          %add3A_814 = arith.constant 448 : i32
          %add3A_815 = arith.addi %mul3A_813, %add3A_814 : i32
          %get3A_816 = arith.index_cast %add3A_815 : i32 to index
          %get3A_817 = tpu.vector_load %arg6[%get3A_816] {strides = array<i32>} : memref<25600xf32, #tpu.memory_space<vmem>>, vector<16xf32>,
          %get3A_818 = arith.index_cast %select_n3A_122 : i32 to index
          %get3A_819 = arith.constant 448 : index
          %get3A_820 = tpu.vector_load %arg7[%get3A_818, %get3A_819] {strides = array<i32>} : memref<64x640xf32, #tpu.memory_space<vmem>>, vector<16xf32>,
          %sub3A_821 = vector.broadcast %add3A_253 : f32 to vector<16xf32>
          %sub3A_822 = arith.subf %get3A_817, %sub3A_821 : vector<16xf32>
          %max3A_823 = arith.constant 0.000000e+00 : f32
          %max3A_824 = vector.broadcast %max3A_823 : f32 to vector<16xf32>
          %max3A_825 = arith.maximumf %sub3A_822, %max3A_824 : vector<16xf32>
          %mul3A_826 = vector.broadcast %select_n3A_240 : f32 to vector<16xf32>
          %mul3A_827 = arith.mulf %mul3A_826, %max3A_825 : vector<16xf32>
          %add3A_828 = arith.addf %get3A_820, %mul3A_827 : vector<16xf32>
          %swap3A_829 = arith.index_cast %select_n3A_122 : i32 to index
          %swap3A_830 = arith.constant 448 : index
          %swap3A_831 = tpu.vector_load %arg7[%swap3A_829, %swap3A_830] {strides = array<i32>} : memref<64x640xf32, #tpu.memory_space<vmem>>, vector<16xf32>,
          tpu.vector_store %arg7[%swap3A_829, %swap3A_830], %add3A_828 {strides = array<i32>} : memref<64x640xf32, #tpu.memory_space<vmem>>, vector<16xf32>,
          %mul3A_832 = arith.constant 640 : i32
          %mul3A_833 = arith.muli %add3A_209, %mul3A_832 : i32
          %add3A_834 = arith.constant 464 : i32
          %add3A_835 = arith.addi %mul3A_833, %add3A_834 : i32
          %get3A_836 = arith.index_cast %add3A_835 : i32 to index
          %get3A_837 = tpu.vector_load %arg6[%get3A_836] {strides = array<i32>} : memref<25600xf32, #tpu.memory_space<vmem>>, vector<16xf32>,
          %get3A_838 = arith.index_cast %select_n3A_122 : i32 to index
          %get3A_839 = arith.constant 464 : index
          %get3A_840 = tpu.vector_load %arg7[%get3A_838, %get3A_839] {strides = array<i32>} : memref<64x640xf32, #tpu.memory_space<vmem>>, vector<16xf32>,
          %sub3A_841 = vector.broadcast %add3A_253 : f32 to vector<16xf32>
          %sub3A_842 = arith.subf %get3A_837, %sub3A_841 : vector<16xf32>
          %max3A_843 = arith.constant 0.000000e+00 : f32
          %max3A_844 = vector.broadcast %max3A_843 : f32 to vector<16xf32>
          %max3A_845 = arith.maximumf %sub3A_842, %max3A_844 : vector<16xf32>
          %mul3A_846 = vector.broadcast %select_n3A_240 : f32 to vector<16xf32>
          %mul3A_847 = arith.mulf %mul3A_846, %max3A_845 : vector<16xf32>
          %add3A_848 = arith.addf %get3A_840, %mul3A_847 : vector<16xf32>
          %swap3A_849 = arith.index_cast %select_n3A_122 : i32 to index
          %swap3A_850 = arith.constant 464 : index
          %swap3A_851 = tpu.vector_load %arg7[%swap3A_849, %swap3A_850] {strides = array<i32>} : memref<64x640xf32, #tpu.memory_space<vmem>>, vector<16xf32>,
          tpu.vector_store %arg7[%swap3A_849, %swap3A_850], %add3A_848 {strides = array<i32>} : memref<64x640xf32, #tpu.memory_space<vmem>>, vector<16xf32>,
          %mul3A_852 = arith.constant 640 : i32
          %mul3A_853 = arith.muli %add3A_209, %mul3A_852 : i32
          %add3A_854 = arith.constant 480 : i32
          %add3A_855 = arith.addi %mul3A_853, %add3A_854 : i32
          %get3A_856 = arith.index_cast %add3A_855 : i32 to index
          %get3A_857 = tpu.vector_load %arg6[%get3A_856] {strides = array<i32>} : memref<25600xf32, #tpu.memory_space<vmem>>, vector<16xf32>,
          %get3A_858 = arith.index_cast %select_n3A_122 : i32 to index
          %get3A_859 = arith.constant 480 : index
          %get3A_860 = tpu.vector_load %arg7[%get3A_858, %get3A_859] {strides = array<i32>} : memref<64x640xf32, #tpu.memory_space<vmem>>, vector<16xf32>,
          %sub3A_861 = vector.broadcast %add3A_253 : f32 to vector<16xf32>
          %sub3A_862 = arith.subf %get3A_857, %sub3A_861 : vector<16xf32>
          %max3A_863 = arith.constant 0.000000e+00 : f32
          %max3A_864 = vector.broadcast %max3A_863 : f32 to vector<16xf32>
          %max3A_865 = arith.maximumf %sub3A_862, %max3A_864 : vector<16xf32>
          %mul3A_866 = vector.broadcast %select_n3A_240 : f32 to vector<16xf32>
          %mul3A_867 = arith.mulf %mul3A_866, %max3A_865 : vector<16xf32>
          %add3A_868 = arith.addf %get3A_860, %mul3A_867 : vector<16xf32>
          %swap3A_869 = arith.index_cast %select_n3A_122 : i32 to index
          %swap3A_870 = arith.constant 480 : index
          %swap3A_871 = tpu.vector_load %arg7[%swap3A_869, %swap3A_870] {strides = array<i32>} : memref<64x640xf32, #tpu.memory_space<vmem>>, vector<16xf32>,
          tpu.vector_store %arg7[%swap3A_869, %swap3A_870], %add3A_868 {strides = array<i32>} : memref<64x640xf32, #tpu.memory_space<vmem>>, vector<16xf32>,
          %mul3A_872 = arith.constant 640 : i32
          %mul3A_873 = arith.muli %add3A_209, %mul3A_872 : i32
          %add3A_874 = arith.constant 496 : i32
          %add3A_875 = arith.addi %mul3A_873, %add3A_874 : i32
          %get3A_876 = arith.index_cast %add3A_875 : i32 to index
          %get3A_877 = tpu.vector_load %arg6[%get3A_876] {strides = array<i32>} : memref<25600xf32, #tpu.memory_space<vmem>>, vector<16xf32>,
          %get3A_878 = arith.index_cast %select_n3A_122 : i32 to index
          %get3A_879 = arith.constant 496 : index
          %get3A_880 = tpu.vector_load %arg7[%get3A_878, %get3A_879] {strides = array<i32>} : memref<64x640xf32, #tpu.memory_space<vmem>>, vector<16xf32>,
          %sub3A_881 = vector.broadcast %add3A_253 : f32 to vector<16xf32>
          %sub3A_882 = arith.subf %get3A_877, %sub3A_881 : vector<16xf32>
          %max3A_883 = arith.constant 0.000000e+00 : f32
          %max3A_884 = vector.broadcast %max3A_883 : f32 to vector<16xf32>
          %max3A_885 = arith.maximumf %sub3A_882, %max3A_884 : vector<16xf32>
          %mul3A_886 = vector.broadcast %select_n3A_240 : f32 to vector<16xf32>
          %mul3A_887 = arith.mulf %mul3A_886, %max3A_885 : vector<16xf32>
          %add3A_888 = arith.addf %get3A_880, %mul3A_887 : vector<16xf32>
          %swap3A_889 = arith.index_cast %select_n3A_122 : i32 to index
          %swap3A_890 = arith.constant 496 : index
          %swap3A_891 = tpu.vector_load %arg7[%swap3A_889, %swap3A_890] {strides = array<i32>} : memref<64x640xf32, #tpu.memory_space<vmem>>, vector<16xf32>,
          tpu.vector_store %arg7[%swap3A_889, %swap3A_890], %add3A_888 {strides = array<i32>} : memref<64x640xf32, #tpu.memory_space<vmem>>, vector<16xf32>,
          %mul3A_892 = arith.constant 640 : i32
          %mul3A_893 = arith.muli %add3A_209, %mul3A_892 : i32
          %add3A_894 = arith.constant 512 : i32
          %add3A_895 = arith.addi %mul3A_893, %add3A_894 : i32
          %get3A_896 = arith.index_cast %add3A_895 : i32 to index
          %get3A_897 = tpu.vector_load %arg6[%get3A_896] {strides = array<i32>} : memref<25600xf32, #tpu.memory_space<vmem>>, vector<16xf32>,
          %get3A_898 = arith.index_cast %select_n3A_122 : i32 to index
          %get3A_899 = arith.constant 512 : index
          %get3A_900 = tpu.vector_load %arg7[%get3A_898, %get3A_899] {strides = array<i32>} : memref<64x640xf32, #tpu.memory_space<vmem>>, vector<16xf32>,
          %sub3A_901 = vector.broadcast %add3A_253 : f32 to vector<16xf32>
          %sub3A_902 = arith.subf %get3A_897, %sub3A_901 : vector<16xf32>
          %max3A_903 = arith.constant 0.000000e+00 : f32
          %max3A_904 = vector.broadcast %max3A_903 : f32 to vector<16xf32>
          %max3A_905 = arith.maximumf %sub3A_902, %max3A_904 : vector<16xf32>
          %mul3A_906 = vector.broadcast %select_n3A_240 : f32 to vector<16xf32>
          %mul3A_907 = arith.mulf %mul3A_906, %max3A_905 : vector<16xf32>
          %add3A_908 = arith.addf %get3A_900, %mul3A_907 : vector<16xf32>
          %swap3A_909 = arith.index_cast %select_n3A_122 : i32 to index
          %swap3A_910 = arith.constant 512 : index
          %swap3A_911 = tpu.vector_load %arg7[%swap3A_909, %swap3A_910] {strides = array<i32>} : memref<64x640xf32, #tpu.memory_space<vmem>>, vector<16xf32>,
          tpu.vector_store %arg7[%swap3A_909, %swap3A_910], %add3A_908 {strides = array<i32>} : memref<64x640xf32, #tpu.memory_space<vmem>>, vector<16xf32>,
          %mul3A_912 = arith.constant 640 : i32
          %mul3A_913 = arith.muli %add3A_209, %mul3A_912 : i32
          %add3A_914 = arith.constant 528 : i32
          %add3A_915 = arith.addi %mul3A_913, %add3A_914 : i32
          %get3A_916 = arith.index_cast %add3A_915 : i32 to index
          %get3A_917 = tpu.vector_load %arg6[%get3A_916] {strides = array<i32>} : memref<25600xf32, #tpu.memory_space<vmem>>, vector<16xf32>,
          %get3A_918 = arith.index_cast %select_n3A_122 : i32 to index
          %get3A_919 = arith.constant 528 : index
          %get3A_920 = tpu.vector_load %arg7[%get3A_918, %get3A_919] {strides = array<i32>} : memref<64x640xf32, #tpu.memory_space<vmem>>, vector<16xf32>,
          %sub3A_921 = vector.broadcast %add3A_253 : f32 to vector<16xf32>
          %sub3A_922 = arith.subf %get3A_917, %sub3A_921 : vector<16xf32>
          %max3A_923 = arith.constant 0.000000e+00 : f32
          %max3A_924 = vector.broadcast %max3A_923 : f32 to vector<16xf32>
          %max3A_925 = arith.maximumf %sub3A_922, %max3A_924 : vector<16xf32>
          %mul3A_926 = vector.broadcast %select_n3A_240 : f32 to vector<16xf32>
          %mul3A_927 = arith.mulf %mul3A_926, %max3A_925 : vector<16xf32>
          %add3A_928 = arith.addf %get3A_920, %mul3A_927 : vector<16xf32>
          %swap3A_929 = arith.index_cast %select_n3A_122 : i32 to index
          %swap3A_930 = arith.constant 528 : index
          %swap3A_931 = tpu.vector_load %arg7[%swap3A_929, %swap3A_930] {strides = array<i32>} : memref<64x640xf32, #tpu.memory_space<vmem>>, vector<16xf32>,
          tpu.vector_store %arg7[%swap3A_929, %swap3A_930], %add3A_928 {strides = array<i32>} : memref<64x640xf32, #tpu.memory_space<vmem>>, vector<16xf32>,
          %mul3A_932 = arith.constant 640 : i32
          %mul3A_933 = arith.muli %add3A_209, %mul3A_932 : i32
          %add3A_934 = arith.constant 544 : i32
          %add3A_935 = arith.addi %mul3A_933, %add3A_934 : i32
          %get3A_936 = arith.index_cast %add3A_935 : i32 to index
          %get3A_937 = tpu.vector_load %arg6[%get3A_936] {strides = array<i32>} : memref<25600xf32, #tpu.memory_space<vmem>>, vector<16xf32>,
          %get3A_938 = arith.index_cast %select_n3A_122 : i32 to index
          %get3A_939 = arith.constant 544 : index
          %get3A_940 = tpu.vector_load %arg7[%get3A_938, %get3A_939] {strides = array<i32>} : memref<64x640xf32, #tpu.memory_space<vmem>>, vector<16xf32>,
          %sub3A_941 = vector.broadcast %add3A_253 : f32 to vector<16xf32>
          %sub3A_942 = arith.subf %get3A_937, %sub3A_941 : vector<16xf32>
          %max3A_943 = arith.constant 0.000000e+00 : f32
          %max3A_944 = vector.broadcast %max3A_943 : f32 to vector<16xf32>
          %max3A_945 = arith.maximumf %sub3A_942, %max3A_944 : vector<16xf32>
          %mul3A_946 = vector.broadcast %select_n3A_240 : f32 to vector<16xf32>
          %mul3A_947 = arith.mulf %mul3A_946, %max3A_945 : vector<16xf32>
          %add3A_948 = arith.addf %get3A_940, %mul3A_947 : vector<16xf32>
          %swap3A_949 = arith.index_cast %select_n3A_122 : i32 to index
          %swap3A_950 = arith.constant 544 : index
          %swap3A_951 = tpu.vector_load %arg7[%swap3A_949, %swap3A_950] {strides = array<i32>} : memref<64x640xf32, #tpu.memory_space<vmem>>, vector<16xf32>,
          tpu.vector_store %arg7[%swap3A_949, %swap3A_950], %add3A_948 {strides = array<i32>} : memref<64x640xf32, #tpu.memory_space<vmem>>, vector<16xf32>,
          %mul3A_952 = arith.constant 640 : i32
          %mul3A_953 = arith.muli %add3A_209, %mul3A_952 : i32
          %add3A_954 = arith.constant 560 : i32
          %add3A_955 = arith.addi %mul3A_953, %add3A_954 : i32
          %get3A_956 = arith.index_cast %add3A_955 : i32 to index
          %get3A_957 = tpu.vector_load %arg6[%get3A_956] {strides = array<i32>} : memref<25600xf32, #tpu.memory_space<vmem>>, vector<16xf32>,
          %get3A_958 = arith.index_cast %select_n3A_122 : i32 to index
          %get3A_959 = arith.constant 560 : index
          %get3A_960 = tpu.vector_load %arg7[%get3A_958, %get3A_959] {strides = array<i32>} : memref<64x640xf32, #tpu.memory_space<vmem>>, vector<16xf32>,
          %sub3A_961 = vector.broadcast %add3A_253 : f32 to vector<16xf32>
          %sub3A_962 = arith.subf %get3A_957, %sub3A_961 : vector<16xf32>
          %max3A_963 = arith.constant 0.000000e+00 : f32
          %max3A_964 = vector.broadcast %max3A_963 : f32 to vector<16xf32>
          %max3A_965 = arith.maximumf %sub3A_962, %max3A_964 : vector<16xf32>
          %mul3A_966 = vector.broadcast %select_n3A_240 : f32 to vector<16xf32>
          %mul3A_967 = arith.mulf %mul3A_966, %max3A_965 : vector<16xf32>
          %add3A_968 = arith.addf %get3A_960, %mul3A_967 : vector<16xf32>
          %swap3A_969 = arith.index_cast %select_n3A_122 : i32 to index
          %swap3A_970 = arith.constant 560 : index
          %swap3A_971 = tpu.vector_load %arg7[%swap3A_969, %swap3A_970] {strides = array<i32>} : memref<64x640xf32, #tpu.memory_space<vmem>>, vector<16xf32>,
          tpu.vector_store %arg7[%swap3A_969, %swap3A_970], %add3A_968 {strides = array<i32>} : memref<64x640xf32, #tpu.memory_space<vmem>>, vector<16xf32>,
          %mul3A_972 = arith.constant 640 : i32
          %mul3A_973 = arith.muli %add3A_209, %mul3A_972 : i32
          %add3A_974 = arith.constant 576 : i32
          %add3A_975 = arith.addi %mul3A_973, %add3A_974 : i32
          %get3A_976 = arith.index_cast %add3A_975 : i32 to index
          %get3A_977 = tpu.vector_load %arg6[%get3A_976] {strides = array<i32>} : memref<25600xf32, #tpu.memory_space<vmem>>, vector<16xf32>,
          %get3A_978 = arith.index_cast %select_n3A_122 : i32 to index
          %get3A_979 = arith.constant 576 : index
          %get3A_980 = tpu.vector_load %arg7[%get3A_978, %get3A_979] {strides = array<i32>} : memref<64x640xf32, #tpu.memory_space<vmem>>, vector<16xf32>,
          %sub3A_981 = vector.broadcast %add3A_253 : f32 to vector<16xf32>
          %sub3A_982 = arith.subf %get3A_977, %sub3A_981 : vector<16xf32>
          %max3A_983 = arith.constant 0.000000e+00 : f32
          %max3A_984 = vector.broadcast %max3A_983 : f32 to vector<16xf32>
          %max3A_985 = arith.maximumf %sub3A_982, %max3A_984 : vector<16xf32>
          %mul3A_986 = vector.broadcast %select_n3A_240 : f32 to vector<16xf32>
          %mul3A_987 = arith.mulf %mul3A_986, %max3A_985 : vector<16xf32>
          %add3A_988 = arith.addf %get3A_980, %mul3A_987 : vector<16xf32>
          %swap3A_989 = arith.index_cast %select_n3A_122 : i32 to index
          %swap3A_990 = arith.constant 576 : index
          %swap3A_991 = tpu.vector_load %arg7[%swap3A_989, %swap3A_990] {strides = array<i32>} : memref<64x640xf32, #tpu.memory_space<vmem>>, vector<16xf32>,
          tpu.vector_store %arg7[%swap3A_989, %swap3A_990], %add3A_988 {strides = array<i32>} : memref<64x640xf32, #tpu.memory_space<vmem>>, vector<16xf32>,
          %mul3A_992 = arith.constant 640 : i32
          %mul3A_993 = arith.muli %add3A_209, %mul3A_992 : i32
          %add3A_994 = arith.constant 592 : i32
          %add3A_995 = arith.addi %mul3A_993, %add3A_994 : i32
          %get3A_996 = arith.index_cast %add3A_995 : i32 to index
          %get3A_997 = tpu.vector_load %arg6[%get3A_996] {strides = array<i32>} : memref<25600xf32, #tpu.memory_space<vmem>>, vector<16xf32>,
          %get3A_998 = arith.index_cast %select_n3A_122 : i32 to index
          %get3A_999 = arith.constant 592 : index
          %get3A_1000 = tpu.vector_load %arg7[%get3A_998, %get3A_999] {strides = array<i32>} : memref<64x640xf32, #tpu.memory_space<vmem>>, vector<16xf32>,
          %sub3A_1001 = vector.broadcast %add3A_253 : f32 to vector<16xf32>
          %sub3A_1002 = arith.subf %get3A_997, %sub3A_1001 : vector<16xf32>
          %max3A_1003 = arith.constant 0.000000e+00 : f32
          %max3A_1004 = vector.broadcast %max3A_1003 : f32 to vector<16xf32>
          %max3A_1005 = arith.maximumf %sub3A_1002, %max3A_1004 : vector<16xf32>
          %mul3A_1006 = vector.broadcast %select_n3A_240 : f32 to vector<16xf32>
          %mul3A_1007 = arith.mulf %mul3A_1006, %max3A_1005 : vector<16xf32>
          %add3A_1008 = arith.addf %get3A_1000, %mul3A_1007 : vector<16xf32>
          %swap3A_1009 = arith.index_cast %select_n3A_122 : i32 to index
          %swap3A_1010 = arith.constant 592 : index
          %swap3A_1011 = tpu.vector_load %arg7[%swap3A_1009, %swap3A_1010] {strides = array<i32>} : memref<64x640xf32, #tpu.memory_space<vmem>>, vector<16xf32>,
          tpu.vector_store %arg7[%swap3A_1009, %swap3A_1010], %add3A_1008 {strides = array<i32>} : memref<64x640xf32, #tpu.memory_space<vmem>>, vector<16xf32>,
          %mul3A_1012 = arith.constant 640 : i32
          %mul3A_1013 = arith.muli %add3A_209, %mul3A_1012 : i32
          %add3A_1014 = arith.constant 608 : i32
          %add3A_1015 = arith.addi %mul3A_1013, %add3A_1014 : i32
          %get3A_1016 = arith.index_cast %add3A_1015 : i32 to index
          %get3A_1017 = tpu.vector_load %arg6[%get3A_1016] {strides = array<i32>} : memref<25600xf32, #tpu.memory_space<vmem>>, vector<16xf32>,
          %get3A_1018 = arith.index_cast %select_n3A_122 : i32 to index
          %get3A_1019 = arith.constant 608 : index
          %get3A_1020 = tpu.vector_load %arg7[%get3A_1018, %get3A_1019] {strides = array<i32>} : memref<64x640xf32, #tpu.memory_space<vmem>>, vector<16xf32>,
          %sub3A_1021 = vector.broadcast %add3A_253 : f32 to vector<16xf32>
          %sub3A_1022 = arith.subf %get3A_1017, %sub3A_1021 : vector<16xf32>
          %max3A_1023 = arith.constant 0.000000e+00 : f32
          %max3A_1024 = vector.broadcast %max3A_1023 : f32 to vector<16xf32>
          %max3A_1025 = arith.maximumf %sub3A_1022, %max3A_1024 : vector<16xf32>
          %mul3A_1026 = vector.broadcast %select_n3A_240 : f32 to vector<16xf32>
          %mul3A_1027 = arith.mulf %mul3A_1026, %max3A_1025 : vector<16xf32>
          %add3A_1028 = arith.addf %get3A_1020, %mul3A_1027 : vector<16xf32>
          %swap3A_1029 = arith.index_cast %select_n3A_122 : i32 to index
          %swap3A_1030 = arith.constant 608 : index
          %swap3A_1031 = tpu.vector_load %arg7[%swap3A_1029, %swap3A_1030] {strides = array<i32>} : memref<64x640xf32, #tpu.memory_space<vmem>>, vector<16xf32>,
          tpu.vector_store %arg7[%swap3A_1029, %swap3A_1030], %add3A_1028 {strides = array<i32>} : memref<64x640xf32, #tpu.memory_space<vmem>>, vector<16xf32>,
          %mul3A_1032 = arith.constant 640 : i32
          %mul3A_1033 = arith.muli %add3A_209, %mul3A_1032 : i32
          %add3A_1034 = arith.constant 624 : i32
          %add3A_1035 = arith.addi %mul3A_1033, %add3A_1034 : i32
          %get3A_1036 = arith.index_cast %add3A_1035 : i32 to index
          %get3A_1037 = tpu.vector_load %arg6[%get3A_1036] {strides = array<i32>} : memref<25600xf32, #tpu.memory_space<vmem>>, vector<16xf32>,
          %get3A_1038 = arith.index_cast %select_n3A_122 : i32 to index
          %get3A_1039 = arith.constant 624 : index
          %get3A_1040 = tpu.vector_load %arg7[%get3A_1038, %get3A_1039] {strides = array<i32>} : memref<64x640xf32, #tpu.memory_space<vmem>>, vector<16xf32>,
          %sub3A_1041 = vector.broadcast %add3A_253 : f32 to vector<16xf32>
          %sub3A_1042 = arith.subf %get3A_1037, %sub3A_1041 : vector<16xf32>
          %max3A_1043 = arith.constant 0.000000e+00 : f32
          %max3A_1044 = vector.broadcast %max3A_1043 : f32 to vector<16xf32>
          %max3A_1045 = arith.maximumf %sub3A_1042, %max3A_1044 : vector<16xf32>
          %mul3A_1046 = vector.broadcast %select_n3A_240 : f32 to vector<16xf32>
          %mul3A_1047 = arith.mulf %mul3A_1046, %max3A_1045 : vector<16xf32>
          %add3A_1048 = arith.addf %get3A_1040, %mul3A_1047 : vector<16xf32>
          %swap3A_1049 = arith.index_cast %select_n3A_122 : i32 to index
          %swap3A_1050 = arith.constant 624 : index
          %swap3A_1051 = tpu.vector_load %arg7[%swap3A_1049, %swap3A_1050] {strides = array<i32>} : memref<64x640xf32, #tpu.memory_space<vmem>>, vector<16xf32>,
          tpu.vector_store %arg7[%swap3A_1049, %swap3A_1050], %add3A_1048 {strides = array<i32>} : memref<64x640xf32, #tpu.memory_space<vmem>>, vector<16xf32>,
          %eq3A_1052 = vector.broadcast %squeeze3A_208 : i32 to vector<16xi32>
          %eq3A_1053 = arith.cmpi eq, %iota3A, %eq3A_1052 : vector<16xi32>
          %jit3A_1054 = arith.constant 0 : i32
          %broadcast_in_dim3A_1055 = vector.broadcast %jit3A_1054 : i32 to vector<16xi32>
          %select_n3A_1056 = arith.select %eq3A_1053, %broadcast_in_dim3A_1055, %while3A_203 : vector<16xi1>, vector<16xi32>
          scf.yield %select_n3A_1056 : vector<16xi32>
        }
        %while3A_200 = arith.constant 1 : i32
        %while3A_201 = scf.for %while3A_202 = %while3A_197 to %while3A_193 step %while3A_200 iter_args(%while3A_203 = %while3A_199) -> (vector<16xi32>)  : i32 {
          %gt3A_204 = arith.constant 0 : i32
          %gt3A_205 = vector.broadcast %gt3A_204 : i32 to vector<16xi32>
          %gt3A_206 = arith.cmpi sgt, %while3A_203, %gt3A_205 : vector<16xi32>
          %all_reduce_ffs3A = tpu.all_reduce %gt3A_206 {dim = 0 : i64, kind = #tpu.reduction_kind<find_first_set>} : vector<16xi1> -> vector<16xi32>
          %slice3A_207 = vector.extract_strided_slice %all_reduce_ffs3A {offsets = [0], sizes = [1], strides = [1]} : vector<16xi32> to vector<1xi32>
          %squeeze3A_208 = vector.extract %slice3A_207[0] : i32 from vector<1xi32>
          %add3A_209 = arith.addi %sub3A_167, %squeeze3A_208 : i32
          %jit3A_210 = arith.constant 2 : i32
          %eq3A_211 = arith.constant 0 : i32
          %eq3A_212 = arith.cmpi eq, %jit3A_210, %eq3A_211 : i32
          %jit3A_213 = arith.constant 1 : i32
          %select_n3A_214 = arith.select %eq3A_212, %jit3A_213, %jit3A_210 : i32
          %rem3A_215 = arith.remsi %squeeze3A_208, %select_n3A_214 : i32
          %ne3A_216 = arith.constant 0 : i32
          %ne3A_217 = arith.cmpi ne, %rem3A_215, %ne3A_216 : i32
          %lt3A_218 = arith.constant 0 : i32
          %lt3A_219 = arith.cmpi slt, %rem3A_215, %lt3A_218 : i32
          %lt3A_220 = arith.constant 0 : i32
          %lt3A_221 = arith.cmpi slt, %select_n3A_214, %lt3A_220 : i32
          %ne3A_222 = arith.xori %lt3A_219, %lt3A_221 : i1
          %and3A_223 = arith.andi %ne3A_222, %ne3A_217 : i1
          %add3A_224 = arith.addi %rem3A_215, %select_n3A_214 : i32
          %select_n3A_225 = arith.select %and3A_223, %add3A_224, %rem3A_215 : i32
          %eq3A_226 = arith.constant 0 : i32
          %eq3A_227 = arith.cmpi eq, %select_n3A_225, %eq3A_226 : i32
          %jit3A_228 = arith.constant -1.500000e+01 : f32
          %jit3A_229 = arith.constant -3.000000e+01 : f32
          %select_n3A_230 = arith.select %eq3A_227, %jit3A_228, %jit3A_229 : f32
          %eq3A_231 = arith.constant 0 : i32
          %eq3A_232 = arith.cmpi eq, %select_n3A_225, %eq3A_231 : i32
          %jit3A_233 = arith.constant 3.000000e+01 : f32
          %jit3A_234 = arith.constant 6.000000e+01 : f32
          %select_n3A_235 = arith.select %eq3A_232, %jit3A_233, %jit3A_234 : f32
          %eq3A_236 = arith.constant 0 : i32
          %eq3A_237 = arith.cmpi eq, %select_n3A_225, %eq3A_236 : i32
          %jit3A_238 = arith.constant 0.0666666701 : f32
          %jit3A_239 = arith.constant 0.0333333351 : f32
          %select_n3A_240 = arith.select %eq3A_237, %jit3A_238, %jit3A_239 : f32
          %lt3A_241 = arith.constant 0 : i32
          %lt3A_242 = vector.broadcast %lt3A_241 : i32 to vector<16xi32>
          %lt3A_243 = arith.cmpi slt, %all_reduce_ffs3A, %lt3A_242 : vector<16xi32>
          %add3A_244 = arith.constant 16 : i32
          %add3A_245 = vector.broadcast %add3A_244 : i32 to vector<16xi32>
          %add3A_246 = arith.addi %all_reduce_ffs3A, %add3A_245 : vector<16xi32>
          %select_n3A_247 = arith.select %lt3A_243, %add3A_246, %all_reduce_ffs3A : vector<16xi1>, vector<16xi32>
          %broadcast_in_dim3A_248 = vector.shape_cast %select_n3A_247 : vector<16xi32> to vector<16x1xi32>
          %gather3A = vector.shape_cast %broadcast_in_dim3A_248 : vector<16x1xi32> to vector<16xi32>
          %gather3A_249 = tpu.dynamic_gather %get3A_171[%gather3A] in [0] : vector<16xf32>, vector<16xi32> -> vector<16xf32>
          %slice3A_250 = vector.extract_strided_slice %gather3A_249 {offsets = [0], sizes = [1], strides = [1]} : vector<16xf32> to vector<1xf32>
          %squeeze3A_251 = vector.extract %slice3A_250[0] : f32 from vector<1xf32>
          %mul3A_252 = arith.mulf %select_n3A_235, %squeeze3A_251 : f32
          %add3A_253 = arith.addf %select_n3A_230, %mul3A_252 : f32
          %mul3A_254 = arith.constant 640 : i32
          %mul3A_255 = arith.muli %add3A_209, %mul3A_254 : i32
          %add3A_256 = arith.constant 0 : i32
          %add3A_257 = arith.addi %mul3A_255, %add3A_256 : i32
          %get3A_258 = arith.index_cast %add3A_257 : i32 to index
          %get3A_259 = tpu.vector_load %arg6[%get3A_258] {strides = array<i32>} : memref<25600xf32, #tpu.memory_space<vmem>>, vector<16xf32>,
          %get3A_260 = arith.index_cast %select_n3A_122 : i32 to index
          %get3A_261 = arith.constant 0 : index
          %get3A_262 = tpu.vector_load %arg7[%get3A_260, %get3A_261] {strides = array<i32>} : memref<64x640xf32, #tpu.memory_space<vmem>>, vector<16xf32>,
          %sub3A_263 = vector.broadcast %add3A_253 : f32 to vector<16xf32>
          %sub3A_264 = arith.subf %get3A_259, %sub3A_263 : vector<16xf32>
          %max3A = arith.constant 0.000000e+00 : f32
          %max3A_265 = vector.broadcast %max3A : f32 to vector<16xf32>
          %max3A_266 = arith.maximumf %sub3A_264, %max3A_265 : vector<16xf32>
          %mul3A_267 = vector.broadcast %select_n3A_240 : f32 to vector<16xf32>
          %mul3A_268 = arith.mulf %mul3A_267, %max3A_266 : vector<16xf32>
          %add3A_269 = arith.addf %get3A_262, %mul3A_268 : vector<16xf32>
          %swap3A = arith.index_cast %select_n3A_122 : i32 to index
          %swap3A_270 = arith.constant 0 : index
          %swap3A_271 = tpu.vector_load %arg7[%swap3A, %swap3A_270] {strides = array<i32>} : memref<64x640xf32, #tpu.memory_space<vmem>>, vector<16xf32>,
          tpu.vector_store %arg7[%swap3A, %swap3A_270], %add3A_269 {strides = array<i32>} : memref<64x640xf32, #tpu.memory_space<vmem>>, vector<16xf32>,
          %mul3A_272 = arith.constant 640 : i32
          %mul3A_273 = arith.muli %add3A_209, %mul3A_272 : i32
          %add3A_274 = arith.constant 16 : i32
          %add3A_275 = arith.addi %mul3A_273, %add3A_274 : i32
          %get3A_276 = arith.index_cast %add3A_275 : i32 to index
          %get3A_277 = tpu.vector_load %arg6[%get3A_276] {strides = array<i32>} : memref<25600xf32, #tpu.memory_space<vmem>>, vector<16xf32>,
          %get3A_278 = arith.index_cast %select_n3A_122 : i32 to index
          %get3A_279 = arith.constant 16 : index
          %get3A_280 = tpu.vector_load %arg7[%get3A_278, %get3A_279] {strides = array<i32>} : memref<64x640xf32, #tpu.memory_space<vmem>>, vector<16xf32>,
          %sub3A_281 = vector.broadcast %add3A_253 : f32 to vector<16xf32>
          %sub3A_282 = arith.subf %get3A_277, %sub3A_281 : vector<16xf32>
          %max3A_283 = arith.constant 0.000000e+00 : f32
          %max3A_284 = vector.broadcast %max3A_283 : f32 to vector<16xf32>
          %max3A_285 = arith.maximumf %sub3A_282, %max3A_284 : vector<16xf32>
          %mul3A_286 = vector.broadcast %select_n3A_240 : f32 to vector<16xf32>
          %mul3A_287 = arith.mulf %mul3A_286, %max3A_285 : vector<16xf32>
          %add3A_288 = arith.addf %get3A_280, %mul3A_287 : vector<16xf32>
          %swap3A_289 = arith.index_cast %select_n3A_122 : i32 to index
          %swap3A_290 = arith.constant 16 : index
          %swap3A_291 = tpu.vector_load %arg7[%swap3A_289, %swap3A_290] {strides = array<i32>} : memref<64x640xf32, #tpu.memory_space<vmem>>, vector<16xf32>,
          tpu.vector_store %arg7[%swap3A_289, %swap3A_290], %add3A_288 {strides = array<i32>} : memref<64x640xf32, #tpu.memory_space<vmem>>, vector<16xf32>,
          %mul3A_292 = arith.constant 640 : i32
          %mul3A_293 = arith.muli %add3A_209, %mul3A_292 : i32
          %add3A_294 = arith.constant 32 : i32
          %add3A_295 = arith.addi %mul3A_293, %add3A_294 : i32
          %get3A_296 = arith.index_cast %add3A_295 : i32 to index
          %get3A_297 = tpu.vector_load %arg6[%get3A_296] {strides = array<i32>} : memref<25600xf32, #tpu.memory_space<vmem>>, vector<16xf32>,
          %get3A_298 = arith.index_cast %select_n3A_122 : i32 to index
          %get3A_299 = arith.constant 32 : index
          %get3A_300 = tpu.vector_load %arg7[%get3A_298, %get3A_299] {strides = array<i32>} : memref<64x640xf32, #tpu.memory_space<vmem>>, vector<16xf32>,
          %sub3A_301 = vector.broadcast %add3A_253 : f32 to vector<16xf32>
          %sub3A_302 = arith.subf %get3A_297, %sub3A_301 : vector<16xf32>
          %max3A_303 = arith.constant 0.000000e+00 : f32
          %max3A_304 = vector.broadcast %max3A_303 : f32 to vector<16xf32>
          %max3A_305 = arith.maximumf %sub3A_302, %max3A_304 : vector<16xf32>
          %mul3A_306 = vector.broadcast %select_n3A_240 : f32 to vector<16xf32>
          %mul3A_307 = arith.mulf %mul3A_306, %max3A_305 : vector<16xf32>
          %add3A_308 = arith.addf %get3A_300, %mul3A_307 : vector<16xf32>
          %swap3A_309 = arith.index_cast %select_n3A_122 : i32 to index
          %swap3A_310 = arith.constant 32 : index
          %swap3A_311 = tpu.vector_load %arg7[%swap3A_309, %swap3A_310] {strides = array<i32>} : memref<64x640xf32, #tpu.memory_space<vmem>>, vector<16xf32>,
          tpu.vector_store %arg7[%swap3A_309, %swap3A_310], %add3A_308 {strides = array<i32>} : memref<64x640xf32, #tpu.memory_space<vmem>>, vector<16xf32>,
          %mul3A_312 = arith.constant 640 : i32
          %mul3A_313 = arith.muli %add3A_209, %mul3A_312 : i32
          %add3A_314 = arith.constant 48 : i32
          %add3A_315 = arith.addi %mul3A_313, %add3A_314 : i32
          %get3A_316 = arith.index_cast %add3A_315 : i32 to index
          %get3A_317 = tpu.vector_load %arg6[%get3A_316] {strides = array<i32>} : memref<25600xf32, #tpu.memory_space<vmem>>, vector<16xf32>,
          %get3A_318 = arith.index_cast %select_n3A_122 : i32 to index
          %get3A_319 = arith.constant 48 : index
          %get3A_320 = tpu.vector_load %arg7[%get3A_318, %get3A_319] {strides = array<i32>} : memref<64x640xf32, #tpu.memory_space<vmem>>, vector<16xf32>,
          %sub3A_321 = vector.broadcast %add3A_253 : f32 to vector<16xf32>
          %sub3A_322 = arith.subf %get3A_317, %sub3A_321 : vector<16xf32>
          %max3A_323 = arith.constant 0.000000e+00 : f32
          %max3A_324 = vector.broadcast %max3A_323 : f32 to vector<16xf32>
          %max3A_325 = arith.maximumf %sub3A_322, %max3A_324 : vector<16xf32>
          %mul3A_326 = vector.broadcast %select_n3A_240 : f32 to vector<16xf32>
          %mul3A_327 = arith.mulf %mul3A_326, %max3A_325 : vector<16xf32>
          %add3A_328 = arith.addf %get3A_320, %mul3A_327 : vector<16xf32>
          %swap3A_329 = arith.index_cast %select_n3A_122 : i32 to index
          %swap3A_330 = arith.constant 48 : index
          %swap3A_331 = tpu.vector_load %arg7[%swap3A_329, %swap3A_330] {strides = array<i32>} : memref<64x640xf32, #tpu.memory_space<vmem>>, vector<16xf32>,
          tpu.vector_store %arg7[%swap3A_329, %swap3A_330], %add3A_328 {strides = array<i32>} : memref<64x640xf32, #tpu.memory_space<vmem>>, vector<16xf32>,
          %mul3A_332 = arith.constant 640 : i32
          %mul3A_333 = arith.muli %add3A_209, %mul3A_332 : i32
          %add3A_334 = arith.constant 64 : i32
          %add3A_335 = arith.addi %mul3A_333, %add3A_334 : i32
          %get3A_336 = arith.index_cast %add3A_335 : i32 to index
          %get3A_337 = tpu.vector_load %arg6[%get3A_336] {strides = array<i32>} : memref<25600xf32, #tpu.memory_space<vmem>>, vector<16xf32>,
          %get3A_338 = arith.index_cast %select_n3A_122 : i32 to index
          %get3A_339 = arith.constant 64 : index
          %get3A_340 = tpu.vector_load %arg7[%get3A_338, %get3A_339] {strides = array<i32>} : memref<64x640xf32, #tpu.memory_space<vmem>>, vector<16xf32>,
          %sub3A_341 = vector.broadcast %add3A_253 : f32 to vector<16xf32>
          %sub3A_342 = arith.subf %get3A_337, %sub3A_341 : vector<16xf32>
          %max3A_343 = arith.constant 0.000000e+00 : f32
          %max3A_344 = vector.broadcast %max3A_343 : f32 to vector<16xf32>
          %max3A_345 = arith.maximumf %sub3A_342, %max3A_344 : vector<16xf32>
          %mul3A_346 = vector.broadcast %select_n3A_240 : f32 to vector<16xf32>
          %mul3A_347 = arith.mulf %mul3A_346, %max3A_345 : vector<16xf32>
          %add3A_348 = arith.addf %get3A_340, %mul3A_347 : vector<16xf32>
          %swap3A_349 = arith.index_cast %select_n3A_122 : i32 to index
          %swap3A_350 = arith.constant 64 : index
          %swap3A_351 = tpu.vector_load %arg7[%swap3A_349, %swap3A_350] {strides = array<i32>} : memref<64x640xf32, #tpu.memory_space<vmem>>, vector<16xf32>,
          tpu.vector_store %arg7[%swap3A_349, %swap3A_350], %add3A_348 {strides = array<i32>} : memref<64x640xf32, #tpu.memory_space<vmem>>, vector<16xf32>,
          %mul3A_352 = arith.constant 640 : i32
          %mul3A_353 = arith.muli %add3A_209, %mul3A_352 : i32
          %add3A_354 = arith.constant 80 : i32
          %add3A_355 = arith.addi %mul3A_353, %add3A_354 : i32
          %get3A_356 = arith.index_cast %add3A_355 : i32 to index
          %get3A_357 = tpu.vector_load %arg6[%get3A_356] {strides = array<i32>} : memref<25600xf32, #tpu.memory_space<vmem>>, vector<16xf32>,
          %get3A_358 = arith.index_cast %select_n3A_122 : i32 to index
          %get3A_359 = arith.constant 80 : index
          %get3A_360 = tpu.vector_load %arg7[%get3A_358, %get3A_359] {strides = array<i32>} : memref<64x640xf32, #tpu.memory_space<vmem>>, vector<16xf32>,
          %sub3A_361 = vector.broadcast %add3A_253 : f32 to vector<16xf32>
          %sub3A_362 = arith.subf %get3A_357, %sub3A_361 : vector<16xf32>
          %max3A_363 = arith.constant 0.000000e+00 : f32
          %max3A_364 = vector.broadcast %max3A_363 : f32 to vector<16xf32>
          %max3A_365 = arith.maximumf %sub3A_362, %max3A_364 : vector<16xf32>
          %mul3A_366 = vector.broadcast %select_n3A_240 : f32 to vector<16xf32>
          %mul3A_367 = arith.mulf %mul3A_366, %max3A_365 : vector<16xf32>
          %add3A_368 = arith.addf %get3A_360, %mul3A_367 : vector<16xf32>
          %swap3A_369 = arith.index_cast %select_n3A_122 : i32 to index
          %swap3A_370 = arith.constant 80 : index
          %swap3A_371 = tpu.vector_load %arg7[%swap3A_369, %swap3A_370] {strides = array<i32>} : memref<64x640xf32, #tpu.memory_space<vmem>>, vector<16xf32>,
          tpu.vector_store %arg7[%swap3A_369, %swap3A_370], %add3A_368 {strides = array<i32>} : memref<64x640xf32, #tpu.memory_space<vmem>>, vector<16xf32>,
          %mul3A_372 = arith.constant 640 : i32
          %mul3A_373 = arith.muli %add3A_209, %mul3A_372 : i32
          %add3A_374 = arith.constant 96 : i32
          %add3A_375 = arith.addi %mul3A_373, %add3A_374 : i32
          %get3A_376 = arith.index_cast %add3A_375 : i32 to index
          %get3A_377 = tpu.vector_load %arg6[%get3A_376] {strides = array<i32>} : memref<25600xf32, #tpu.memory_space<vmem>>, vector<16xf32>,
          %get3A_378 = arith.index_cast %select_n3A_122 : i32 to index
          %get3A_379 = arith.constant 96 : index
          %get3A_380 = tpu.vector_load %arg7[%get3A_378, %get3A_379] {strides = array<i32>} : memref<64x640xf32, #tpu.memory_space<vmem>>, vector<16xf32>,
          %sub3A_381 = vector.broadcast %add3A_253 : f32 to vector<16xf32>
          %sub3A_382 = arith.subf %get3A_377, %sub3A_381 : vector<16xf32>
          %max3A_383 = arith.constant 0.000000e+00 : f32
          %max3A_384 = vector.broadcast %max3A_383 : f32 to vector<16xf32>
          %max3A_385 = arith.maximumf %sub3A_382, %max3A_384 : vector<16xf32>
          %mul3A_386 = vector.broadcast %select_n3A_240 : f32 to vector<16xf32>
          %mul3A_387 = arith.mulf %mul3A_386, %max3A_385 : vector<16xf32>
          %add3A_388 = arith.addf %get3A_380, %mul3A_387 : vector<16xf32>
          %swap3A_389 = arith.index_cast %select_n3A_122 : i32 to index
          %swap3A_390 = arith.constant 96 : index
          %swap3A_391 = tpu.vector_load %arg7[%swap3A_389, %swap3A_390] {strides = array<i32>} : memref<64x640xf32, #tpu.memory_space<vmem>>, vector<16xf32>,
          tpu.vector_store %arg7[%swap3A_389, %swap3A_390], %add3A_388 {strides = array<i32>} : memref<64x640xf32, #tpu.memory_space<vmem>>, vector<16xf32>,
          %mul3A_392 = arith.constant 640 : i32
          %mul3A_393 = arith.muli %add3A_209, %mul3A_392 : i32
          %add3A_394 = arith.constant 112 : i32
          %add3A_395 = arith.addi %mul3A_393, %add3A_394 : i32
          %get3A_396 = arith.index_cast %add3A_395 : i32 to index
          %get3A_397 = tpu.vector_load %arg6[%get3A_396] {strides = array<i32>} : memref<25600xf32, #tpu.memory_space<vmem>>, vector<16xf32>,
          %get3A_398 = arith.index_cast %select_n3A_122 : i32 to index
          %get3A_399 = arith.constant 112 : index
          %get3A_400 = tpu.vector_load %arg7[%get3A_398, %get3A_399] {strides = array<i32>} : memref<64x640xf32, #tpu.memory_space<vmem>>, vector<16xf32>,
          %sub3A_401 = vector.broadcast %add3A_253 : f32 to vector<16xf32>
          %sub3A_402 = arith.subf %get3A_397, %sub3A_401 : vector<16xf32>
          %max3A_403 = arith.constant 0.000000e+00 : f32
          %max3A_404 = vector.broadcast %max3A_403 : f32 to vector<16xf32>
          %max3A_405 = arith.maximumf %sub3A_402, %max3A_404 : vector<16xf32>
          %mul3A_406 = vector.broadcast %select_n3A_240 : f32 to vector<16xf32>
          %mul3A_407 = arith.mulf %mul3A_406, %max3A_405 : vector<16xf32>
          %add3A_408 = arith.addf %get3A_400, %mul3A_407 : vector<16xf32>
          %swap3A_409 = arith.index_cast %select_n3A_122 : i32 to index
          %swap3A_410 = arith.constant 112 : index
          %swap3A_411 = tpu.vector_load %arg7[%swap3A_409, %swap3A_410] {strides = array<i32>} : memref<64x640xf32, #tpu.memory_space<vmem>>, vector<16xf32>,
          tpu.vector_store %arg7[%swap3A_409, %swap3A_410], %add3A_408 {strides = array<i32>} : memref<64x640xf32, #tpu.memory_space<vmem>>, vector<16xf32>,
          %mul3A_412 = arith.constant 640 : i32
          %mul3A_413 = arith.muli %add3A_209, %mul3A_412 : i32
          %add3A_414 = arith.constant 128 : i32
          %add3A_415 = arith.addi %mul3A_413, %add3A_414 : i32
          %get3A_416 = arith.index_cast %add3A_415 : i32 to index
          %get3A_417 = tpu.vector_load %arg6[%get3A_416] {strides = array<i32>} : memref<25600xf32, #tpu.memory_space<vmem>>, vector<16xf32>,
          %get3A_418 = arith.index_cast %select_n3A_122 : i32 to index
          %get3A_419 = arith.constant 128 : index
          %get3A_420 = tpu.vector_load %arg7[%get3A_418, %get3A_419] {strides = array<i32>} : memref<64x640xf32, #tpu.memory_space<vmem>>, vector<16xf32>,
          %sub3A_421 = vector.broadcast %add3A_253 : f32 to vector<16xf32>
          %sub3A_422 = arith.subf %get3A_417, %sub3A_421 : vector<16xf32>
          %max3A_423 = arith.constant 0.000000e+00 : f32
          %max3A_424 = vector.broadcast %max3A_423 : f32 to vector<16xf32>
          %max3A_425 = arith.maximumf %sub3A_422, %max3A_424 : vector<16xf32>
          %mul3A_426 = vector.broadcast %select_n3A_240 : f32 to vector<16xf32>
          %mul3A_427 = arith.mulf %mul3A_426, %max3A_425 : vector<16xf32>
          %add3A_428 = arith.addf %get3A_420, %mul3A_427 : vector<16xf32>
          %swap3A_429 = arith.index_cast %select_n3A_122 : i32 to index
          %swap3A_430 = arith.constant 128 : index
          %swap3A_431 = tpu.vector_load %arg7[%swap3A_429, %swap3A_430] {strides = array<i32>} : memref<64x640xf32, #tpu.memory_space<vmem>>, vector<16xf32>,
          tpu.vector_store %arg7[%swap3A_429, %swap3A_430], %add3A_428 {strides = array<i32>} : memref<64x640xf32, #tpu.memory_space<vmem>>, vector<16xf32>,
          %mul3A_432 = arith.constant 640 : i32
          %mul3A_433 = arith.muli %add3A_209, %mul3A_432 : i32
          %add3A_434 = arith.constant 144 : i32
          %add3A_435 = arith.addi %mul3A_433, %add3A_434 : i32
          %get3A_436 = arith.index_cast %add3A_435 : i32 to index
          %get3A_437 = tpu.vector_load %arg6[%get3A_436] {strides = array<i32>} : memref<25600xf32, #tpu.memory_space<vmem>>, vector<16xf32>,
          %get3A_438 = arith.index_cast %select_n3A_122 : i32 to index
          %get3A_439 = arith.constant 144 : index
          %get3A_440 = tpu.vector_load %arg7[%get3A_438, %get3A_439] {strides = array<i32>} : memref<64x640xf32, #tpu.memory_space<vmem>>, vector<16xf32>,
          %sub3A_441 = vector.broadcast %add3A_253 : f32 to vector<16xf32>
          %sub3A_442 = arith.subf %get3A_437, %sub3A_441 : vector<16xf32>
          %max3A_443 = arith.constant 0.000000e+00 : f32
          %max3A_444 = vector.broadcast %max3A_443 : f32 to vector<16xf32>
          %max3A_445 = arith.maximumf %sub3A_442, %max3A_444 : vector<16xf32>
          %mul3A_446 = vector.broadcast %select_n3A_240 : f32 to vector<16xf32>
          %mul3A_447 = arith.mulf %mul3A_446, %max3A_445 : vector<16xf32>
          %add3A_448 = arith.addf %get3A_440, %mul3A_447 : vector<16xf32>
          %swap3A_449 = arith.index_cast %select_n3A_122 : i32 to index
          %swap3A_450 = arith.constant 144 : index
          %swap3A_451 = tpu.vector_load %arg7[%swap3A_449, %swap3A_450] {strides = array<i32>} : memref<64x640xf32, #tpu.memory_space<vmem>>, vector<16xf32>,
          tpu.vector_store %arg7[%swap3A_449, %swap3A_450], %add3A_448 {strides = array<i32>} : memref<64x640xf32, #tpu.memory_space<vmem>>, vector<16xf32>,
          %mul3A_452 = arith.constant 640 : i32
          %mul3A_453 = arith.muli %add3A_209, %mul3A_452 : i32
          %add3A_454 = arith.constant 160 : i32
          %add3A_455 = arith.addi %mul3A_453, %add3A_454 : i32
          %get3A_456 = arith.index_cast %add3A_455 : i32 to index
          %get3A_457 = tpu.vector_load %arg6[%get3A_456] {strides = array<i32>} : memref<25600xf32, #tpu.memory_space<vmem>>, vector<16xf32>,
          %get3A_458 = arith.index_cast %select_n3A_122 : i32 to index
          %get3A_459 = arith.constant 160 : index
          %get3A_460 = tpu.vector_load %arg7[%get3A_458, %get3A_459] {strides = array<i32>} : memref<64x640xf32, #tpu.memory_space<vmem>>, vector<16xf32>,
          %sub3A_461 = vector.broadcast %add3A_253 : f32 to vector<16xf32>
          %sub3A_462 = arith.subf %get3A_457, %sub3A_461 : vector<16xf32>
          %max3A_463 = arith.constant 0.000000e+00 : f32
          %max3A_464 = vector.broadcast %max3A_463 : f32 to vector<16xf32>
          %max3A_465 = arith.maximumf %sub3A_462, %max3A_464 : vector<16xf32>
          %mul3A_466 = vector.broadcast %select_n3A_240 : f32 to vector<16xf32>
          %mul3A_467 = arith.mulf %mul3A_466, %max3A_465 : vector<16xf32>
          %add3A_468 = arith.addf %get3A_460, %mul3A_467 : vector<16xf32>
          %swap3A_469 = arith.index_cast %select_n3A_122 : i32 to index
          %swap3A_470 = arith.constant 160 : index
          %swap3A_471 = tpu.vector_load %arg7[%swap3A_469, %swap3A_470] {strides = array<i32>} : memref<64x640xf32, #tpu.memory_space<vmem>>, vector<16xf32>,
          tpu.vector_store %arg7[%swap3A_469, %swap3A_470], %add3A_468 {strides = array<i32>} : memref<64x640xf32, #tpu.memory_space<vmem>>, vector<16xf32>,
          %mul3A_472 = arith.constant 640 : i32
          %mul3A_473 = arith.muli %add3A_209, %mul3A_472 : i32
          %add3A_474 = arith.constant 176 : i32
          %add3A_475 = arith.addi %mul3A_473, %add3A_474 : i32
          %get3A_476 = arith.index_cast %add3A_475 : i32 to index
          %get3A_477 = tpu.vector_load %arg6[%get3A_476] {strides = array<i32>} : memref<25600xf32, #tpu.memory_space<vmem>>, vector<16xf32>,
          %get3A_478 = arith.index_cast %select_n3A_122 : i32 to index
          %get3A_479 = arith.constant 176 : index
          %get3A_480 = tpu.vector_load %arg7[%get3A_478, %get3A_479] {strides = array<i32>} : memref<64x640xf32, #tpu.memory_space<vmem>>, vector<16xf32>,
          %sub3A_481 = vector.broadcast %add3A_253 : f32 to vector<16xf32>
          %sub3A_482 = arith.subf %get3A_477, %sub3A_481 : vector<16xf32>
          %max3A_483 = arith.constant 0.000000e+00 : f32
          %max3A_484 = vector.broadcast %max3A_483 : f32 to vector<16xf32>
          %max3A_485 = arith.maximumf %sub3A_482, %max3A_484 : vector<16xf32>
          %mul3A_486 = vector.broadcast %select_n3A_240 : f32 to vector<16xf32>
          %mul3A_487 = arith.mulf %mul3A_486, %max3A_485 : vector<16xf32>
          %add3A_488 = arith.addf %get3A_480, %mul3A_487 : vector<16xf32>
          %swap3A_489 = arith.index_cast %select_n3A_122 : i32 to index
          %swap3A_490 = arith.constant 176 : index
          %swap3A_491 = tpu.vector_load %arg7[%swap3A_489, %swap3A_490] {strides = array<i32>} : memref<64x640xf32, #tpu.memory_space<vmem>>, vector<16xf32>,
          tpu.vector_store %arg7[%swap3A_489, %swap3A_490], %add3A_488 {strides = array<i32>} : memref<64x640xf32, #tpu.memory_space<vmem>>, vector<16xf32>,
          %mul3A_492 = arith.constant 640 : i32
          %mul3A_493 = arith.muli %add3A_209, %mul3A_492 : i32
          %add3A_494 = arith.constant 192 : i32
          %add3A_495 = arith.addi %mul3A_493, %add3A_494 : i32
          %get3A_496 = arith.index_cast %add3A_495 : i32 to index
          %get3A_497 = tpu.vector_load %arg6[%get3A_496] {strides = array<i32>} : memref<25600xf32, #tpu.memory_space<vmem>>, vector<16xf32>,
          %get3A_498 = arith.index_cast %select_n3A_122 : i32 to index
          %get3A_499 = arith.constant 192 : index
          %get3A_500 = tpu.vector_load %arg7[%get3A_498, %get3A_499] {strides = array<i32>} : memref<64x640xf32, #tpu.memory_space<vmem>>, vector<16xf32>,
          %sub3A_501 = vector.broadcast %add3A_253 : f32 to vector<16xf32>
          %sub3A_502 = arith.subf %get3A_497, %sub3A_501 : vector<16xf32>
          %max3A_503 = arith.constant 0.000000e+00 : f32
          %max3A_504 = vector.broadcast %max3A_503 : f32 to vector<16xf32>
          %max3A_505 = arith.maximumf %sub3A_502, %max3A_504 : vector<16xf32>
          %mul3A_506 = vector.broadcast %select_n3A_240 : f32 to vector<16xf32>
          %mul3A_507 = arith.mulf %mul3A_506, %max3A_505 : vector<16xf32>
          %add3A_508 = arith.addf %get3A_500, %mul3A_507 : vector<16xf32>
          %swap3A_509 = arith.index_cast %select_n3A_122 : i32 to index
          %swap3A_510 = arith.constant 192 : index
          %swap3A_511 = tpu.vector_load %arg7[%swap3A_509, %swap3A_510] {strides = array<i32>} : memref<64x640xf32, #tpu.memory_space<vmem>>, vector<16xf32>,
          tpu.vector_store %arg7[%swap3A_509, %swap3A_510], %add3A_508 {strides = array<i32>} : memref<64x640xf32, #tpu.memory_space<vmem>>, vector<16xf32>,
          %mul3A_512 = arith.constant 640 : i32
          %mul3A_513 = arith.muli %add3A_209, %mul3A_512 : i32
          %add3A_514 = arith.constant 208 : i32
          %add3A_515 = arith.addi %mul3A_513, %add3A_514 : i32
          %get3A_516 = arith.index_cast %add3A_515 : i32 to index
          %get3A_517 = tpu.vector_load %arg6[%get3A_516] {strides = array<i32>} : memref<25600xf32, #tpu.memory_space<vmem>>, vector<16xf32>,
          %get3A_518 = arith.index_cast %select_n3A_122 : i32 to index
          %get3A_519 = arith.constant 208 : index
          %get3A_520 = tpu.vector_load %arg7[%get3A_518, %get3A_519] {strides = array<i32>} : memref<64x640xf32, #tpu.memory_space<vmem>>, vector<16xf32>,
          %sub3A_521 = vector.broadcast %add3A_253 : f32 to vector<16xf32>
          %sub3A_522 = arith.subf %get3A_517, %sub3A_521 : vector<16xf32>
          %max3A_523 = arith.constant 0.000000e+00 : f32
          %max3A_524 = vector.broadcast %max3A_523 : f32 to vector<16xf32>
          %max3A_525 = arith.maximumf %sub3A_522, %max3A_524 : vector<16xf32>
          %mul3A_526 = vector.broadcast %select_n3A_240 : f32 to vector<16xf32>
          %mul3A_527 = arith.mulf %mul3A_526, %max3A_525 : vector<16xf32>
          %add3A_528 = arith.addf %get3A_520, %mul3A_527 : vector<16xf32>
          %swap3A_529 = arith.index_cast %select_n3A_122 : i32 to index
          %swap3A_530 = arith.constant 208 : index
          %swap3A_531 = tpu.vector_load %arg7[%swap3A_529, %swap3A_530] {strides = array<i32>} : memref<64x640xf32, #tpu.memory_space<vmem>>, vector<16xf32>,
          tpu.vector_store %arg7[%swap3A_529, %swap3A_530], %add3A_528 {strides = array<i32>} : memref<64x640xf32, #tpu.memory_space<vmem>>, vector<16xf32>,
          %mul3A_532 = arith.constant 640 : i32
          %mul3A_533 = arith.muli %add3A_209, %mul3A_532 : i32
          %add3A_534 = arith.constant 224 : i32
          %add3A_535 = arith.addi %mul3A_533, %add3A_534 : i32
          %get3A_536 = arith.index_cast %add3A_535 : i32 to index
          %get3A_537 = tpu.vector_load %arg6[%get3A_536] {strides = array<i32>} : memref<25600xf32, #tpu.memory_space<vmem>>, vector<16xf32>,
          %get3A_538 = arith.index_cast %select_n3A_122 : i32 to index
          %get3A_539 = arith.constant 224 : index
          %get3A_540 = tpu.vector_load %arg7[%get3A_538, %get3A_539] {strides = array<i32>} : memref<64x640xf32, #tpu.memory_space<vmem>>, vector<16xf32>,
          %sub3A_541 = vector.broadcast %add3A_253 : f32 to vector<16xf32>
          %sub3A_542 = arith.subf %get3A_537, %sub3A_541 : vector<16xf32>
          %max3A_543 = arith.constant 0.000000e+00 : f32
          %max3A_544 = vector.broadcast %max3A_543 : f32 to vector<16xf32>
          %max3A_545 = arith.maximumf %sub3A_542, %max3A_544 : vector<16xf32>
          %mul3A_546 = vector.broadcast %select_n3A_240 : f32 to vector<16xf32>
          %mul3A_547 = arith.mulf %mul3A_546, %max3A_545 : vector<16xf32>
          %add3A_548 = arith.addf %get3A_540, %mul3A_547 : vector<16xf32>
          %swap3A_549 = arith.index_cast %select_n3A_122 : i32 to index
          %swap3A_550 = arith.constant 224 : index
          %swap3A_551 = tpu.vector_load %arg7[%swap3A_549, %swap3A_550] {strides = array<i32>} : memref<64x640xf32, #tpu.memory_space<vmem>>, vector<16xf32>,
          tpu.vector_store %arg7[%swap3A_549, %swap3A_550], %add3A_548 {strides = array<i32>} : memref<64x640xf32, #tpu.memory_space<vmem>>, vector<16xf32>,
          %mul3A_552 = arith.constant 640 : i32
          %mul3A_553 = arith.muli %add3A_209, %mul3A_552 : i32
          %add3A_554 = arith.constant 240 : i32
          %add3A_555 = arith.addi %mul3A_553, %add3A_554 : i32
          %get3A_556 = arith.index_cast %add3A_555 : i32 to index
          %get3A_557 = tpu.vector_load %arg6[%get3A_556] {strides = array<i32>} : memref<25600xf32, #tpu.memory_space<vmem>>, vector<16xf32>,
          %get3A_558 = arith.index_cast %select_n3A_122 : i32 to index
          %get3A_559 = arith.constant 240 : index
          %get3A_560 = tpu.vector_load %arg7[%get3A_558, %get3A_559] {strides = array<i32>} : memref<64x640xf32, #tpu.memory_space<vmem>>, vector<16xf32>,
          %sub3A_561 = vector.broadcast %add3A_253 : f32 to vector<16xf32>
          %sub3A_562 = arith.subf %get3A_557, %sub3A_561 : vector<16xf32>
          %max3A_563 = arith.constant 0.000000e+00 : f32
          %max3A_564 = vector.broadcast %max3A_563 : f32 to vector<16xf32>
          %max3A_565 = arith.maximumf %sub3A_562, %max3A_564 : vector<16xf32>
          %mul3A_566 = vector.broadcast %select_n3A_240 : f32 to vector<16xf32>
          %mul3A_567 = arith.mulf %mul3A_566, %max3A_565 : vector<16xf32>
          %add3A_568 = arith.addf %get3A_560, %mul3A_567 : vector<16xf32>
          %swap3A_569 = arith.index_cast %select_n3A_122 : i32 to index
          %swap3A_570 = arith.constant 240 : index
          %swap3A_571 = tpu.vector_load %arg7[%swap3A_569, %swap3A_570] {strides = array<i32>} : memref<64x640xf32, #tpu.memory_space<vmem>>, vector<16xf32>,
          tpu.vector_store %arg7[%swap3A_569, %swap3A_570], %add3A_568 {strides = array<i32>} : memref<64x640xf32, #tpu.memory_space<vmem>>, vector<16xf32>,
          %mul3A_572 = arith.constant 640 : i32
          %mul3A_573 = arith.muli %add3A_209, %mul3A_572 : i32
          %add3A_574 = arith.constant 256 : i32
          %add3A_575 = arith.addi %mul3A_573, %add3A_574 : i32
          %get3A_576 = arith.index_cast %add3A_575 : i32 to index
          %get3A_577 = tpu.vector_load %arg6[%get3A_576] {strides = array<i32>} : memref<25600xf32, #tpu.memory_space<vmem>>, vector<16xf32>,
          %get3A_578 = arith.index_cast %select_n3A_122 : i32 to index
          %get3A_579 = arith.constant 256 : index
          %get3A_580 = tpu.vector_load %arg7[%get3A_578, %get3A_579] {strides = array<i32>} : memref<64x640xf32, #tpu.memory_space<vmem>>, vector<16xf32>,
          %sub3A_581 = vector.broadcast %add3A_253 : f32 to vector<16xf32>
          %sub3A_582 = arith.subf %get3A_577, %sub3A_581 : vector<16xf32>
          %max3A_583 = arith.constant 0.000000e+00 : f32
          %max3A_584 = vector.broadcast %max3A_583 : f32 to vector<16xf32>
          %max3A_585 = arith.maximumf %sub3A_582, %max3A_584 : vector<16xf32>
          %mul3A_586 = vector.broadcast %select_n3A_240 : f32 to vector<16xf32>
          %mul3A_587 = arith.mulf %mul3A_586, %max3A_585 : vector<16xf32>
          %add3A_588 = arith.addf %get3A_580, %mul3A_587 : vector<16xf32>
          %swap3A_589 = arith.index_cast %select_n3A_122 : i32 to index
          %swap3A_590 = arith.constant 256 : index
          %swap3A_591 = tpu.vector_load %arg7[%swap3A_589, %swap3A_590] {strides = array<i32>} : memref<64x640xf32, #tpu.memory_space<vmem>>, vector<16xf32>,
          tpu.vector_store %arg7[%swap3A_589, %swap3A_590], %add3A_588 {strides = array<i32>} : memref<64x640xf32, #tpu.memory_space<vmem>>, vector<16xf32>,
          %mul3A_592 = arith.constant 640 : i32
          %mul3A_593 = arith.muli %add3A_209, %mul3A_592 : i32
          %add3A_594 = arith.constant 272 : i32
          %add3A_595 = arith.addi %mul3A_593, %add3A_594 : i32
          %get3A_596 = arith.index_cast %add3A_595 : i32 to index
          %get3A_597 = tpu.vector_load %arg6[%get3A_596] {strides = array<i32>} : memref<25600xf32, #tpu.memory_space<vmem>>, vector<16xf32>,
          %get3A_598 = arith.index_cast %select_n3A_122 : i32 to index
          %get3A_599 = arith.constant 272 : index
          %get3A_600 = tpu.vector_load %arg7[%get3A_598, %get3A_599] {strides = array<i32>} : memref<64x640xf32, #tpu.memory_space<vmem>>, vector<16xf32>,
          %sub3A_601 = vector.broadcast %add3A_253 : f32 to vector<16xf32>
          %sub3A_602 = arith.subf %get3A_597, %sub3A_601 : vector<16xf32>
          %max3A_603 = arith.constant 0.000000e+00 : f32
          %max3A_604 = vector.broadcast %max3A_603 : f32 to vector<16xf32>
          %max3A_605 = arith.maximumf %sub3A_602, %max3A_604 : vector<16xf32>
          %mul3A_606 = vector.broadcast %select_n3A_240 : f32 to vector<16xf32>
          %mul3A_607 = arith.mulf %mul3A_606, %max3A_605 : vector<16xf32>
          %add3A_608 = arith.addf %get3A_600, %mul3A_607 : vector<16xf32>
          %swap3A_609 = arith.index_cast %select_n3A_122 : i32 to index
          %swap3A_610 = arith.constant 272 : index
          %swap3A_611 = tpu.vector_load %arg7[%swap3A_609, %swap3A_610] {strides = array<i32>} : memref<64x640xf32, #tpu.memory_space<vmem>>, vector<16xf32>,
          tpu.vector_store %arg7[%swap3A_609, %swap3A_610], %add3A_608 {strides = array<i32>} : memref<64x640xf32, #tpu.memory_space<vmem>>, vector<16xf32>,
          %mul3A_612 = arith.constant 640 : i32
          %mul3A_613 = arith.muli %add3A_209, %mul3A_612 : i32
          %add3A_614 = arith.constant 288 : i32
          %add3A_615 = arith.addi %mul3A_613, %add3A_614 : i32
          %get3A_616 = arith.index_cast %add3A_615 : i32 to index
          %get3A_617 = tpu.vector_load %arg6[%get3A_616] {strides = array<i32>} : memref<25600xf32, #tpu.memory_space<vmem>>, vector<16xf32>,
          %get3A_618 = arith.index_cast %select_n3A_122 : i32 to index
          %get3A_619 = arith.constant 288 : index
          %get3A_620 = tpu.vector_load %arg7[%get3A_618, %get3A_619] {strides = array<i32>} : memref<64x640xf32, #tpu.memory_space<vmem>>, vector<16xf32>,
          %sub3A_621 = vector.broadcast %add3A_253 : f32 to vector<16xf32>
          %sub3A_622 = arith.subf %get3A_617, %sub3A_621 : vector<16xf32>
          %max3A_623 = arith.constant 0.000000e+00 : f32
          %max3A_624 = vector.broadcast %max3A_623 : f32 to vector<16xf32>
          %max3A_625 = arith.maximumf %sub3A_622, %max3A_624 : vector<16xf32>
          %mul3A_626 = vector.broadcast %select_n3A_240 : f32 to vector<16xf32>
          %mul3A_627 = arith.mulf %mul3A_626, %max3A_625 : vector<16xf32>
          %add3A_628 = arith.addf %get3A_620, %mul3A_627 : vector<16xf32>
          %swap3A_629 = arith.index_cast %select_n3A_122 : i32 to index
          %swap3A_630 = arith.constant 288 : index
          %swap3A_631 = tpu.vector_load %arg7[%swap3A_629, %swap3A_630] {strides = array<i32>} : memref<64x640xf32, #tpu.memory_space<vmem>>, vector<16xf32>,
          tpu.vector_store %arg7[%swap3A_629, %swap3A_630], %add3A_628 {strides = array<i32>} : memref<64x640xf32, #tpu.memory_space<vmem>>, vector<16xf32>,
          %mul3A_632 = arith.constant 640 : i32
          %mul3A_633 = arith.muli %add3A_209, %mul3A_632 : i32
          %add3A_634 = arith.constant 304 : i32
          %add3A_635 = arith.addi %mul3A_633, %add3A_634 : i32
          %get3A_636 = arith.index_cast %add3A_635 : i32 to index
          %get3A_637 = tpu.vector_load %arg6[%get3A_636] {strides = array<i32>} : memref<25600xf32, #tpu.memory_space<vmem>>, vector<16xf32>,
          %get3A_638 = arith.index_cast %select_n3A_122 : i32 to index
          %get3A_639 = arith.constant 304 : index
          %get3A_640 = tpu.vector_load %arg7[%get3A_638, %get3A_639] {strides = array<i32>} : memref<64x640xf32, #tpu.memory_space<vmem>>, vector<16xf32>,
          %sub3A_641 = vector.broadcast %add3A_253 : f32 to vector<16xf32>
          %sub3A_642 = arith.subf %get3A_637, %sub3A_641 : vector<16xf32>
          %max3A_643 = arith.constant 0.000000e+00 : f32
          %max3A_644 = vector.broadcast %max3A_643 : f32 to vector<16xf32>
          %max3A_645 = arith.maximumf %sub3A_642, %max3A_644 : vector<16xf32>
          %mul3A_646 = vector.broadcast %select_n3A_240 : f32 to vector<16xf32>
          %mul3A_647 = arith.mulf %mul3A_646, %max3A_645 : vector<16xf32>
          %add3A_648 = arith.addf %get3A_640, %mul3A_647 : vector<16xf32>
          %swap3A_649 = arith.index_cast %select_n3A_122 : i32 to index
          %swap3A_650 = arith.constant 304 : index
          %swap3A_651 = tpu.vector_load %arg7[%swap3A_649, %swap3A_650] {strides = array<i32>} : memref<64x640xf32, #tpu.memory_space<vmem>>, vector<16xf32>,
          tpu.vector_store %arg7[%swap3A_649, %swap3A_650], %add3A_648 {strides = array<i32>} : memref<64x640xf32, #tpu.memory_space<vmem>>, vector<16xf32>,
          %mul3A_652 = arith.constant 640 : i32
          %mul3A_653 = arith.muli %add3A_209, %mul3A_652 : i32
          %add3A_654 = arith.constant 320 : i32
          %add3A_655 = arith.addi %mul3A_653, %add3A_654 : i32
          %get3A_656 = arith.index_cast %add3A_655 : i32 to index
          %get3A_657 = tpu.vector_load %arg6[%get3A_656] {strides = array<i32>} : memref<25600xf32, #tpu.memory_space<vmem>>, vector<16xf32>,
          %get3A_658 = arith.index_cast %select_n3A_122 : i32 to index
          %get3A_659 = arith.constant 320 : index
          %get3A_660 = tpu.vector_load %arg7[%get3A_658, %get3A_659] {strides = array<i32>} : memref<64x640xf32, #tpu.memory_space<vmem>>, vector<16xf32>,
          %sub3A_661 = vector.broadcast %add3A_253 : f32 to vector<16xf32>
          %sub3A_662 = arith.subf %get3A_657, %sub3A_661 : vector<16xf32>
          %max3A_663 = arith.constant 0.000000e+00 : f32
          %max3A_664 = vector.broadcast %max3A_663 : f32 to vector<16xf32>
          %max3A_665 = arith.maximumf %sub3A_662, %max3A_664 : vector<16xf32>
          %mul3A_666 = vector.broadcast %select_n3A_240 : f32 to vector<16xf32>
          %mul3A_667 = arith.mulf %mul3A_666, %max3A_665 : vector<16xf32>
          %add3A_668 = arith.addf %get3A_660, %mul3A_667 : vector<16xf32>
          %swap3A_669 = arith.index_cast %select_n3A_122 : i32 to index
          %swap3A_670 = arith.constant 320 : index
          %swap3A_671 = tpu.vector_load %arg7[%swap3A_669, %swap3A_670] {strides = array<i32>} : memref<64x640xf32, #tpu.memory_space<vmem>>, vector<16xf32>,
          tpu.vector_store %arg7[%swap3A_669, %swap3A_670], %add3A_668 {strides = array<i32>} : memref<64x640xf32, #tpu.memory_space<vmem>>, vector<16xf32>,
          %mul3A_672 = arith.constant 640 : i32
          %mul3A_673 = arith.muli %add3A_209, %mul3A_672 : i32
          %add3A_674 = arith.constant 336 : i32
          %add3A_675 = arith.addi %mul3A_673, %add3A_674 : i32
          %get3A_676 = arith.index_cast %add3A_675 : i32 to index
          %get3A_677 = tpu.vector_load %arg6[%get3A_676] {strides = array<i32>} : memref<25600xf32, #tpu.memory_space<vmem>>, vector<16xf32>,
          %get3A_678 = arith.index_cast %select_n3A_122 : i32 to index
          %get3A_679 = arith.constant 336 : index
          %get3A_680 = tpu.vector_load %arg7[%get3A_678, %get3A_679] {strides = array<i32>} : memref<64x640xf32, #tpu.memory_space<vmem>>, vector<16xf32>,
          %sub3A_681 = vector.broadcast %add3A_253 : f32 to vector<16xf32>
          %sub3A_682 = arith.subf %get3A_677, %sub3A_681 : vector<16xf32>
          %max3A_683 = arith.constant 0.000000e+00 : f32
          %max3A_684 = vector.broadcast %max3A_683 : f32 to vector<16xf32>
          %max3A_685 = arith.maximumf %sub3A_682, %max3A_684 : vector<16xf32>
          %mul3A_686 = vector.broadcast %select_n3A_240 : f32 to vector<16xf32>
          %mul3A_687 = arith.mulf %mul3A_686, %max3A_685 : vector<16xf32>
          %add3A_688 = arith.addf %get3A_680, %mul3A_687 : vector<16xf32>
          %swap3A_689 = arith.index_cast %select_n3A_122 : i32 to index
          %swap3A_690 = arith.constant 336 : index
          %swap3A_691 = tpu.vector_load %arg7[%swap3A_689, %swap3A_690] {strides = array<i32>} : memref<64x640xf32, #tpu.memory_space<vmem>>, vector<16xf32>,
          tpu.vector_store %arg7[%swap3A_689, %swap3A_690], %add3A_688 {strides = array<i32>} : memref<64x640xf32, #tpu.memory_space<vmem>>, vector<16xf32>,
          %mul3A_692 = arith.constant 640 : i32
          %mul3A_693 = arith.muli %add3A_209, %mul3A_692 : i32
          %add3A_694 = arith.constant 352 : i32
          %add3A_695 = arith.addi %mul3A_693, %add3A_694 : i32
          %get3A_696 = arith.index_cast %add3A_695 : i32 to index
          %get3A_697 = tpu.vector_load %arg6[%get3A_696] {strides = array<i32>} : memref<25600xf32, #tpu.memory_space<vmem>>, vector<16xf32>,
          %get3A_698 = arith.index_cast %select_n3A_122 : i32 to index
          %get3A_699 = arith.constant 352 : index
          %get3A_700 = tpu.vector_load %arg7[%get3A_698, %get3A_699] {strides = array<i32>} : memref<64x640xf32, #tpu.memory_space<vmem>>, vector<16xf32>,
          %sub3A_701 = vector.broadcast %add3A_253 : f32 to vector<16xf32>
          %sub3A_702 = arith.subf %get3A_697, %sub3A_701 : vector<16xf32>
          %max3A_703 = arith.constant 0.000000e+00 : f32
          %max3A_704 = vector.broadcast %max3A_703 : f32 to vector<16xf32>
          %max3A_705 = arith.maximumf %sub3A_702, %max3A_704 : vector<16xf32>
          %mul3A_706 = vector.broadcast %select_n3A_240 : f32 to vector<16xf32>
          %mul3A_707 = arith.mulf %mul3A_706, %max3A_705 : vector<16xf32>
          %add3A_708 = arith.addf %get3A_700, %mul3A_707 : vector<16xf32>
          %swap3A_709 = arith.index_cast %select_n3A_122 : i32 to index
          %swap3A_710 = arith.constant 352 : index
          %swap3A_711 = tpu.vector_load %arg7[%swap3A_709, %swap3A_710] {strides = array<i32>} : memref<64x640xf32, #tpu.memory_space<vmem>>, vector<16xf32>,
          tpu.vector_store %arg7[%swap3A_709, %swap3A_710], %add3A_708 {strides = array<i32>} : memref<64x640xf32, #tpu.memory_space<vmem>>, vector<16xf32>,
          %mul3A_712 = arith.constant 640 : i32
          %mul3A_713 = arith.muli %add3A_209, %mul3A_712 : i32
          %add3A_714 = arith.constant 368 : i32
          %add3A_715 = arith.addi %mul3A_713, %add3A_714 : i32
          %get3A_716 = arith.index_cast %add3A_715 : i32 to index
          %get3A_717 = tpu.vector_load %arg6[%get3A_716] {strides = array<i32>} : memref<25600xf32, #tpu.memory_space<vmem>>, vector<16xf32>,
          %get3A_718 = arith.index_cast %select_n3A_122 : i32 to index
          %get3A_719 = arith.constant 368 : index
          %get3A_720 = tpu.vector_load %arg7[%get3A_718, %get3A_719] {strides = array<i32>} : memref<64x640xf32, #tpu.memory_space<vmem>>, vector<16xf32>,
          %sub3A_721 = vector.broadcast %add3A_253 : f32 to vector<16xf32>
          %sub3A_722 = arith.subf %get3A_717, %sub3A_721 : vector<16xf32>
          %max3A_723 = arith.constant 0.000000e+00 : f32
          %max3A_724 = vector.broadcast %max3A_723 : f32 to vector<16xf32>
          %max3A_725 = arith.maximumf %sub3A_722, %max3A_724 : vector<16xf32>
          %mul3A_726 = vector.broadcast %select_n3A_240 : f32 to vector<16xf32>
          %mul3A_727 = arith.mulf %mul3A_726, %max3A_725 : vector<16xf32>
          %add3A_728 = arith.addf %get3A_720, %mul3A_727 : vector<16xf32>
          %swap3A_729 = arith.index_cast %select_n3A_122 : i32 to index
          %swap3A_730 = arith.constant 368 : index
          %swap3A_731 = tpu.vector_load %arg7[%swap3A_729, %swap3A_730] {strides = array<i32>} : memref<64x640xf32, #tpu.memory_space<vmem>>, vector<16xf32>,
          tpu.vector_store %arg7[%swap3A_729, %swap3A_730], %add3A_728 {strides = array<i32>} : memref<64x640xf32, #tpu.memory_space<vmem>>, vector<16xf32>,
          %mul3A_732 = arith.constant 640 : i32
          %mul3A_733 = arith.muli %add3A_209, %mul3A_732 : i32
          %add3A_734 = arith.constant 384 : i32
          %add3A_735 = arith.addi %mul3A_733, %add3A_734 : i32
          %get3A_736 = arith.index_cast %add3A_735 : i32 to index
          %get3A_737 = tpu.vector_load %arg6[%get3A_736] {strides = array<i32>} : memref<25600xf32, #tpu.memory_space<vmem>>, vector<16xf32>,
          %get3A_738 = arith.index_cast %select_n3A_122 : i32 to index
          %get3A_739 = arith.constant 384 : index
          %get3A_740 = tpu.vector_load %arg7[%get3A_738, %get3A_739] {strides = array<i32>} : memref<64x640xf32, #tpu.memory_space<vmem>>, vector<16xf32>,
          %sub3A_741 = vector.broadcast %add3A_253 : f32 to vector<16xf32>
          %sub3A_742 = arith.subf %get3A_737, %sub3A_741 : vector<16xf32>
          %max3A_743 = arith.constant 0.000000e+00 : f32
          %max3A_744 = vector.broadcast %max3A_743 : f32 to vector<16xf32>
          %max3A_745 = arith.maximumf %sub3A_742, %max3A_744 : vector<16xf32>
          %mul3A_746 = vector.broadcast %select_n3A_240 : f32 to vector<16xf32>
          %mul3A_747 = arith.mulf %mul3A_746, %max3A_745 : vector<16xf32>
          %add3A_748 = arith.addf %get3A_740, %mul3A_747 : vector<16xf32>
          %swap3A_749 = arith.index_cast %select_n3A_122 : i32 to index
          %swap3A_750 = arith.constant 384 : index
          %swap3A_751 = tpu.vector_load %arg7[%swap3A_749, %swap3A_750] {strides = array<i32>} : memref<64x640xf32, #tpu.memory_space<vmem>>, vector<16xf32>,
          tpu.vector_store %arg7[%swap3A_749, %swap3A_750], %add3A_748 {strides = array<i32>} : memref<64x640xf32, #tpu.memory_space<vmem>>, vector<16xf32>,
          %mul3A_752 = arith.constant 640 : i32
          %mul3A_753 = arith.muli %add3A_209, %mul3A_752 : i32
          %add3A_754 = arith.constant 400 : i32
          %add3A_755 = arith.addi %mul3A_753, %add3A_754 : i32
          %get3A_756 = arith.index_cast %add3A_755 : i32 to index
          %get3A_757 = tpu.vector_load %arg6[%get3A_756] {strides = array<i32>} : memref<25600xf32, #tpu.memory_space<vmem>>, vector<16xf32>,
          %get3A_758 = arith.index_cast %select_n3A_122 : i32 to index
          %get3A_759 = arith.constant 400 : index
          %get3A_760 = tpu.vector_load %arg7[%get3A_758, %get3A_759] {strides = array<i32>} : memref<64x640xf32, #tpu.memory_space<vmem>>, vector<16xf32>,
          %sub3A_761 = vector.broadcast %add3A_253 : f32 to vector<16xf32>
          %sub3A_762 = arith.subf %get3A_757, %sub3A_761 : vector<16xf32>
          %max3A_763 = arith.constant 0.000000e+00 : f32
          %max3A_764 = vector.broadcast %max3A_763 : f32 to vector<16xf32>
          %max3A_765 = arith.maximumf %sub3A_762, %max3A_764 : vector<16xf32>
          %mul3A_766 = vector.broadcast %select_n3A_240 : f32 to vector<16xf32>
          %mul3A_767 = arith.mulf %mul3A_766, %max3A_765 : vector<16xf32>
          %add3A_768 = arith.addf %get3A_760, %mul3A_767 : vector<16xf32>
          %swap3A_769 = arith.index_cast %select_n3A_122 : i32 to index
          %swap3A_770 = arith.constant 400 : index
          %swap3A_771 = tpu.vector_load %arg7[%swap3A_769, %swap3A_770] {strides = array<i32>} : memref<64x640xf32, #tpu.memory_space<vmem>>, vector<16xf32>,
          tpu.vector_store %arg7[%swap3A_769, %swap3A_770], %add3A_768 {strides = array<i32>} : memref<64x640xf32, #tpu.memory_space<vmem>>, vector<16xf32>,
          %mul3A_772 = arith.constant 640 : i32
          %mul3A_773 = arith.muli %add3A_209, %mul3A_772 : i32
          %add3A_774 = arith.constant 416 : i32
          %add3A_775 = arith.addi %mul3A_773, %add3A_774 : i32
          %get3A_776 = arith.index_cast %add3A_775 : i32 to index
          %get3A_777 = tpu.vector_load %arg6[%get3A_776] {strides = array<i32>} : memref<25600xf32, #tpu.memory_space<vmem>>, vector<16xf32>,
          %get3A_778 = arith.index_cast %select_n3A_122 : i32 to index
          %get3A_779 = arith.constant 416 : index
          %get3A_780 = tpu.vector_load %arg7[%get3A_778, %get3A_779] {strides = array<i32>} : memref<64x640xf32, #tpu.memory_space<vmem>>, vector<16xf32>,
          %sub3A_781 = vector.broadcast %add3A_253 : f32 to vector<16xf32>
          %sub3A_782 = arith.subf %get3A_777, %sub3A_781 : vector<16xf32>
          %max3A_783 = arith.constant 0.000000e+00 : f32
          %max3A_784 = vector.broadcast %max3A_783 : f32 to vector<16xf32>
          %max3A_785 = arith.maximumf %sub3A_782, %max3A_784 : vector<16xf32>
          %mul3A_786 = vector.broadcast %select_n3A_240 : f32 to vector<16xf32>
          %mul3A_787 = arith.mulf %mul3A_786, %max3A_785 : vector<16xf32>
          %add3A_788 = arith.addf %get3A_780, %mul3A_787 : vector<16xf32>
          %swap3A_789 = arith.index_cast %select_n3A_122 : i32 to index
          %swap3A_790 = arith.constant 416 : index
          %swap3A_791 = tpu.vector_load %arg7[%swap3A_789, %swap3A_790] {strides = array<i32>} : memref<64x640xf32, #tpu.memory_space<vmem>>, vector<16xf32>,
          tpu.vector_store %arg7[%swap3A_789, %swap3A_790], %add3A_788 {strides = array<i32>} : memref<64x640xf32, #tpu.memory_space<vmem>>, vector<16xf32>,
          %mul3A_792 = arith.constant 640 : i32
          %mul3A_793 = arith.muli %add3A_209, %mul3A_792 : i32
          %add3A_794 = arith.constant 432 : i32
          %add3A_795 = arith.addi %mul3A_793, %add3A_794 : i32
          %get3A_796 = arith.index_cast %add3A_795 : i32 to index
          %get3A_797 = tpu.vector_load %arg6[%get3A_796] {strides = array<i32>} : memref<25600xf32, #tpu.memory_space<vmem>>, vector<16xf32>,
          %get3A_798 = arith.index_cast %select_n3A_122 : i32 to index
          %get3A_799 = arith.constant 432 : index
          %get3A_800 = tpu.vector_load %arg7[%get3A_798, %get3A_799] {strides = array<i32>} : memref<64x640xf32, #tpu.memory_space<vmem>>, vector<16xf32>,
          %sub3A_801 = vector.broadcast %add3A_253 : f32 to vector<16xf32>
          %sub3A_802 = arith.subf %get3A_797, %sub3A_801 : vector<16xf32>
          %max3A_803 = arith.constant 0.000000e+00 : f32
          %max3A_804 = vector.broadcast %max3A_803 : f32 to vector<16xf32>
          %max3A_805 = arith.maximumf %sub3A_802, %max3A_804 : vector<16xf32>
          %mul3A_806 = vector.broadcast %select_n3A_240 : f32 to vector<16xf32>
          %mul3A_807 = arith.mulf %mul3A_806, %max3A_805 : vector<16xf32>
          %add3A_808 = arith.addf %get3A_800, %mul3A_807 : vector<16xf32>
          %swap3A_809 = arith.index_cast %select_n3A_122 : i32 to index
          %swap3A_810 = arith.constant 432 : index
          %swap3A_811 = tpu.vector_load %arg7[%swap3A_809, %swap3A_810] {strides = array<i32>} : memref<64x640xf32, #tpu.memory_space<vmem>>, vector<16xf32>,
          tpu.vector_store %arg7[%swap3A_809, %swap3A_810], %add3A_808 {strides = array<i32>} : memref<64x640xf32, #tpu.memory_space<vmem>>, vector<16xf32>,
          %mul3A_812 = arith.constant 640 : i32
          %mul3A_813 = arith.muli %add3A_209, %mul3A_812 : i32
          %add3A_814 = arith.constant 448 : i32
          %add3A_815 = arith.addi %mul3A_813, %add3A_814 : i32
          %get3A_816 = arith.index_cast %add3A_815 : i32 to index
          %get3A_817 = tpu.vector_load %arg6[%get3A_816] {strides = array<i32>} : memref<25600xf32, #tpu.memory_space<vmem>>, vector<16xf32>,
          %get3A_818 = arith.index_cast %select_n3A_122 : i32 to index
          %get3A_819 = arith.constant 448 : index
          %get3A_820 = tpu.vector_load %arg7[%get3A_818, %get3A_819] {strides = array<i32>} : memref<64x640xf32, #tpu.memory_space<vmem>>, vector<16xf32>,
          %sub3A_821 = vector.broadcast %add3A_253 : f32 to vector<16xf32>
          %sub3A_822 = arith.subf %get3A_817, %sub3A_821 : vector<16xf32>
          %max3A_823 = arith.constant 0.000000e+00 : f32
          %max3A_824 = vector.broadcast %max3A_823 : f32 to vector<16xf32>
          %max3A_825 = arith.maximumf %sub3A_822, %max3A_824 : vector<16xf32>
          %mul3A_826 = vector.broadcast %select_n3A_240 : f32 to vector<16xf32>
          %mul3A_827 = arith.mulf %mul3A_826, %max3A_825 : vector<16xf32>
          %add3A_828 = arith.addf %get3A_820, %mul3A_827 : vector<16xf32>
          %swap3A_829 = arith.index_cast %select_n3A_122 : i32 to index
          %swap3A_830 = arith.constant 448 : index
          %swap3A_831 = tpu.vector_load %arg7[%swap3A_829, %swap3A_830] {strides = array<i32>} : memref<64x640xf32, #tpu.memory_space<vmem>>, vector<16xf32>,
          tpu.vector_store %arg7[%swap3A_829, %swap3A_830], %add3A_828 {strides = array<i32>} : memref<64x640xf32, #tpu.memory_space<vmem>>, vector<16xf32>,
          %mul3A_832 = arith.constant 640 : i32
          %mul3A_833 = arith.muli %add3A_209, %mul3A_832 : i32
          %add3A_834 = arith.constant 464 : i32
          %add3A_835 = arith.addi %mul3A_833, %add3A_834 : i32
          %get3A_836 = arith.index_cast %add3A_835 : i32 to index
          %get3A_837 = tpu.vector_load %arg6[%get3A_836] {strides = array<i32>} : memref<25600xf32, #tpu.memory_space<vmem>>, vector<16xf32>,
          %get3A_838 = arith.index_cast %select_n3A_122 : i32 to index
          %get3A_839 = arith.constant 464 : index
          %get3A_840 = tpu.vector_load %arg7[%get3A_838, %get3A_839] {strides = array<i32>} : memref<64x640xf32, #tpu.memory_space<vmem>>, vector<16xf32>,
          %sub3A_841 = vector.broadcast %add3A_253 : f32 to vector<16xf32>
          %sub3A_842 = arith.subf %get3A_837, %sub3A_841 : vector<16xf32>
          %max3A_843 = arith.constant 0.000000e+00 : f32
          %max3A_844 = vector.broadcast %max3A_843 : f32 to vector<16xf32>
          %max3A_845 = arith.maximumf %sub3A_842, %max3A_844 : vector<16xf32>
          %mul3A_846 = vector.broadcast %select_n3A_240 : f32 to vector<16xf32>
          %mul3A_847 = arith.mulf %mul3A_846, %max3A_845 : vector<16xf32>
          %add3A_848 = arith.addf %get3A_840, %mul3A_847 : vector<16xf32>
          %swap3A_849 = arith.index_cast %select_n3A_122 : i32 to index
          %swap3A_850 = arith.constant 464 : index
          %swap3A_851 = tpu.vector_load %arg7[%swap3A_849, %swap3A_850] {strides = array<i32>} : memref<64x640xf32, #tpu.memory_space<vmem>>, vector<16xf32>,
          tpu.vector_store %arg7[%swap3A_849, %swap3A_850], %add3A_848 {strides = array<i32>} : memref<64x640xf32, #tpu.memory_space<vmem>>, vector<16xf32>,
          %mul3A_852 = arith.constant 640 : i32
          %mul3A_853 = arith.muli %add3A_209, %mul3A_852 : i32
          %add3A_854 = arith.constant 480 : i32
          %add3A_855 = arith.addi %mul3A_853, %add3A_854 : i32
          %get3A_856 = arith.index_cast %add3A_855 : i32 to index
          %get3A_857 = tpu.vector_load %arg6[%get3A_856] {strides = array<i32>} : memref<25600xf32, #tpu.memory_space<vmem>>, vector<16xf32>,
          %get3A_858 = arith.index_cast %select_n3A_122 : i32 to index
          %get3A_859 = arith.constant 480 : index
          %get3A_860 = tpu.vector_load %arg7[%get3A_858, %get3A_859] {strides = array<i32>} : memref<64x640xf32, #tpu.memory_space<vmem>>, vector<16xf32>,
          %sub3A_861 = vector.broadcast %add3A_253 : f32 to vector<16xf32>
          %sub3A_862 = arith.subf %get3A_857, %sub3A_861 : vector<16xf32>
          %max3A_863 = arith.constant 0.000000e+00 : f32
          %max3A_864 = vector.broadcast %max3A_863 : f32 to vector<16xf32>
          %max3A_865 = arith.maximumf %sub3A_862, %max3A_864 : vector<16xf32>
          %mul3A_866 = vector.broadcast %select_n3A_240 : f32 to vector<16xf32>
          %mul3A_867 = arith.mulf %mul3A_866, %max3A_865 : vector<16xf32>
          %add3A_868 = arith.addf %get3A_860, %mul3A_867 : vector<16xf32>
          %swap3A_869 = arith.index_cast %select_n3A_122 : i32 to index
          %swap3A_870 = arith.constant 480 : index
          %swap3A_871 = tpu.vector_load %arg7[%swap3A_869, %swap3A_870] {strides = array<i32>} : memref<64x640xf32, #tpu.memory_space<vmem>>, vector<16xf32>,
          tpu.vector_store %arg7[%swap3A_869, %swap3A_870], %add3A_868 {strides = array<i32>} : memref<64x640xf32, #tpu.memory_space<vmem>>, vector<16xf32>,
          %mul3A_872 = arith.constant 640 : i32
          %mul3A_873 = arith.muli %add3A_209, %mul3A_872 : i32
          %add3A_874 = arith.constant 496 : i32
          %add3A_875 = arith.addi %mul3A_873, %add3A_874 : i32
          %get3A_876 = arith.index_cast %add3A_875 : i32 to index
          %get3A_877 = tpu.vector_load %arg6[%get3A_876] {strides = array<i32>} : memref<25600xf32, #tpu.memory_space<vmem>>, vector<16xf32>,
          %get3A_878 = arith.index_cast %select_n3A_122 : i32 to index
          %get3A_879 = arith.constant 496 : index
          %get3A_880 = tpu.vector_load %arg7[%get3A_878, %get3A_879] {strides = array<i32>} : memref<64x640xf32, #tpu.memory_space<vmem>>, vector<16xf32>,
          %sub3A_881 = vector.broadcast %add3A_253 : f32 to vector<16xf32>
          %sub3A_882 = arith.subf %get3A_877, %sub3A_881 : vector<16xf32>
          %max3A_883 = arith.constant 0.000000e+00 : f32
          %max3A_884 = vector.broadcast %max3A_883 : f32 to vector<16xf32>
          %max3A_885 = arith.maximumf %sub3A_882, %max3A_884 : vector<16xf32>
          %mul3A_886 = vector.broadcast %select_n3A_240 : f32 to vector<16xf32>
          %mul3A_887 = arith.mulf %mul3A_886, %max3A_885 : vector<16xf32>
          %add3A_888 = arith.addf %get3A_880, %mul3A_887 : vector<16xf32>
          %swap3A_889 = arith.index_cast %select_n3A_122 : i32 to index
          %swap3A_890 = arith.constant 496 : index
          %swap3A_891 = tpu.vector_load %arg7[%swap3A_889, %swap3A_890] {strides = array<i32>} : memref<64x640xf32, #tpu.memory_space<vmem>>, vector<16xf32>,
          tpu.vector_store %arg7[%swap3A_889, %swap3A_890], %add3A_888 {strides = array<i32>} : memref<64x640xf32, #tpu.memory_space<vmem>>, vector<16xf32>,
          %mul3A_892 = arith.constant 640 : i32
          %mul3A_893 = arith.muli %add3A_209, %mul3A_892 : i32
          %add3A_894 = arith.constant 512 : i32
          %add3A_895 = arith.addi %mul3A_893, %add3A_894 : i32
          %get3A_896 = arith.index_cast %add3A_895 : i32 to index
          %get3A_897 = tpu.vector_load %arg6[%get3A_896] {strides = array<i32>} : memref<25600xf32, #tpu.memory_space<vmem>>, vector<16xf32>,
          %get3A_898 = arith.index_cast %select_n3A_122 : i32 to index
          %get3A_899 = arith.constant 512 : index
          %get3A_900 = tpu.vector_load %arg7[%get3A_898, %get3A_899] {strides = array<i32>} : memref<64x640xf32, #tpu.memory_space<vmem>>, vector<16xf32>,
          %sub3A_901 = vector.broadcast %add3A_253 : f32 to vector<16xf32>
          %sub3A_902 = arith.subf %get3A_897, %sub3A_901 : vector<16xf32>
          %max3A_903 = arith.constant 0.000000e+00 : f32
          %max3A_904 = vector.broadcast %max3A_903 : f32 to vector<16xf32>
          %max3A_905 = arith.maximumf %sub3A_902, %max3A_904 : vector<16xf32>
          %mul3A_906 = vector.broadcast %select_n3A_240 : f32 to vector<16xf32>
          %mul3A_907 = arith.mulf %mul3A_906, %max3A_905 : vector<16xf32>
          %add3A_908 = arith.addf %get3A_900, %mul3A_907 : vector<16xf32>
          %swap3A_909 = arith.index_cast %select_n3A_122 : i32 to index
          %swap3A_910 = arith.constant 512 : index
          %swap3A_911 = tpu.vector_load %arg7[%swap3A_909, %swap3A_910] {strides = array<i32>} : memref<64x640xf32, #tpu.memory_space<vmem>>, vector<16xf32>,
          tpu.vector_store %arg7[%swap3A_909, %swap3A_910], %add3A_908 {strides = array<i32>} : memref<64x640xf32, #tpu.memory_space<vmem>>, vector<16xf32>,
          %mul3A_912 = arith.constant 640 : i32
          %mul3A_913 = arith.muli %add3A_209, %mul3A_912 : i32
          %add3A_914 = arith.constant 528 : i32
          %add3A_915 = arith.addi %mul3A_913, %add3A_914 : i32
          %get3A_916 = arith.index_cast %add3A_915 : i32 to index
          %get3A_917 = tpu.vector_load %arg6[%get3A_916] {strides = array<i32>} : memref<25600xf32, #tpu.memory_space<vmem>>, vector<16xf32>,
          %get3A_918 = arith.index_cast %select_n3A_122 : i32 to index
          %get3A_919 = arith.constant 528 : index
          %get3A_920 = tpu.vector_load %arg7[%get3A_918, %get3A_919] {strides = array<i32>} : memref<64x640xf32, #tpu.memory_space<vmem>>, vector<16xf32>,
          %sub3A_921 = vector.broadcast %add3A_253 : f32 to vector<16xf32>
          %sub3A_922 = arith.subf %get3A_917, %sub3A_921 : vector<16xf32>
          %max3A_923 = arith.constant 0.000000e+00 : f32
          %max3A_924 = vector.broadcast %max3A_923 : f32 to vector<16xf32>
          %max3A_925 = arith.maximumf %sub3A_922, %max3A_924 : vector<16xf32>
          %mul3A_926 = vector.broadcast %select_n3A_240 : f32 to vector<16xf32>
          %mul3A_927 = arith.mulf %mul3A_926, %max3A_925 : vector<16xf32>
          %add3A_928 = arith.addf %get3A_920, %mul3A_927 : vector<16xf32>
          %swap3A_929 = arith.index_cast %select_n3A_122 : i32 to index
          %swap3A_930 = arith.constant 528 : index
          %swap3A_931 = tpu.vector_load %arg7[%swap3A_929, %swap3A_930] {strides = array<i32>} : memref<64x640xf32, #tpu.memory_space<vmem>>, vector<16xf32>,
          tpu.vector_store %arg7[%swap3A_929, %swap3A_930], %add3A_928 {strides = array<i32>} : memref<64x640xf32, #tpu.memory_space<vmem>>, vector<16xf32>,
          %mul3A_932 = arith.constant 640 : i32
          %mul3A_933 = arith.muli %add3A_209, %mul3A_932 : i32
          %add3A_934 = arith.constant 544 : i32
          %add3A_935 = arith.addi %mul3A_933, %add3A_934 : i32
          %get3A_936 = arith.index_cast %add3A_935 : i32 to index
          %get3A_937 = tpu.vector_load %arg6[%get3A_936] {strides = array<i32>} : memref<25600xf32, #tpu.memory_space<vmem>>, vector<16xf32>,
          %get3A_938 = arith.index_cast %select_n3A_122 : i32 to index
          %get3A_939 = arith.constant 544 : index
          %get3A_940 = tpu.vector_load %arg7[%get3A_938, %get3A_939] {strides = array<i32>} : memref<64x640xf32, #tpu.memory_space<vmem>>, vector<16xf32>,
          %sub3A_941 = vector.broadcast %add3A_253 : f32 to vector<16xf32>
          %sub3A_942 = arith.subf %get3A_937, %sub3A_941 : vector<16xf32>
          %max3A_943 = arith.constant 0.000000e+00 : f32
          %max3A_944 = vector.broadcast %max3A_943 : f32 to vector<16xf32>
          %max3A_945 = arith.maximumf %sub3A_942, %max3A_944 : vector<16xf32>
          %mul3A_946 = vector.broadcast %select_n3A_240 : f32 to vector<16xf32>
          %mul3A_947 = arith.mulf %mul3A_946, %max3A_945 : vector<16xf32>
          %add3A_948 = arith.addf %get3A_940, %mul3A_947 : vector<16xf32>
          %swap3A_949 = arith.index_cast %select_n3A_122 : i32 to index
          %swap3A_950 = arith.constant 544 : index
          %swap3A_951 = tpu.vector_load %arg7[%swap3A_949, %swap3A_950] {strides = array<i32>} : memref<64x640xf32, #tpu.memory_space<vmem>>, vector<16xf32>,
          tpu.vector_store %arg7[%swap3A_949, %swap3A_950], %add3A_948 {strides = array<i32>} : memref<64x640xf32, #tpu.memory_space<vmem>>, vector<16xf32>,
          %mul3A_952 = arith.constant 640 : i32
          %mul3A_953 = arith.muli %add3A_209, %mul3A_952 : i32
          %add3A_954 = arith.constant 560 : i32
          %add3A_955 = arith.addi %mul3A_953, %add3A_954 : i32
          %get3A_956 = arith.index_cast %add3A_955 : i32 to index
          %get3A_957 = tpu.vector_load %arg6[%get3A_956] {strides = array<i32>} : memref<25600xf32, #tpu.memory_space<vmem>>, vector<16xf32>,
          %get3A_958 = arith.index_cast %select_n3A_122 : i32 to index
          %get3A_959 = arith.constant 560 : index
          %get3A_960 = tpu.vector_load %arg7[%get3A_958, %get3A_959] {strides = array<i32>} : memref<64x640xf32, #tpu.memory_space<vmem>>, vector<16xf32>,
          %sub3A_961 = vector.broadcast %add3A_253 : f32 to vector<16xf32>
          %sub3A_962 = arith.subf %get3A_957, %sub3A_961 : vector<16xf32>
          %max3A_963 = arith.constant 0.000000e+00 : f32
          %max3A_964 = vector.broadcast %max3A_963 : f32 to vector<16xf32>
          %max3A_965 = arith.maximumf %sub3A_962, %max3A_964 : vector<16xf32>
          %mul3A_966 = vector.broadcast %select_n3A_240 : f32 to vector<16xf32>
          %mul3A_967 = arith.mulf %mul3A_966, %max3A_965 : vector<16xf32>
          %add3A_968 = arith.addf %get3A_960, %mul3A_967 : vector<16xf32>
          %swap3A_969 = arith.index_cast %select_n3A_122 : i32 to index
          %swap3A_970 = arith.constant 560 : index
          %swap3A_971 = tpu.vector_load %arg7[%swap3A_969, %swap3A_970] {strides = array<i32>} : memref<64x640xf32, #tpu.memory_space<vmem>>, vector<16xf32>,
          tpu.vector_store %arg7[%swap3A_969, %swap3A_970], %add3A_968 {strides = array<i32>} : memref<64x640xf32, #tpu.memory_space<vmem>>, vector<16xf32>,
          %mul3A_972 = arith.constant 640 : i32
          %mul3A_973 = arith.muli %add3A_209, %mul3A_972 : i32
          %add3A_974 = arith.constant 576 : i32
          %add3A_975 = arith.addi %mul3A_973, %add3A_974 : i32
          %get3A_976 = arith.index_cast %add3A_975 : i32 to index
          %get3A_977 = tpu.vector_load %arg6[%get3A_976] {strides = array<i32>} : memref<25600xf32, #tpu.memory_space<vmem>>, vector<16xf32>,
          %get3A_978 = arith.index_cast %select_n3A_122 : i32 to index
          %get3A_979 = arith.constant 576 : index
          %get3A_980 = tpu.vector_load %arg7[%get3A_978, %get3A_979] {strides = array<i32>} : memref<64x640xf32, #tpu.memory_space<vmem>>, vector<16xf32>,
          %sub3A_981 = vector.broadcast %add3A_253 : f32 to vector<16xf32>
          %sub3A_982 = arith.subf %get3A_977, %sub3A_981 : vector<16xf32>
          %max3A_983 = arith.constant 0.000000e+00 : f32
          %max3A_984 = vector.broadcast %max3A_983 : f32 to vector<16xf32>
          %max3A_985 = arith.maximumf %sub3A_982, %max3A_984 : vector<16xf32>
          %mul3A_986 = vector.broadcast %select_n3A_240 : f32 to vector<16xf32>
          %mul3A_987 = arith.mulf %mul3A_986, %max3A_985 : vector<16xf32>
          %add3A_988 = arith.addf %get3A_980, %mul3A_987 : vector<16xf32>
          %swap3A_989 = arith.index_cast %select_n3A_122 : i32 to index
          %swap3A_990 = arith.constant 576 : index
          %swap3A_991 = tpu.vector_load %arg7[%swap3A_989, %swap3A_990] {strides = array<i32>} : memref<64x640xf32, #tpu.memory_space<vmem>>, vector<16xf32>,
          tpu.vector_store %arg7[%swap3A_989, %swap3A_990], %add3A_988 {strides = array<i32>} : memref<64x640xf32, #tpu.memory_space<vmem>>, vector<16xf32>,
          %mul3A_992 = arith.constant 640 : i32
          %mul3A_993 = arith.muli %add3A_209, %mul3A_992 : i32
          %add3A_994 = arith.constant 592 : i32
          %add3A_995 = arith.addi %mul3A_993, %add3A_994 : i32
          %get3A_996 = arith.index_cast %add3A_995 : i32 to index
          %get3A_997 = tpu.vector_load %arg6[%get3A_996] {strides = array<i32>} : memref<25600xf32, #tpu.memory_space<vmem>>, vector<16xf32>,
          %get3A_998 = arith.index_cast %select_n3A_122 : i32 to index
          %get3A_999 = arith.constant 592 : index
          %get3A_1000 = tpu.vector_load %arg7[%get3A_998, %get3A_999] {strides = array<i32>} : memref<64x640xf32, #tpu.memory_space<vmem>>, vector<16xf32>,
          %sub3A_1001 = vector.broadcast %add3A_253 : f32 to vector<16xf32>
          %sub3A_1002 = arith.subf %get3A_997, %sub3A_1001 : vector<16xf32>
          %max3A_1003 = arith.constant 0.000000e+00 : f32
          %max3A_1004 = vector.broadcast %max3A_1003 : f32 to vector<16xf32>
          %max3A_1005 = arith.maximumf %sub3A_1002, %max3A_1004 : vector<16xf32>
          %mul3A_1006 = vector.broadcast %select_n3A_240 : f32 to vector<16xf32>
          %mul3A_1007 = arith.mulf %mul3A_1006, %max3A_1005 : vector<16xf32>
          %add3A_1008 = arith.addf %get3A_1000, %mul3A_1007 : vector<16xf32>
          %swap3A_1009 = arith.index_cast %select_n3A_122 : i32 to index
          %swap3A_1010 = arith.constant 592 : index
          %swap3A_1011 = tpu.vector_load %arg7[%swap3A_1009, %swap3A_1010] {strides = array<i32>} : memref<64x640xf32, #tpu.memory_space<vmem>>, vector<16xf32>,
          tpu.vector_store %arg7[%swap3A_1009, %swap3A_1010], %add3A_1008 {strides = array<i32>} : memref<64x640xf32, #tpu.memory_space<vmem>>, vector<16xf32>,
          %mul3A_1012 = arith.constant 640 : i32
          %mul3A_1013 = arith.muli %add3A_209, %mul3A_1012 : i32
          %add3A_1014 = arith.constant 608 : i32
          %add3A_1015 = arith.addi %mul3A_1013, %add3A_1014 : i32
          %get3A_1016 = arith.index_cast %add3A_1015 : i32 to index
          %get3A_1017 = tpu.vector_load %arg6[%get3A_1016] {strides = array<i32>} : memref<25600xf32, #tpu.memory_space<vmem>>, vector<16xf32>,
          %get3A_1018 = arith.index_cast %select_n3A_122 : i32 to index
          %get3A_1019 = arith.constant 608 : index
          %get3A_1020 = tpu.vector_load %arg7[%get3A_1018, %get3A_1019] {strides = array<i32>} : memref<64x640xf32, #tpu.memory_space<vmem>>, vector<16xf32>,
          %sub3A_1021 = vector.broadcast %add3A_253 : f32 to vector<16xf32>
          %sub3A_1022 = arith.subf %get3A_1017, %sub3A_1021 : vector<16xf32>
          %max3A_1023 = arith.constant 0.000000e+00 : f32
          %max3A_1024 = vector.broadcast %max3A_1023 : f32 to vector<16xf32>
          %max3A_1025 = arith.maximumf %sub3A_1022, %max3A_1024 : vector<16xf32>
          %mul3A_1026 = vector.broadcast %select_n3A_240 : f32 to vector<16xf32>
          %mul3A_1027 = arith.mulf %mul3A_1026, %max3A_1025 : vector<16xf32>
          %add3A_1028 = arith.addf %get3A_1020, %mul3A_1027 : vector<16xf32>
          %swap3A_1029 = arith.index_cast %select_n3A_122 : i32 to index
          %swap3A_1030 = arith.constant 608 : index
          %swap3A_1031 = tpu.vector_load %arg7[%swap3A_1029, %swap3A_1030] {strides = array<i32>} : memref<64x640xf32, #tpu.memory_space<vmem>>, vector<16xf32>,
          tpu.vector_store %arg7[%swap3A_1029, %swap3A_1030], %add3A_1028 {strides = array<i32>} : memref<64x640xf32, #tpu.memory_space<vmem>>, vector<16xf32>,
          %mul3A_1032 = arith.constant 640 : i32
          %mul3A_1033 = arith.muli %add3A_209, %mul3A_1032 : i32
          %add3A_1034 = arith.constant 624 : i32
          %add3A_1035 = arith.addi %mul3A_1033, %add3A_1034 : i32
          %get3A_1036 = arith.index_cast %add3A_1035 : i32 to index
          %get3A_1037 = tpu.vector_load %arg6[%get3A_1036] {strides = array<i32>} : memref<25600xf32, #tpu.memory_space<vmem>>, vector<16xf32>,
          %get3A_1038 = arith.index_cast %select_n3A_122 : i32 to index
          %get3A_1039 = arith.constant 624 : index
          %get3A_1040 = tpu.vector_load %arg7[%get3A_1038, %get3A_1039] {strides = array<i32>} : memref<64x640xf32, #tpu.memory_space<vmem>>, vector<16xf32>,
          %sub3A_1041 = vector.broadcast %add3A_253 : f32 to vector<16xf32>
          %sub3A_1042 = arith.subf %get3A_1037, %sub3A_1041 : vector<16xf32>
          %max3A_1043 = arith.constant 0.000000e+00 : f32
          %max3A_1044 = vector.broadcast %max3A_1043 : f32 to vector<16xf32>
          %max3A_1045 = arith.maximumf %sub3A_1042, %max3A_1044 : vector<16xf32>
          %mul3A_1046 = vector.broadcast %select_n3A_240 : f32 to vector<16xf32>
          %mul3A_1047 = arith.mulf %mul3A_1046, %max3A_1045 : vector<16xf32>
          %add3A_1048 = arith.addf %get3A_1040, %mul3A_1047 : vector<16xf32>
          %swap3A_1049 = arith.index_cast %select_n3A_122 : i32 to index
          %swap3A_1050 = arith.constant 624 : index
          %swap3A_1051 = tpu.vector_load %arg7[%swap3A_1049, %swap3A_1050] {strides = array<i32>} : memref<64x640xf32, #tpu.memory_space<vmem>>, vector<16xf32>,
          tpu.vector_store %arg7[%swap3A_1049, %swap3A_1050], %add3A_1048 {strides = array<i32>} : memref<64x640xf32, #tpu.memory_space<vmem>>, vector<16xf32>,
          %eq3A_1052 = vector.broadcast %squeeze3A_208 : i32 to vector<16xi32>
          %eq3A_1053 = arith.cmpi eq, %iota3A, %eq3A_1052 : vector<16xi32>
          %jit3A_1054 = arith.constant 0 : i32
          %broadcast_in_dim3A_1055 = vector.broadcast %jit3A_1054 : i32 to vector<16xi32>
          %select_n3A_1056 = arith.select %eq3A_1053, %broadcast_in_dim3A_1055, %while3A_203 : vector<16xi1>, vector<16xi32>
          scf.yield %select_n3A_1056 : vector<16xi32>
        }
      } else {
      }
      %scan3A_186 = arith.constant 0 : i32
      scf.yield %scan3A_186 : i32
    }
    %scan3A_96 = arith.constant 192 : i32
    "tpu.region"() ({
      %run_scoped3A = tpu.sem_alloc : memref<!tpu.dma_semaphore, #tpu.memory_space<semaphore_mem>>
      %dma_start3A_97 = arith.constant 0 : i32
      %dma_start3A_98 = tpu.memref_slice %arg4[%select_n3A, %mul3A_32, %dma_start3A_97] : memref<4x512x640xf32, #tpu.memory_space<hbm>> -> memref<1x64x640xf32, #tpu.memory_space<hbm>>
      %dma_start3A_99 = tpu.memref_squeeze %dma_start3A_98 : memref<1x64x640xf32, #tpu.memory_space<hbm>> -> memref<64x640xf32, #tpu.memory_space<hbm>>
      %dma_start3A_100 = arith.constant 0 : i32
      %dma_start3A_101 = tpu.memref_slice %arg4[%select_n3A, %mul3A_32, %dma_start3A_100] : memref<4x512x640xf32, #tpu.memory_space<hbm>> -> memref<1x64x640xf32, #tpu.memory_space<hbm>>
      %dma_start3A_102 = tpu.memref_squeeze %dma_start3A_101 : memref<1x64x640xf32, #tpu.memory_space<hbm>> -> memref<64x640xf32, #tpu.memory_space<hbm>>
      tpu.enqueue_dma source(%arg7 : memref<64x640xf32, #tpu.memory_space<vmem>>) target(%dma_start3A_102 : memref<64x640xf32, #tpu.memory_space<hbm>>) target_semaphore(%run_scoped3A : memref<!tpu.dma_semaphore, #tpu.memory_space<semaphore_mem>>)
      %dma_wait3A_103 = arith.constant 0 : i32
      %dma_wait3A_104 = tpu.memref_slice %arg4[%select_n3A, %mul3A_32, %dma_wait3A_103] : memref<4x512x640xf32, #tpu.memory_space<hbm>> -> memref<1x64x640xf32, #tpu.memory_space<hbm>>
      %dma_wait3A_105 = tpu.memref_squeeze %dma_wait3A_104 : memref<1x64x640xf32, #tpu.memory_space<hbm>> -> memref<64x640xf32, #tpu.memory_space<hbm>>
      %dma_wait3A_106 = arith.constant 0 : i32
      %dma_wait3A_107 = tpu.memref_slice %arg4[%select_n3A, %mul3A_32, %dma_wait3A_106] : memref<4x512x640xf32, #tpu.memory_space<hbm>> -> memref<1x64x640xf32, #tpu.memory_space<hbm>>
      %dma_wait3A_108 = tpu.memref_squeeze %dma_wait3A_107 : memref<1x64x640xf32, #tpu.memory_space<hbm>> -> memref<64x640xf32, #tpu.memory_space<hbm>>
      tpu.wait_dma2 semaphore(%run_scoped3A : memref<!tpu.dma_semaphore, #tpu.memory_space<semaphore_mem>>) src(%arg7 : memref<64x640xf32, #tpu.memory_space<vmem>>) dst(%dma_wait3A_108 : memref<64x640xf32, #tpu.memory_space<hbm>>)
      tpu.yield
    }) : () -> ()
    return
  }
}

module attributes {stable_mosaic.version = 14 : i64} {
  func.func @_body(%arg0: i32, %arg1: memref<1x512x3xf32, #tpu.memory_space<vmem>>, %arg2: memref<1x512x40xf32, #tpu.memory_space<vmem>>, %arg3: memref<1x40x640xf32, #tpu.memory_space<vmem>>, %arg4: memref<1x1x32xi32, #tpu.memory_space<vmem>>, %arg5: memref<1x512x640xf32, #tpu.memory_space<vmem>>, %arg6: memref<1x1x128xf32, #tpu.memory_space<vmem>>, %arg7: memref<40x640xf32, #tpu.memory_space<vmem>>, %arg8: memref<512x32xf32, #tpu.memory_space<vmem>>, %arg9: memref<512x32xf32, #tpu.memory_space<vmem>>, %arg10: memref<512x48xf32, #tpu.memory_space<vmem>>, %arg11: memref<48x640xf32, #tpu.memory_space<vmem>>) attributes {dimension_semantics = [#tpu.dimension_semantics<arbitrary>], iteration_bounds = array<i64: 4>, scalar_prefetch = 0 : i64, scratch_operands = 5 : i64, tpu.core_type = #tpu.core_type<tc>, window_params = [{transform_indices = @transform_0, window_bounds = array<i64: 1, 512, 3>}, {transform_indices = @transform_1, window_bounds = array<i64: 1, 512, 40>}, {transform_indices = @transform_2, window_bounds = array<i64: 1, 40, 640>}, {transform_indices = @transform_3, window_bounds = array<i64: 1, 1, 32>}, {transform_indices = @transform_4, window_bounds = array<i64: 1, 512, 640>}, {transform_indices = @transform_5, window_bounds = array<i64: 1, 1, 128>}]} {
    %iota3A = tpu.iota {dimensions = array<i32: 0>} : vector<40x1xi32>
    %jit3A = arith.constant 2 : i32
    %eq3A = arith.constant 0 : i32
    %eq3A_0 = arith.cmpi eq, %jit3A, %eq3A : i32
    %jit3A_1 = arith.constant 1 : i32
    %select_n3A = arith.select %eq3A_0, %jit3A_1, %jit3A : i32
    %rem3A = vector.broadcast %select_n3A : i32 to vector<40x1xi32>
    %rem3A_2 = arith.remsi %iota3A, %rem3A : vector<40x1xi32>
    %ne3A = arith.constant 0 : i32
    %ne3A_3 = vector.broadcast %ne3A : i32 to vector<40x1xi32>
    %ne3A_4 = arith.cmpi ne, %rem3A_2, %ne3A_3 : vector<40x1xi32>
    %lt3A = arith.constant 0 : i32
    %lt3A_5 = vector.broadcast %lt3A : i32 to vector<40x1xi32>
    %lt3A_6 = arith.cmpi slt, %rem3A_2, %lt3A_5 : vector<40x1xi32>
    %lt3A_7 = arith.constant 0 : i32
    %lt3A_8 = arith.cmpi slt, %select_n3A, %lt3A_7 : i32
    %ne3A_9 = vector.broadcast %lt3A_8 : i1 to vector<40x1xi1>
    %ne3A_10 = vector.broadcast %ne3A_9 : vector<40x1xi1> to vector<40x1xi1>
    %ne3A_11 = arith.xori %lt3A_6, %ne3A_10 : vector<40x1xi1>
    %and3A = arith.andi %ne3A_11, %ne3A_4 : vector<40x1xi1>
    %add3A = vector.broadcast %select_n3A : i32 to vector<40x1xi32>
    %add3A_12 = arith.addi %rem3A_2, %add3A : vector<40x1xi32>
    %select_n3A_13 = arith.select %and3A, %add3A_12, %rem3A_2 : vector<40x1xi1>, vector<40x1xi32>
    %eq3A_14 = arith.constant 0 : i32
    %eq3A_15 = vector.broadcast %eq3A_14 : i32 to vector<40x1xi32>
    %eq3A_16 = arith.cmpi eq, %select_n3A_13, %eq3A_15 : vector<40x1xi32>
    %jit3A_17 = arith.constant -1.500000e+01 : f32
    %jit3A_18 = arith.constant -3.000000e+01 : f32
    %broadcast_in_dim3A = vector.broadcast %jit3A_17 : f32 to vector<40x1xf32>
    %broadcast_in_dim3A_19 = vector.broadcast %jit3A_18 : f32 to vector<40x1xf32>
    %select_n3A_20 = arith.select %eq3A_16, %broadcast_in_dim3A, %broadcast_in_dim3A_19 : vector<40x1xi1>, vector<40x1xf32>
    %jit3A_21 = arith.constant 2 : i32
    %eq3A_22 = arith.constant 0 : i32
    %eq3A_23 = arith.cmpi eq, %jit3A_21, %eq3A_22 : i32
    %jit3A_24 = arith.constant 1 : i32
    %select_n3A_25 = arith.select %eq3A_23, %jit3A_24, %jit3A_21 : i32
    %rem3A_26 = vector.broadcast %select_n3A_25 : i32 to vector<40x1xi32>
    %rem3A_27 = arith.remsi %iota3A, %rem3A_26 : vector<40x1xi32>
    %ne3A_28 = arith.constant 0 : i32
    %ne3A_29 = vector.broadcast %ne3A_28 : i32 to vector<40x1xi32>
    %ne3A_30 = arith.cmpi ne, %rem3A_27, %ne3A_29 : vector<40x1xi32>
    %lt3A_31 = arith.constant 0 : i32
    %lt3A_32 = vector.broadcast %lt3A_31 : i32 to vector<40x1xi32>
    %lt3A_33 = arith.cmpi slt, %rem3A_27, %lt3A_32 : vector<40x1xi32>
    %lt3A_34 = arith.constant 0 : i32
    %lt3A_35 = arith.cmpi slt, %select_n3A_25, %lt3A_34 : i32
    %ne3A_36 = vector.broadcast %lt3A_35 : i1 to vector<40x1xi1>
    %ne3A_37 = vector.broadcast %ne3A_36 : vector<40x1xi1> to vector<40x1xi1>
    %ne3A_38 = arith.xori %lt3A_33, %ne3A_37 : vector<40x1xi1>
    %and3A_39 = arith.andi %ne3A_38, %ne3A_30 : vector<40x1xi1>
    %add3A_40 = vector.broadcast %select_n3A_25 : i32 to vector<40x1xi32>
    %add3A_41 = arith.addi %rem3A_27, %add3A_40 : vector<40x1xi32>
    %select_n3A_42 = arith.select %and3A_39, %add3A_41, %rem3A_27 : vector<40x1xi1>, vector<40x1xi32>
    %eq3A_43 = arith.constant 0 : i32
    %eq3A_44 = vector.broadcast %eq3A_43 : i32 to vector<40x1xi32>
    %eq3A_45 = arith.cmpi eq, %select_n3A_42, %eq3A_44 : vector<40x1xi32>
    %jit3A_46 = arith.constant 3.000000e+01 : f32
    %jit3A_47 = arith.constant 6.000000e+01 : f32
    %broadcast_in_dim3A_48 = vector.broadcast %jit3A_46 : f32 to vector<40x1xf32>
    %broadcast_in_dim3A_49 = vector.broadcast %jit3A_47 : f32 to vector<40x1xf32>
    %select_n3A_50 = arith.select %eq3A_45, %broadcast_in_dim3A_48, %broadcast_in_dim3A_49 : vector<40x1xi1>, vector<40x1xf32>
    %get3A = arith.constant 0 : index
    %get3A_51 = arith.constant 0 : index
    %get3A_52 = arith.constant 0 : index
    %get3A_53 = vector.load %arg3[%get3A, %get3A_51, %get3A_52] : memref<1x40x640xf32, #tpu.memory_space<vmem>>, vector<1x40x640xf32>
    %get3A_54 = vector.shape_cast %get3A_53 : vector<1x40x640xf32> to vector<40x640xf32>
    %sub3A = vector.broadcast %select_n3A_20 : vector<40x1xf32> to vector<40x640xf32>
    %sub3A_55 = arith.subf %get3A_54, %sub3A : vector<40x640xf32>
    %div3A = vector.broadcast %select_n3A_50 : vector<40x1xf32> to vector<40x640xf32>
    %div3A_56 = arith.divf %sub3A_55, %div3A : vector<40x640xf32>
    %swap3A = arith.constant 0 : index
    %swap3A_57 = arith.constant 0 : index
    %swap3A_58 = vector.load %arg7[%swap3A, %swap3A_57] : memref<40x640xf32, #tpu.memory_space<vmem>>, vector<40x640xf32>
    tpu.vector_store %arg7[%swap3A, %swap3A_57], %div3A_56 {strides = array<i32>} : memref<40x640xf32, #tpu.memory_space<vmem>>, vector<40x640xf32>,
    %get3A_59 = arith.constant 0 : index
    %get3A_60 = arith.constant 0 : index
    %get3A_61 = arith.constant 0 : index
    %get3A_62 = vector.load %arg2[%get3A_59, %get3A_60, %get3A_61] : memref<1x512x40xf32, #tpu.memory_space<vmem>>, vector<1x512x40xf32>
    %get3A_63 = vector.shape_cast %get3A_62 : vector<1x512x40xf32> to vector<512x40xf32>
    %ge3A = arith.constant 5.000000e-01 : f32
    %ge3A_64 = vector.broadcast %ge3A : f32 to vector<512x40xf32>
    %ge3A_65 = arith.cmpf oge, %get3A_63, %ge3A_64 : vector<512x40xf32>
    %jit3A_66 = arith.constant 1.000000e+00 : f32
    %jit3A_67 = arith.constant -1.000000e+00 : f32
    %broadcast_in_dim3A_68 = vector.broadcast %jit3A_66 : f32 to vector<512x40xf32>
    %broadcast_in_dim3A_69 = vector.broadcast %jit3A_67 : f32 to vector<512x40xf32>
    %select_n3A_70 = arith.select %ge3A_65, %broadcast_in_dim3A_68, %broadcast_in_dim3A_69 : vector<512x40xi1>, vector<512x40xf32>
    %mul3A = arith.mulf %select_n3A_70, %get3A_63 : vector<512x40xf32>
    %reduce_sum3A = arith.constant dense<0.000000e+00> : vector<512xf32>
    %reduce_sum3A_71 = vector.multi_reduction <add>, %mul3A, %reduce_sum3A [1] : vector<512x40xf32> to vector<512xf32>
    %broadcast_in_dim3A_72 = vector.shape_cast %reduce_sum3A_71 : vector<512xf32> to vector<512x1xf32>
    %broadcast_in_dim3A_73 = arith.constant 0.000000e+00 : f32
    %broadcast_in_dim3A_74 = vector.broadcast %broadcast_in_dim3A_73 : f32 to vector<512x7xf32>
    %concatenate3A = tpu.concatenate %select_n3A_70, %broadcast_in_dim3A_72, %broadcast_in_dim3A_74 in 1 : vector<512x40xf32>, vector<512x1xf32>, vector<512x7xf32> -> vector<512x48xf32>
    %swap3A_75 = arith.constant 0 : index
    %swap3A_76 = arith.constant 0 : index
    %swap3A_77 = vector.load %arg10[%swap3A_75, %swap3A_76] : memref<512x48xf32, #tpu.memory_space<vmem>>, vector<512x48xf32>
    tpu.vector_store %arg10[%swap3A_75, %swap3A_76], %concatenate3A {strides = array<i32>} : memref<512x48xf32, #tpu.memory_space<vmem>>, vector<512x48xf32>,
    %iota3A_78 = tpu.iota {dimensions = array<i32: 0>} : vector<8x640xi32>
    %swap3A_79 = arith.constant 0 : index
    %swap3A_80 = arith.constant 0 : index
    %swap3A_81 = vector.load %arg11[%swap3A_79, %swap3A_80] : memref<48x640xf32, #tpu.memory_space<vmem>>, vector<40x640xf32>
    tpu.vector_store %arg11[%swap3A_79, %swap3A_80], %div3A_56 {strides = array<i32>} : memref<48x640xf32, #tpu.memory_space<vmem>>, vector<40x640xf32>,
    %eq3A_82 = arith.constant 0 : i32
    %eq3A_83 = vector.broadcast %eq3A_82 : i32 to vector<8x640xi32>
    %eq3A_84 = arith.cmpi eq, %iota3A_78, %eq3A_83 : vector<8x640xi32>
    %jit3A_85 = arith.constant -1.000000e+00 : f32
    %jit3A_86 = arith.constant 0.000000e+00 : f32
    %broadcast_in_dim3A_87 = vector.broadcast %jit3A_85 : f32 to vector<8x640xf32>
    %broadcast_in_dim3A_88 = vector.broadcast %jit3A_86 : f32 to vector<8x640xf32>
    %select_n3A_89 = arith.select %eq3A_84, %broadcast_in_dim3A_87, %broadcast_in_dim3A_88 : vector<8x640xi1>, vector<8x640xf32>
    %swap3A_90 = arith.constant 40 : index
    %swap3A_91 = arith.constant 0 : index
    %swap3A_92 = vector.load %arg11[%swap3A_90, %swap3A_91] : memref<48x640xf32, #tpu.memory_space<vmem>>, vector<8x640xf32>
    tpu.vector_store %arg11[%swap3A_90, %swap3A_91], %select_n3A_89 {strides = array<i32>} : memref<48x640xf32, #tpu.memory_space<vmem>>, vector<8x640xf32>,
    %iota3A_93 = tpu.iota {dimensions = array<i32: 1>} : vector<32x128xi32>
    %jit3A_94 = arith.constant 32 : i32
    %div3A_95 = vector.broadcast %jit3A_94 : i32 to vector<32x128xi32>
    %div3A_96 = arith.divsi %iota3A_93, %div3A_95 : vector<32x128xi32>
    %sign3A = arith.constant 0 : i32
    %sign3A_97 = vector.broadcast %sign3A : i32 to vector<32x128xi32>
    %sign3A_98 = arith.cmpi sgt, %iota3A_93, %sign3A_97 : vector<32x128xi32>
    %sign3A_99 = arith.extui %sign3A_98 : vector<32x128xi1> to vector<32x128xi32>
    %sign3A_100 = arith.constant 0 : i32
    %sign3A_101 = vector.broadcast %sign3A_100 : i32 to vector<32x128xi32>
    %sign3A_102 = arith.cmpi slt, %iota3A_93, %sign3A_101 : vector<32x128xi32>
    %sign3A_103 = arith.extui %sign3A_102 : vector<32x128xi1> to vector<32x128xi32>
    %sign3A_104 = arith.subi %sign3A_99, %sign3A_103 : vector<32x128xi32>
    %sign3A_105 = arith.constant 0 : i32
    %sign3A_106 = arith.cmpi sgt, %jit3A_94, %sign3A_105 : i32
    %sign3A_107 = arith.extui %sign3A_106 : i1 to i32
    %sign3A_108 = arith.constant 0 : i32
    %sign3A_109 = arith.cmpi slt, %jit3A_94, %sign3A_108 : i32
    %sign3A_110 = arith.extui %sign3A_109 : i1 to i32
    %sign3A_111 = arith.subi %sign3A_107, %sign3A_110 : i32
    %ne3A_112 = vector.broadcast %sign3A_111 : i32 to vector<32x128xi32>
    %ne3A_113 = arith.cmpi ne, %sign3A_104, %ne3A_112 : vector<32x128xi32>
    %rem3A_114 = vector.broadcast %jit3A_94 : i32 to vector<32x128xi32>
    %rem3A_115 = arith.remsi %iota3A_93, %rem3A_114 : vector<32x128xi32>
    %ne3A_116 = arith.constant 0 : i32
    %ne3A_117 = vector.broadcast %ne3A_116 : i32 to vector<32x128xi32>
    %ne3A_118 = arith.cmpi ne, %rem3A_115, %ne3A_117 : vector<32x128xi32>
    %and3A_119 = arith.andi %ne3A_113, %ne3A_118 : vector<32x128xi1>
    %sub3A_120 = arith.constant 1 : i32
    %sub3A_121 = vector.broadcast %sub3A_120 : i32 to vector<32x128xi32>
    %sub3A_122 = arith.subi %div3A_96, %sub3A_121 : vector<32x128xi32>
    %select_n3A_123 = arith.select %and3A_119, %sub3A_122, %div3A_96 : vector<32x128xi1>, vector<32x128xi32>
    %convert_element_type3A = arith.sitofp %select_n3A_123 : vector<32x128xi32> to vector<32x128xf32>
    %scan3A = arith.constant 0 : i32
    %scan3A_124 = arith.constant 8 : i32
    %scan3A_125 = arith.addi %scan3A, %scan3A_124 : i32
    %scan3A_126 = arith.constant 1 : i32
    scf.for %scan3A_486 = %scan3A to %scan3A_125 step %scan3A_126  : i32 {
      %mul3A_487 = arith.constant 2 : i32
      %mul3A_488 = arith.muli %scan3A_486, %mul3A_487 : i32
      %mul3A_489 = arith.constant 32 : i32
      %mul3A_490 = arith.muli %mul3A_488, %mul3A_489 : i32
      %get3A_491 = arith.index_cast %mul3A_490 : i32 to index
      %get3A_492 = arith.constant 0 : index
      %get3A_493 = vector.load %arg10[%get3A_491, %get3A_492] : memref<512x48xf32, #tpu.memory_space<vmem>>, vector<32x48xf32>
      %get3A_494 = arith.constant 0 : index
      %get3A_495 = arith.constant 0 : index
      %get3A_496 = vector.load %arg11[%get3A_494, %get3A_495] : memref<48x640xf32, #tpu.memory_space<vmem>>, vector<48x640xf32>
      %dot_general3A_497 = arith.constant dense<0.000000e+00> : vector<32x640xf32>
      %dot_general3A_498 = tpu.matmul %get3A_493, %get3A_496, %dot_general3A_497 {dimension_numbers = #tpu.dot_dimension_numbers<[1], [0], [0], [1], [0, 0, 1, 1], [], []>, precision = #tpu.contract_precision<fp32>, transpose_lhs_hint = false} : vector<32x48xf32>, vector<48x640xf32>, vector<32x640xf32> -> vector<32x640xf32>
      %get3A_499 = arith.constant 0 : index
      %get3A_500 = arith.index_cast %mul3A_490 : i32 to index
      %get3A_501 = arith.constant 0 : index
      %get3A_502 = vector.load %arg5[%get3A_499, %get3A_500, %get3A_501] : memref<1x512x640xf32, #tpu.memory_space<vmem>>, vector<1x32x640xf32>
      %get3A_503 = vector.shape_cast %get3A_502 : vector<1x32x640xf32> to vector<32x640xf32>
      %sub3A_504 = arith.subf %get3A_503, %dot_general3A_498 : vector<32x640xf32>
      %slice3A_505 = vector.extract_strided_slice %sub3A_504 {offsets = [0, 0], sizes = [32, 128], strides = [1, 1]} : vector<32x640xf32> to vector<32x128xf32>
      %slice3A_506 = vector.extract_strided_slice %sub3A_504 {offsets = [0, 128], sizes = [32, 128], strides = [1, 1]} : vector<32x640xf32> to vector<32x128xf32>
      %lt3A_507 = arith.cmpf olt, %slice3A_506, %slice3A_505 : vector<32x128xf32>
      %select_n3A_508 = arith.select %lt3A_507, %slice3A_506, %slice3A_505 : vector<32x128xi1>, vector<32x128xf32>
      %add3A_509 = arith.constant 4.000000e+00 : f32
      %add3A_510 = vector.broadcast %add3A_509 : f32 to vector<32x128xf32>
      %add3A_511 = arith.addf %convert_element_type3A, %add3A_510 : vector<32x128xf32>
      %select_n3A_512 = arith.select %lt3A_507, %add3A_511, %convert_element_type3A : vector<32x128xi1>, vector<32x128xf32>
      %slice3A_513 = vector.extract_strided_slice %sub3A_504 {offsets = [0, 256], sizes = [32, 128], strides = [1, 1]} : vector<32x640xf32> to vector<32x128xf32>
      %lt3A_514 = arith.cmpf olt, %slice3A_513, %select_n3A_508 : vector<32x128xf32>
      %select_n3A_515 = arith.select %lt3A_514, %slice3A_513, %select_n3A_508 : vector<32x128xi1>, vector<32x128xf32>
      %add3A_516 = arith.constant 8.000000e+00 : f32
      %add3A_517 = vector.broadcast %add3A_516 : f32 to vector<32x128xf32>
      %add3A_518 = arith.addf %convert_element_type3A, %add3A_517 : vector<32x128xf32>
      %select_n3A_519 = arith.select %lt3A_514, %add3A_518, %select_n3A_512 : vector<32x128xi1>, vector<32x128xf32>
      %slice3A_520 = vector.extract_strided_slice %sub3A_504 {offsets = [0, 384], sizes = [32, 128], strides = [1, 1]} : vector<32x640xf32> to vector<32x128xf32>
      %lt3A_521 = arith.cmpf olt, %slice3A_520, %select_n3A_515 : vector<32x128xf32>
      %select_n3A_522 = arith.select %lt3A_521, %slice3A_520, %select_n3A_515 : vector<32x128xi1>, vector<32x128xf32>
      %add3A_523 = arith.constant 1.200000e+01 : f32
      %add3A_524 = vector.broadcast %add3A_523 : f32 to vector<32x128xf32>
      %add3A_525 = arith.addf %convert_element_type3A, %add3A_524 : vector<32x128xf32>
      %select_n3A_526 = arith.select %lt3A_521, %add3A_525, %select_n3A_519 : vector<32x128xi1>, vector<32x128xf32>
      %slice3A_527 = vector.extract_strided_slice %sub3A_504 {offsets = [0, 512], sizes = [32, 128], strides = [1, 1]} : vector<32x640xf32> to vector<32x128xf32>
      %lt3A_528 = arith.cmpf olt, %slice3A_527, %select_n3A_522 : vector<32x128xf32>
      %select_n3A_529 = arith.select %lt3A_528, %slice3A_527, %select_n3A_522 : vector<32x128xi1>, vector<32x128xf32>
      %add3A_530 = arith.constant 1.600000e+01 : f32
      %add3A_531 = vector.broadcast %add3A_530 : f32 to vector<32x128xf32>
      %add3A_532 = arith.addf %convert_element_type3A, %add3A_531 : vector<32x128xf32>
      %select_n3A_533 = arith.select %lt3A_528, %add3A_532, %select_n3A_526 : vector<32x128xi1>, vector<32x128xf32>
      %roll3A = arith.constant 64 : i32
      %roll3A_534 = tpu.dynamic_rotate %select_n3A_529 by %roll3A dim 1 : vector<32x128xf32>, i32 -> vector<32x128xf32>
      %roll3A_535 = arith.constant 64 : i32
      %roll3A_536 = tpu.dynamic_rotate %select_n3A_533 by %roll3A_535 dim 1 : vector<32x128xf32>, i32 -> vector<32x128xf32>
      %lt3A_537 = arith.cmpf olt, %roll3A_534, %select_n3A_529 : vector<32x128xf32>
      %eq3A_538 = arith.cmpf oeq, %roll3A_534, %select_n3A_529 : vector<32x128xf32>
      %lt3A_539 = arith.cmpf olt, %roll3A_536, %select_n3A_533 : vector<32x128xf32>
      %and3A_540 = arith.andi %eq3A_538, %lt3A_539 : vector<32x128xi1>
      %or3A = arith.ori %lt3A_537, %and3A_540 : vector<32x128xi1>
      %select_n3A_541 = arith.select %or3A, %roll3A_534, %select_n3A_529 : vector<32x128xi1>, vector<32x128xf32>
      %select_n3A_542 = arith.select %or3A, %roll3A_536, %select_n3A_533 : vector<32x128xi1>, vector<32x128xf32>
      %roll3A_543 = arith.constant 96 : i32
      %roll3A_544 = tpu.dynamic_rotate %select_n3A_541 by %roll3A_543 dim 1 : vector<32x128xf32>, i32 -> vector<32x128xf32>
      %roll3A_545 = arith.constant 96 : i32
      %roll3A_546 = tpu.dynamic_rotate %select_n3A_542 by %roll3A_545 dim 1 : vector<32x128xf32>, i32 -> vector<32x128xf32>
      %lt3A_547 = arith.cmpf olt, %roll3A_544, %select_n3A_541 : vector<32x128xf32>
      %eq3A_548 = arith.cmpf oeq, %roll3A_544, %select_n3A_541 : vector<32x128xf32>
      %lt3A_549 = arith.cmpf olt, %roll3A_546, %select_n3A_542 : vector<32x128xf32>
      %and3A_550 = arith.andi %eq3A_548, %lt3A_549 : vector<32x128xi1>
      %or3A_551 = arith.ori %lt3A_547, %and3A_550 : vector<32x128xi1>
      %select_n3A_552 = arith.select %or3A_551, %roll3A_544, %select_n3A_541 : vector<32x128xi1>, vector<32x128xf32>
      %select_n3A_553 = arith.select %or3A_551, %roll3A_546, %select_n3A_542 : vector<32x128xi1>, vector<32x128xf32>
      %slice3A_554 = vector.extract_strided_slice %select_n3A_552 {offsets = [0, 0], sizes = [32, 32], strides = [1, 1]} : vector<32x128xf32> to vector<32x32xf32>
      %swap3A_555 = arith.index_cast %mul3A_490 : i32 to index
      %swap3A_556 = arith.constant 0 : index
      %swap3A_557 = vector.load %arg8[%swap3A_555, %swap3A_556] : memref<512x32xf32, #tpu.memory_space<vmem>>, vector<32x32xf32>
      tpu.vector_store %arg8[%swap3A_555, %swap3A_556], %slice3A_554 {strides = array<i32>} : memref<512x32xf32, #tpu.memory_space<vmem>>, vector<32x32xf32>,
      %slice3A_558 = vector.extract_strided_slice %select_n3A_553 {offsets = [0, 0], sizes = [32, 32], strides = [1, 1]} : vector<32x128xf32> to vector<32x32xf32>
      %swap3A_559 = arith.index_cast %mul3A_490 : i32 to index
      %swap3A_560 = arith.constant 0 : index
      %swap3A_561 = vector.load %arg9[%swap3A_559, %swap3A_560] : memref<512x32xf32, #tpu.memory_space<vmem>>, vector<32x32xf32>
      tpu.vector_store %arg9[%swap3A_559, %swap3A_560], %slice3A_558 {strides = array<i32>} : memref<512x32xf32, #tpu.memory_space<vmem>>, vector<32x32xf32>,
      %mul3A_562 = arith.constant 2 : i32
      %mul3A_563 = arith.muli %scan3A_486, %mul3A_562 : i32
      %mul3A_564 = arith.constant 32 : i32
      %mul3A_565 = arith.muli %mul3A_563, %mul3A_564 : i32
      %add3A_566 = arith.constant 32 : i32
      %add3A_567 = arith.addi %mul3A_565, %add3A_566 : i32
      %get3A_568 = arith.index_cast %add3A_567 : i32 to index
      %get3A_569 = arith.constant 0 : index
      %get3A_570 = vector.load %arg10[%get3A_568, %get3A_569] : memref<512x48xf32, #tpu.memory_space<vmem>>, vector<32x48xf32>
      %get3A_571 = arith.constant 0 : index
      %get3A_572 = arith.constant 0 : index
      %get3A_573 = vector.load %arg11[%get3A_571, %get3A_572] : memref<48x640xf32, #tpu.memory_space<vmem>>, vector<48x640xf32>
      %dot_general3A_574 = arith.constant dense<0.000000e+00> : vector<32x640xf32>
      %dot_general3A_575 = tpu.matmul %get3A_570, %get3A_573, %dot_general3A_574 {dimension_numbers = #tpu.dot_dimension_numbers<[1], [0], [0], [1], [0, 0, 1, 1], [], []>, precision = #tpu.contract_precision<fp32>, transpose_lhs_hint = false} : vector<32x48xf32>, vector<48x640xf32>, vector<32x640xf32> -> vector<32x640xf32>
      %get3A_576 = arith.constant 0 : index
      %get3A_577 = arith.index_cast %add3A_567 : i32 to index
      %get3A_578 = arith.constant 0 : index
      %get3A_579 = vector.load %arg5[%get3A_576, %get3A_577, %get3A_578] : memref<1x512x640xf32, #tpu.memory_space<vmem>>, vector<1x32x640xf32>
      %get3A_580 = vector.shape_cast %get3A_579 : vector<1x32x640xf32> to vector<32x640xf32>
      %sub3A_581 = arith.subf %get3A_580, %dot_general3A_575 : vector<32x640xf32>
      %slice3A_582 = vector.extract_strided_slice %sub3A_581 {offsets = [0, 0], sizes = [32, 128], strides = [1, 1]} : vector<32x640xf32> to vector<32x128xf32>
      %slice3A_583 = vector.extract_strided_slice %sub3A_581 {offsets = [0, 128], sizes = [32, 128], strides = [1, 1]} : vector<32x640xf32> to vector<32x128xf32>
      %lt3A_584 = arith.cmpf olt, %slice3A_583, %slice3A_582 : vector<32x128xf32>
      %select_n3A_585 = arith.select %lt3A_584, %slice3A_583, %slice3A_582 : vector<32x128xi1>, vector<32x128xf32>
      %add3A_586 = arith.constant 4.000000e+00 : f32
      %add3A_587 = vector.broadcast %add3A_586 : f32 to vector<32x128xf32>
      %add3A_588 = arith.addf %convert_element_type3A, %add3A_587 : vector<32x128xf32>
      %select_n3A_589 = arith.select %lt3A_584, %add3A_588, %convert_element_type3A : vector<32x128xi1>, vector<32x128xf32>
      %slice3A_590 = vector.extract_strided_slice %sub3A_581 {offsets = [0, 256], sizes = [32, 128], strides = [1, 1]} : vector<32x640xf32> to vector<32x128xf32>
      %lt3A_591 = arith.cmpf olt, %slice3A_590, %select_n3A_585 : vector<32x128xf32>
      %select_n3A_592 = arith.select %lt3A_591, %slice3A_590, %select_n3A_585 : vector<32x128xi1>, vector<32x128xf32>
      %add3A_593 = arith.constant 8.000000e+00 : f32
      %add3A_594 = vector.broadcast %add3A_593 : f32 to vector<32x128xf32>
      %add3A_595 = arith.addf %convert_element_type3A, %add3A_594 : vector<32x128xf32>
      %select_n3A_596 = arith.select %lt3A_591, %add3A_595, %select_n3A_589 : vector<32x128xi1>, vector<32x128xf32>
      %slice3A_597 = vector.extract_strided_slice %sub3A_581 {offsets = [0, 384], sizes = [32, 128], strides = [1, 1]} : vector<32x640xf32> to vector<32x128xf32>
      %lt3A_598 = arith.cmpf olt, %slice3A_597, %select_n3A_592 : vector<32x128xf32>
      %select_n3A_599 = arith.select %lt3A_598, %slice3A_597, %select_n3A_592 : vector<32x128xi1>, vector<32x128xf32>
      %add3A_600 = arith.constant 1.200000e+01 : f32
      %add3A_601 = vector.broadcast %add3A_600 : f32 to vector<32x128xf32>
      %add3A_602 = arith.addf %convert_element_type3A, %add3A_601 : vector<32x128xf32>
      %select_n3A_603 = arith.select %lt3A_598, %add3A_602, %select_n3A_596 : vector<32x128xi1>, vector<32x128xf32>
      %slice3A_604 = vector.extract_strided_slice %sub3A_581 {offsets = [0, 512], sizes = [32, 128], strides = [1, 1]} : vector<32x640xf32> to vector<32x128xf32>
      %lt3A_605 = arith.cmpf olt, %slice3A_604, %select_n3A_599 : vector<32x128xf32>
      %select_n3A_606 = arith.select %lt3A_605, %slice3A_604, %select_n3A_599 : vector<32x128xi1>, vector<32x128xf32>
      %add3A_607 = arith.constant 1.600000e+01 : f32
      %add3A_608 = vector.broadcast %add3A_607 : f32 to vector<32x128xf32>
      %add3A_609 = arith.addf %convert_element_type3A, %add3A_608 : vector<32x128xf32>
      %select_n3A_610 = arith.select %lt3A_605, %add3A_609, %select_n3A_603 : vector<32x128xi1>, vector<32x128xf32>
      %roll3A_611 = arith.constant 64 : i32
      %roll3A_612 = tpu.dynamic_rotate %select_n3A_606 by %roll3A_611 dim 1 : vector<32x128xf32>, i32 -> vector<32x128xf32>
      %roll3A_613 = arith.constant 64 : i32
      %roll3A_614 = tpu.dynamic_rotate %select_n3A_610 by %roll3A_613 dim 1 : vector<32x128xf32>, i32 -> vector<32x128xf32>
      %lt3A_615 = arith.cmpf olt, %roll3A_612, %select_n3A_606 : vector<32x128xf32>
      %eq3A_616 = arith.cmpf oeq, %roll3A_612, %select_n3A_606 : vector<32x128xf32>
      %lt3A_617 = arith.cmpf olt, %roll3A_614, %select_n3A_610 : vector<32x128xf32>
      %and3A_618 = arith.andi %eq3A_616, %lt3A_617 : vector<32x128xi1>
      %or3A_619 = arith.ori %lt3A_615, %and3A_618 : vector<32x128xi1>
      %select_n3A_620 = arith.select %or3A_619, %roll3A_612, %select_n3A_606 : vector<32x128xi1>, vector<32x128xf32>
      %select_n3A_621 = arith.select %or3A_619, %roll3A_614, %select_n3A_610 : vector<32x128xi1>, vector<32x128xf32>
      %roll3A_622 = arith.constant 96 : i32
      %roll3A_623 = tpu.dynamic_rotate %select_n3A_620 by %roll3A_622 dim 1 : vector<32x128xf32>, i32 -> vector<32x128xf32>
      %roll3A_624 = arith.constant 96 : i32
      %roll3A_625 = tpu.dynamic_rotate %select_n3A_621 by %roll3A_624 dim 1 : vector<32x128xf32>, i32 -> vector<32x128xf32>
      %lt3A_626 = arith.cmpf olt, %roll3A_623, %select_n3A_620 : vector<32x128xf32>
      %eq3A_627 = arith.cmpf oeq, %roll3A_623, %select_n3A_620 : vector<32x128xf32>
      %lt3A_628 = arith.cmpf olt, %roll3A_625, %select_n3A_621 : vector<32x128xf32>
      %and3A_629 = arith.andi %eq3A_627, %lt3A_628 : vector<32x128xi1>
      %or3A_630 = arith.ori %lt3A_626, %and3A_629 : vector<32x128xi1>
      %select_n3A_631 = arith.select %or3A_630, %roll3A_623, %select_n3A_620 : vector<32x128xi1>, vector<32x128xf32>
      %select_n3A_632 = arith.select %or3A_630, %roll3A_625, %select_n3A_621 : vector<32x128xi1>, vector<32x128xf32>
      %slice3A_633 = vector.extract_strided_slice %select_n3A_631 {offsets = [0, 0], sizes = [32, 32], strides = [1, 1]} : vector<32x128xf32> to vector<32x32xf32>
      %swap3A_634 = arith.index_cast %add3A_567 : i32 to index
      %swap3A_635 = arith.constant 0 : index
      %swap3A_636 = vector.load %arg8[%swap3A_634, %swap3A_635] : memref<512x32xf32, #tpu.memory_space<vmem>>, vector<32x32xf32>
      tpu.vector_store %arg8[%swap3A_634, %swap3A_635], %slice3A_633 {strides = array<i32>} : memref<512x32xf32, #tpu.memory_space<vmem>>, vector<32x32xf32>,
      %slice3A_637 = vector.extract_strided_slice %select_n3A_632 {offsets = [0, 0], sizes = [32, 32], strides = [1, 1]} : vector<32x128xf32> to vector<32x32xf32>
      %swap3A_638 = arith.index_cast %add3A_567 : i32 to index
      %swap3A_639 = arith.constant 0 : index
      %swap3A_640 = vector.load %arg9[%swap3A_638, %swap3A_639] : memref<512x32xf32, #tpu.memory_space<vmem>>, vector<32x32xf32>
      tpu.vector_store %arg9[%swap3A_638, %swap3A_639], %slice3A_637 {strides = array<i32>} : memref<512x32xf32, #tpu.memory_space<vmem>>, vector<32x32xf32>,
    }
    %scan3A_127 = arith.constant 8 : i32
    %get3A_128 = arith.constant 0 : index
    %get3A_129 = arith.constant 0 : index
    %get3A_130 = arith.constant 0 : index
    %get3A_131 = vector.load %arg1[%get3A_128, %get3A_129, %get3A_130] : memref<1x512x3xf32, #tpu.memory_space<vmem>>, vector<1x512x3xf32>
    %get3A_132 = vector.shape_cast %get3A_131 : vector<1x512x3xf32> to vector<512x3xf32>
    %logistic3A = arith.negf %get3A_132 : vector<512x3xf32>
    %logistic3A_133 = math.exp %logistic3A : vector<512x3xf32>
    %logistic3A_134 = arith.constant 1.000000e+00 : f32
    %logistic3A_135 = vector.broadcast %logistic3A_134 : f32 to vector<512x3xf32>
    %logistic3A_136 = arith.addf %logistic3A_135, %logistic3A_133 : vector<512x3xf32>
    %logistic3A_137 = arith.divf %logistic3A_135, %logistic3A_136 : vector<512x3xf32>
    %sub3A_138 = arith.constant 1.000000e+00 : f32
    %sub3A_139 = vector.broadcast %sub3A_138 : f32 to vector<512x3xf32>
    %sub3A_140 = arith.subf %sub3A_139, %logistic3A_137 : vector<512x3xf32>
    %add3A_141 = arith.constant 9.99999996E-13 : f32
    %add3A_142 = vector.broadcast %add3A_141 : f32 to vector<512x3xf32>
    %add3A_143 = arith.addf %sub3A_140, %add3A_142 : vector<512x3xf32>
    %log3A = math.log %add3A_143 : vector<512x3xf32>
    %neg3A = arith.constant 0.000000e+00 : f32
    %neg3A_144 = vector.broadcast %neg3A : f32 to vector<512x3xf32>
    %neg3A_145 = arith.subf %neg3A_144, %log3A : vector<512x3xf32>
    %pow3A = arith.constant 2.000000e+00 : f32
    %pow3A_146 = vector.broadcast %pow3A : f32 to vector<512x3xf32>
    %pow3A_147 = math.powf %logistic3A_137, %pow3A_146 : vector<512x3xf32>
    %mul3A_148 = arith.mulf %neg3A_145, %pow3A_147 : vector<512x3xf32>
    %mul3A_149 = arith.constant 7.500000e-01 : f32
    %mul3A_150 = vector.broadcast %mul3A_149 : f32 to vector<512x3xf32>
    %mul3A_151 = arith.mulf %mul3A_148, %mul3A_150 : vector<512x3xf32>
    %add3A_152 = arith.constant 9.99999996E-13 : f32
    %add3A_153 = vector.broadcast %add3A_152 : f32 to vector<512x3xf32>
    %add3A_154 = arith.addf %logistic3A_137, %add3A_153 : vector<512x3xf32>
    %log3A_155 = math.log %add3A_154 : vector<512x3xf32>
    %neg3A_156 = arith.constant 0.000000e+00 : f32
    %neg3A_157 = vector.broadcast %neg3A_156 : f32 to vector<512x3xf32>
    %neg3A_158 = arith.subf %neg3A_157, %log3A_155 : vector<512x3xf32>
    %sub3A_159 = arith.constant 1.000000e+00 : f32
    %sub3A_160 = vector.broadcast %sub3A_159 : f32 to vector<512x3xf32>
    %sub3A_161 = arith.subf %sub3A_160, %logistic3A_137 : vector<512x3xf32>
    %pow3A_162 = arith.constant 2.000000e+00 : f32
    %pow3A_163 = vector.broadcast %pow3A_162 : f32 to vector<512x3xf32>
    %pow3A_164 = math.powf %sub3A_161, %pow3A_163 : vector<512x3xf32>
    %mul3A_165 = arith.mulf %neg3A_158, %pow3A_164 : vector<512x3xf32>
    %mul3A_166 = arith.constant 2.500000e-01 : f32
    %mul3A_167 = vector.broadcast %mul3A_166 : f32 to vector<512x3xf32>
    %mul3A_168 = arith.mulf %mul3A_165, %mul3A_167 : vector<512x3xf32>
    %sub3A_169 = arith.subf %mul3A_168, %mul3A_151 : vector<512x3xf32>
    %reduce_sum3A_170 = vector.shape_cast %mul3A_151 : vector<512x3xf32> to vector<1x512x3xf32>
    %reduce_sum3A_171 = arith.constant dense<0.000000e+00> : vector<1xf32>
    %reduce_sum3A_172 = vector.multi_reduction <add>, %reduce_sum3A_170, %reduce_sum3A_171 [1, 2] : vector<1x512x3xf32> to vector<1xf32>
    %reduce_sum3A_173 = vector.shape_cast %reduce_sum3A_172 : vector<1xf32> to vector<1x1x1xf32>
    %reduce_sum3A_174 = vector.extract %reduce_sum3A_173[0, 0, 0] : f32 from vector<1x1x1xf32>
    %get3A_175 = arith.constant 0 : index
    %get3A_176 = arith.constant 0 : index
    %get3A_177 = arith.constant 0 : index
    %get3A_178 = vector.load %arg4[%get3A_175, %get3A_176, %get3A_177] : memref<1x1x32xi32, #tpu.memory_space<vmem>>, vector<1x1x32xi32>
    %get3A_179 = vector.shape_cast %get3A_178 : vector<1x1x32xi32> to vector<1x32xi32>
    %iota3A_180 = tpu.iota {dimensions = array<i32: 0>} : vector<3x32xi32>
    %eq3A_181 = vector.broadcast %get3A_179 : vector<1x32xi32> to vector<3x32xi32>
    %eq3A_182 = arith.cmpi eq, %iota3A_180, %eq3A_181 : vector<3x32xi32>
    %jit3A_183 = arith.constant 1.000000e+00 : f32
    %jit3A_184 = arith.constant 0.000000e+00 : f32
    %broadcast_in_dim3A_185 = vector.broadcast %jit3A_183 : f32 to vector<3x32xf32>
    %broadcast_in_dim3A_186 = vector.broadcast %jit3A_184 : f32 to vector<3x32xf32>
    %select_n3A_187 = arith.select %eq3A_182, %broadcast_in_dim3A_185, %broadcast_in_dim3A_186 : vector<3x32xi1>, vector<3x32xf32>
    %dot_general3A = arith.constant dense<0.000000e+00> : vector<512x32xf32>
    %dot_general3A_188 = tpu.matmul %sub3A_169, %select_n3A_187, %dot_general3A {dimension_numbers = #tpu.dot_dimension_numbers<[1], [0], [0], [1], [0, 0, 1, 1], [], []>, precision = #tpu.contract_precision<fp32>, transpose_lhs_hint = false} : vector<512x3xf32>, vector<3x32xf32>, vector<512x32xf32> -> vector<512x32xf32>
    %get3A_189 = arith.constant 0 : index
    %get3A_190 = arith.constant 0 : index
    %get3A_191 = vector.load %arg8[%get3A_189, %get3A_190] : memref<512x32xf32, #tpu.memory_space<vmem>>, vector<512x32xf32>
    %mul3A_192 = arith.constant 2.000000e+00 : f32
    %mul3A_193 = vector.broadcast %mul3A_192 : f32 to vector<512x32xf32>
    %mul3A_194 = arith.mulf %mul3A_193, %dot_general3A_188 : vector<512x32xf32>
    %mul3A_195 = arith.constant 2.500000e-01 : f32
    %mul3A_196 = vector.broadcast %mul3A_195 : f32 to vector<512x32xf32>
    %mul3A_197 = arith.mulf %mul3A_196, %get3A_191 : vector<512x32xf32>
    %add3A_198 = arith.addf %mul3A_194, %mul3A_197 : vector<512x32xf32>
    %reduce_min3A = arith.constant dense<0x7F800000> : vector<32xf32>
    %reduce_min3A_199 = vector.multi_reduction <minimumf>, %add3A_198, %reduce_min3A [0] : vector<512x32xf32> to vector<32xf32>
    %broadcast_in_dim3A_200 = vector.shape_cast %reduce_min3A_199 : vector<32xf32> to vector<1x32xf32>
    %iota3A_201 = tpu.iota {dimensions = array<i32: 0>} : vector<512x32xi32>
    %convert_element_type3A_202 = arith.sitofp %iota3A_201 : vector<512x32xi32> to vector<512x32xf32>
    %eq3A_203 = vector.broadcast %broadcast_in_dim3A_200 : vector<1x32xf32> to vector<512x32xf32>
    %eq3A_204 = arith.cmpf oeq, %add3A_198, %eq3A_203 : vector<512x32xf32>
    %jit3A_205 = arith.constant 5.120000e+02 : f32
    %broadcast_in_dim3A_206 = vector.broadcast %jit3A_205 : f32 to vector<512x32xf32>
    %select_n3A_207 = arith.select %eq3A_204, %convert_element_type3A_202, %broadcast_in_dim3A_206 : vector<512x32xi1>, vector<512x32xf32>
    %reduce_min3A_208 = arith.constant dense<0x7F800000> : vector<32xf32>
    %reduce_min3A_209 = vector.multi_reduction <minimumf>, %select_n3A_207, %reduce_min3A_208 [0] : vector<512x32xf32> to vector<32xf32>
    %broadcast_in_dim3A_210 = vector.shape_cast %reduce_min3A_209 : vector<32xf32> to vector<1x32xf32>
    %iota3A_211 = tpu.iota {dimensions = array<i32: 0>} : vector<32x32xi32>
    %iota3A_212 = tpu.iota {dimensions = array<i32: 1>} : vector<32x32xi32>
    %eq3A_213 = arith.cmpi eq, %iota3A_211, %iota3A_212 : vector<32x32xi32>
    %jit3A_214 = arith.constant 1.000000e+00 : f32
    %jit3A_215 = arith.constant 0.000000e+00 : f32
    %broadcast_in_dim3A_216 = vector.broadcast %jit3A_214 : f32 to vector<32x32xf32>
    %broadcast_in_dim3A_217 = vector.broadcast %jit3A_215 : f32 to vector<32x32xf32>
    %select_n3A_218 = arith.select %eq3A_213, %broadcast_in_dim3A_216, %broadcast_in_dim3A_217 : vector<32x32xi1>, vector<32x32xf32>
    %dot_general3A_219 = arith.constant dense<0.000000e+00> : vector<32x1xf32>
    %dot_general3A_220 = tpu.matmul %select_n3A_218, %broadcast_in_dim3A_210, %dot_general3A_219 {dimension_numbers = #tpu.dot_dimension_numbers<[1], [1], [0], [0], [0, 0, 1, 0], [], []>, precision = #tpu.contract_precision<fp32>, transpose_lhs_hint = false} : vector<32x32xf32>, vector<1x32xf32>, vector<32x1xf32> -> vector<32x1xf32>
    %iota3A_221 = tpu.iota {dimensions = array<i32: 0>} : vector<32x32xi32>
    %iota3A_222 = tpu.iota {dimensions = array<i32: 1>} : vector<32x32xi32>
    %gt3A = arith.cmpi sgt, %iota3A_221, %iota3A_222 : vector<32x32xi32>
    %eq3A_223 = vector.broadcast %dot_general3A_220 : vector<32x1xf32> to vector<32x32xf32>
    %eq3A_224 = vector.broadcast %broadcast_in_dim3A_210 : vector<1x32xf32> to vector<32x32xf32>
    %eq3A_225 = arith.cmpf oeq, %eq3A_223, %eq3A_224 : vector<32x32xf32>
    %and3A_226 = arith.andi %eq3A_225, %gt3A : vector<32x32xi1>
    %jit3A_227 = arith.constant 1.000000e+00 : f32
    %jit3A_228 = arith.constant 0.000000e+00 : f32
    %broadcast_in_dim3A_229 = vector.broadcast %jit3A_227 : f32 to vector<32x32xf32>
    %broadcast_in_dim3A_230 = vector.broadcast %jit3A_228 : f32 to vector<32x32xf32>
    %select_n3A_231 = arith.select %and3A_226, %broadcast_in_dim3A_229, %broadcast_in_dim3A_230 : vector<32x32xi1>, vector<32x32xf32>
    %reduce_max3A = arith.constant dense<0xFF800000> : vector<32xf32>
    %reduce_max3A_232 = vector.multi_reduction <maximumf>, %select_n3A_231, %reduce_max3A [0] : vector<32x32xf32> to vector<32xf32>
    %broadcast_in_dim3A_233 = vector.shape_cast %reduce_max3A_232 : vector<32xf32> to vector<1x32xf32>
    %sub3A_234 = arith.constant 1.000000e+00 : f32
    %sub3A_235 = vector.broadcast %sub3A_234 : f32 to vector<1x32xf32>
    %sub3A_236 = arith.subf %sub3A_235, %broadcast_in_dim3A_233 : vector<1x32xf32>
    %eq3A_237 = vector.broadcast %broadcast_in_dim3A_210 : vector<1x32xf32> to vector<512x32xf32>
    %eq3A_238 = arith.cmpf oeq, %convert_element_type3A_202, %eq3A_237 : vector<512x32xf32>
    %jit3A_239 = arith.constant 1.000000e+00 : f32
    %jit3A_240 = arith.constant 0.000000e+00 : f32
    %broadcast_in_dim3A_241 = vector.broadcast %jit3A_239 : f32 to vector<512x32xf32>
    %broadcast_in_dim3A_242 = vector.broadcast %jit3A_240 : f32 to vector<512x32xf32>
    %select_n3A_243 = arith.select %eq3A_238, %broadcast_in_dim3A_241, %broadcast_in_dim3A_242 : vector<512x32xi1>, vector<512x32xf32>
    %mul3A_244 = arith.mulf %select_n3A_243, %get3A_191 : vector<512x32xf32>
    %reduce_sum3A_245 = arith.constant dense<0.000000e+00> : vector<32xf32>
    %reduce_sum3A_246 = vector.multi_reduction <add>, %mul3A_244, %reduce_sum3A_245 [0] : vector<512x32xf32> to vector<32xf32>
    %broadcast_in_dim3A_247 = vector.shape_cast %reduce_sum3A_246 : vector<32xf32> to vector<1x32xf32>
    %get3A_248 = arith.constant 0 : index
    %get3A_249 = arith.constant 0 : index
    %get3A_250 = vector.load %arg9[%get3A_248, %get3A_249] : memref<512x32xf32, #tpu.memory_space<vmem>>, vector<512x32xf32>
    %mul3A_251 = arith.mulf %select_n3A_243, %get3A_250 : vector<512x32xf32>
    %reduce_sum3A_252 = arith.constant dense<0.000000e+00> : vector<32xf32>
    %reduce_sum3A_253 = vector.multi_reduction <add>, %mul3A_251, %reduce_sum3A_252 [0] : vector<512x32xf32> to vector<32xf32>
    %broadcast_in_dim3A_254 = vector.shape_cast %reduce_sum3A_253 : vector<32xf32> to vector<1x32xf32>
    %mul3A_255 = arith.constant 2.500000e-01 : f32
    %mul3A_256 = vector.broadcast %mul3A_255 : f32 to vector<1x32xf32>
    %mul3A_257 = arith.mulf %mul3A_256, %broadcast_in_dim3A_247 : vector<1x32xf32>
    %sub3A_258 = arith.subf %broadcast_in_dim3A_200, %mul3A_257 : vector<1x32xf32>
    %mul3A_259 = arith.constant 5.000000e-01 : f32
    %mul3A_260 = vector.broadcast %mul3A_259 : f32 to vector<1x32xf32>
    %mul3A_261 = arith.mulf %sub3A_258, %mul3A_260 : vector<1x32xf32>
    %reduce_sum3A_262 = vector.shape_cast %sub3A_236 : vector<1x32xf32> to vector<1x1x32xf32>
    %reduce_sum3A_263 = arith.constant dense<0.000000e+00> : vector<1xf32>
    %reduce_sum3A_264 = vector.multi_reduction <add>, %reduce_sum3A_262, %reduce_sum3A_263 [1, 2] : vector<1x1x32xf32> to vector<1xf32>
    %reduce_sum3A_265 = vector.shape_cast %reduce_sum3A_264 : vector<1xf32> to vector<1x1x1xf32>
    %reduce_sum3A_266 = vector.extract %reduce_sum3A_265[0, 0, 0] : f32 from vector<1x1x1xf32>
    %mul3A_267 = arith.mulf %sub3A_236, %mul3A_261 : vector<1x32xf32>
    %reduce_sum3A_268 = vector.shape_cast %mul3A_267 : vector<1x32xf32> to vector<1x1x32xf32>
    %reduce_sum3A_269 = arith.constant dense<0.000000e+00> : vector<1xf32>
    %reduce_sum3A_270 = vector.multi_reduction <add>, %reduce_sum3A_268, %reduce_sum3A_269 [1, 2] : vector<1x1x32xf32> to vector<1xf32>
    %reduce_sum3A_271 = vector.shape_cast %reduce_sum3A_270 : vector<1xf32> to vector<1x1x1xf32>
    %reduce_sum3A_272 = vector.extract %reduce_sum3A_271[0, 0, 0] : f32 from vector<1x1x1xf32>
    %add3A_273 = arith.addf %reduce_sum3A_174, %reduce_sum3A_272 : f32
    %mul3A_274 = arith.constant 2.000000e+00 : f32
    %mul3A_275 = arith.mulf %mul3A_274, %add3A_273 : f32
    %mul3A_276 = arith.mulf %sub3A_236, %broadcast_in_dim3A_247 : vector<1x32xf32>
    %reduce_sum3A_277 = vector.shape_cast %mul3A_276 : vector<1x32xf32> to vector<1x1x32xf32>
    %reduce_sum3A_278 = arith.constant dense<0.000000e+00> : vector<1xf32>
    %reduce_sum3A_279 = vector.multi_reduction <add>, %reduce_sum3A_277, %reduce_sum3A_278 [1, 2] : vector<1x1x32xf32> to vector<1xf32>
    %reduce_sum3A_280 = vector.shape_cast %reduce_sum3A_279 : vector<1xf32> to vector<1x1x1xf32>
    %reduce_sum3A_281 = vector.extract %reduce_sum3A_280[0, 0, 0] : f32 from vector<1x1x1xf32>
    %mul3A_282 = arith.constant 5.000000e+00 : f32
    %mul3A_283 = arith.mulf %mul3A_282, %reduce_sum3A_281 : f32
    %dot_general3A_284 = arith.constant dense<0.000000e+00> : vector<32x40xf32>
    %dot_general3A_285 = tpu.matmul %select_n3A_243, %get3A_63, %dot_general3A_284 {dimension_numbers = #tpu.dot_dimension_numbers<[0], [0], [1], [1], [0, 1, 1, 1], [], []>, transpose_lhs_hint = false} : vector<512x32xf32>, vector<512x40xf32>, vector<32x40xf32> -> vector<32x40xf32>
    %iota3A_286 = tpu.iota {dimensions = array<i32: 0>} : vector<640x1xi32>
    %and3A_287 = arith.constant 31 : i32
    %and3A_288 = vector.broadcast %and3A_287 : i32 to vector<640x1xi32>
    %and3A_289 = arith.andi %iota3A_286, %and3A_288 : vector<640x1xi32>
    %convert_element_type3A_290 = arith.sitofp %and3A_289 : vector<640x1xi32> to vector<640x1xf32>
    %iota3A_291 = tpu.iota {dimensions = array<i32: 1>} : vector<1x32xi32>
    %convert_element_type3A_292 = arith.sitofp %iota3A_291 : vector<1x32xi32> to vector<1x32xf32>
    %shift_right_logical3A = arith.constant 5 : i32
    %shift_right_logical3A_293 = vector.broadcast %shift_right_logical3A : i32 to vector<640x1xi32>
    %shift_right_logical3A_294 = arith.shrui %iota3A_286, %shift_right_logical3A_293 : vector<640x1xi32>
    %convert_element_type3A_295 = arith.sitofp %shift_right_logical3A_294 : vector<640x1xi32> to vector<640x1xf32>
    %eq3A_296 = vector.broadcast %convert_element_type3A_290 : vector<640x1xf32> to vector<640x32xf32>
    %eq3A_297 = vector.broadcast %convert_element_type3A_292 : vector<1x32xf32> to vector<640x32xf32>
    %eq3A_298 = arith.cmpf oeq, %eq3A_296, %eq3A_297 : vector<640x32xf32>
    %eq3A_299 = vector.broadcast %convert_element_type3A_295 : vector<640x1xf32> to vector<640x32xf32>
    %eq3A_300 = vector.broadcast %broadcast_in_dim3A_254 : vector<1x32xf32> to vector<640x32xf32>
    %eq3A_301 = arith.cmpf oeq, %eq3A_299, %eq3A_300 : vector<640x32xf32>
    %and3A_302 = arith.andi %eq3A_298, %eq3A_301 : vector<640x32xi1>
    %jit3A_303 = arith.constant 1.000000e+00 : f32
    %jit3A_304 = arith.constant 0.000000e+00 : f32
    %broadcast_in_dim3A_305 = vector.broadcast %jit3A_303 : f32 to vector<640x32xf32>
    %broadcast_in_dim3A_306 = vector.broadcast %jit3A_304 : f32 to vector<640x32xf32>
    %select_n3A_307 = arith.select %and3A_302, %broadcast_in_dim3A_305, %broadcast_in_dim3A_306 : vector<640x32xi1>, vector<640x32xf32>
    %get3A_308 = arith.constant 0 : index
    %get3A_309 = arith.constant 0 : index
    %get3A_310 = vector.load %arg7[%get3A_308, %get3A_309] : memref<40x640xf32, #tpu.memory_space<vmem>>, vector<40x640xf32>
    %dot_general3A_311 = arith.constant dense<0.000000e+00> : vector<32x40xf32>
    %dot_general3A_312 = tpu.matmul %select_n3A_307, %get3A_310, %dot_general3A_311 {dimension_numbers = #tpu.dot_dimension_numbers<[0], [1], [1], [0], [0, 1, 1, 0], [], []>, transpose_lhs_hint = false} : vector<640x32xf32>, vector<40x640xf32>, vector<32x40xf32> -> vector<32x40xf32>
    %iota3A_313 = tpu.iota {dimensions = array<i32: 1>} : vector<1x40xi32>
    %jit3A_314 = arith.constant 2 : i32
    %eq3A_315 = arith.constant 0 : i32
    %eq3A_316 = arith.cmpi eq, %jit3A_314, %eq3A_315 : i32
    %jit3A_317 = arith.constant 1 : i32
    %select_n3A_318 = arith.select %eq3A_316, %jit3A_317, %jit3A_314 : i32
    %rem3A_319 = vector.broadcast %select_n3A_318 : i32 to vector<1x40xi32>
    %rem3A_320 = arith.remsi %iota3A_313, %rem3A_319 : vector<1x40xi32>
    %ne3A_321 = arith.constant 0 : i32
    %ne3A_322 = vector.broadcast %ne3A_321 : i32 to vector<1x40xi32>
    %ne3A_323 = arith.cmpi ne, %rem3A_320, %ne3A_322 : vector<1x40xi32>
    %lt3A_324 = arith.constant 0 : i32
    %lt3A_325 = vector.broadcast %lt3A_324 : i32 to vector<1x40xi32>
    %lt3A_326 = arith.cmpi slt, %rem3A_320, %lt3A_325 : vector<1x40xi32>
    %lt3A_327 = arith.constant 0 : i32
    %lt3A_328 = arith.cmpi slt, %select_n3A_318, %lt3A_327 : i32
    %ne3A_329 = vector.broadcast %lt3A_328 : i1 to vector<1x40xi1>
    %ne3A_330 = vector.broadcast %ne3A_329 : vector<1x40xi1> to vector<1x40xi1>
    %ne3A_331 = arith.xori %lt3A_326, %ne3A_330 : vector<1x40xi1>
    %and3A_332 = arith.andi %ne3A_331, %ne3A_323 : vector<1x40xi1>
    %add3A_333 = vector.broadcast %select_n3A_318 : i32 to vector<1x40xi32>
    %add3A_334 = arith.addi %rem3A_320, %add3A_333 : vector<1x40xi32>
    %select_n3A_335 = arith.select %and3A_332, %add3A_334, %rem3A_320 : vector<1x40xi1>, vector<1x40xi32>
    %eq3A_336 = arith.constant 0 : i32
    %eq3A_337 = vector.broadcast %eq3A_336 : i32 to vector<1x40xi32>
    %eq3A_338 = arith.cmpi eq, %select_n3A_335, %eq3A_337 : vector<1x40xi32>
    %jit3A_339 = arith.constant -1.500000e+01 : f32
    %jit3A_340 = arith.constant -3.000000e+01 : f32
    %broadcast_in_dim3A_341 = vector.broadcast %jit3A_339 : f32 to vector<1x40xf32>
    %broadcast_in_dim3A_342 = vector.broadcast %jit3A_340 : f32 to vector<1x40xf32>
    %select_n3A_343 = arith.select %eq3A_338, %broadcast_in_dim3A_341, %broadcast_in_dim3A_342 : vector<1x40xi1>, vector<1x40xf32>
    %jit3A_344 = arith.constant 2 : i32
    %eq3A_345 = arith.constant 0 : i32
    %eq3A_346 = arith.cmpi eq, %jit3A_344, %eq3A_345 : i32
    %jit3A_347 = arith.constant 1 : i32
    %select_n3A_348 = arith.select %eq3A_346, %jit3A_347, %jit3A_344 : i32
    %rem3A_349 = vector.broadcast %select_n3A_348 : i32 to vector<1x40xi32>
    %rem3A_350 = arith.remsi %iota3A_313, %rem3A_349 : vector<1x40xi32>
    %ne3A_351 = arith.constant 0 : i32
    %ne3A_352 = vector.broadcast %ne3A_351 : i32 to vector<1x40xi32>
    %ne3A_353 = arith.cmpi ne, %rem3A_350, %ne3A_352 : vector<1x40xi32>
    %lt3A_354 = arith.constant 0 : i32
    %lt3A_355 = vector.broadcast %lt3A_354 : i32 to vector<1x40xi32>
    %lt3A_356 = arith.cmpi slt, %rem3A_350, %lt3A_355 : vector<1x40xi32>
    %lt3A_357 = arith.constant 0 : i32
    %lt3A_358 = arith.cmpi slt, %select_n3A_348, %lt3A_357 : i32
    %ne3A_359 = vector.broadcast %lt3A_358 : i1 to vector<1x40xi1>
    %ne3A_360 = vector.broadcast %ne3A_359 : vector<1x40xi1> to vector<1x40xi1>
    %ne3A_361 = arith.xori %lt3A_356, %ne3A_360 : vector<1x40xi1>
    %and3A_362 = arith.andi %ne3A_361, %ne3A_353 : vector<1x40xi1>
    %add3A_363 = vector.broadcast %select_n3A_348 : i32 to vector<1x40xi32>
    %add3A_364 = arith.addi %rem3A_350, %add3A_363 : vector<1x40xi32>
    %select_n3A_365 = arith.select %and3A_362, %add3A_364, %rem3A_350 : vector<1x40xi1>, vector<1x40xi32>
    %eq3A_366 = arith.constant 0 : i32
    %eq3A_367 = vector.broadcast %eq3A_366 : i32 to vector<1x40xi32>
    %eq3A_368 = arith.cmpi eq, %select_n3A_365, %eq3A_367 : vector<1x40xi32>
    %jit3A_369 = arith.constant 3.000000e+01 : f32
    %jit3A_370 = arith.constant 6.000000e+01 : f32
    %broadcast_in_dim3A_371 = vector.broadcast %jit3A_369 : f32 to vector<1x40xf32>
    %broadcast_in_dim3A_372 = vector.broadcast %jit3A_370 : f32 to vector<1x40xf32>
    %select_n3A_373 = arith.select %eq3A_368, %broadcast_in_dim3A_371, %broadcast_in_dim3A_372 : vector<1x40xi1>, vector<1x40xf32>
    %mul3A_374 = vector.broadcast %select_n3A_373 : vector<1x40xf32> to vector<32x40xf32>
    %mul3A_375 = arith.mulf %dot_general3A_285, %mul3A_374 : vector<32x40xf32>
    %add3A_376 = vector.broadcast %select_n3A_343 : vector<1x40xf32> to vector<32x40xf32>
    %add3A_377 = arith.addf %mul3A_375, %add3A_376 : vector<32x40xf32>
    %mul3A_378 = vector.broadcast %select_n3A_373 : vector<1x40xf32> to vector<32x40xf32>
    %mul3A_379 = arith.mulf %dot_general3A_312, %mul3A_378 : vector<32x40xf32>
    %add3A_380 = vector.broadcast %select_n3A_343 : vector<1x40xf32> to vector<32x40xf32>
    %add3A_381 = arith.addf %mul3A_379, %add3A_380 : vector<32x40xf32>
    %slice3A = vector.extract_strided_slice %add3A_377 {offsets = [0, 2], sizes = [32, 38], strides = [1, 1]} : vector<32x40xf32> to vector<32x38xf32>
    %slice3A_382 = vector.extract_strided_slice %add3A_377 {offsets = [0, 0], sizes = [32, 38], strides = [1, 1]} : vector<32x40xf32> to vector<32x38xf32>
    %sub3A_383 = arith.subf %slice3A, %slice3A_382 : vector<32x38xf32>
    %slice3A_384 = vector.extract_strided_slice %add3A_381 {offsets = [0, 2], sizes = [32, 38], strides = [1, 1]} : vector<32x40xf32> to vector<32x38xf32>
    %slice3A_385 = vector.extract_strided_slice %add3A_381 {offsets = [0, 0], sizes = [32, 38], strides = [1, 1]} : vector<32x40xf32> to vector<32x38xf32>
    %sub3A_386 = arith.subf %slice3A_384, %slice3A_385 : vector<32x38xf32>
    %mul3A_387 = arith.mulf %sub3A_383, %sub3A_386 : vector<32x38xf32>
    %mul3A_388 = arith.mulf %sub3A_383, %sub3A_383 : vector<32x38xf32>
    %mul3A_389 = arith.mulf %sub3A_386, %sub3A_386 : vector<32x38xf32>
    %slice3A_390 = vector.extract_strided_slice %mul3A_387 {offsets = [0, 0], sizes = [32, 37], strides = [1, 1]} : vector<32x38xf32> to vector<32x37xf32>
    %slice3A_391 = vector.extract_strided_slice %mul3A_387 {offsets = [0, 1], sizes = [32, 37], strides = [1, 1]} : vector<32x38xf32> to vector<32x37xf32>
    %add3A_392 = arith.addf %slice3A_390, %slice3A_391 : vector<32x37xf32>
    %slice3A_393 = vector.extract_strided_slice %mul3A_388 {offsets = [0, 0], sizes = [32, 37], strides = [1, 1]} : vector<32x38xf32> to vector<32x37xf32>
    %slice3A_394 = vector.extract_strided_slice %mul3A_388 {offsets = [0, 1], sizes = [32, 37], strides = [1, 1]} : vector<32x38xf32> to vector<32x37xf32>
    %add3A_395 = arith.addf %slice3A_393, %slice3A_394 : vector<32x37xf32>
    %slice3A_396 = vector.extract_strided_slice %mul3A_389 {offsets = [0, 0], sizes = [32, 37], strides = [1, 1]} : vector<32x38xf32> to vector<32x37xf32>
    %slice3A_397 = vector.extract_strided_slice %mul3A_389 {offsets = [0, 1], sizes = [32, 37], strides = [1, 1]} : vector<32x38xf32> to vector<32x37xf32>
    %add3A_398 = arith.addf %slice3A_396, %slice3A_397 : vector<32x37xf32>
    %sqrt3A = math.sqrt %add3A_395 : vector<32x37xf32>
    %sqrt3A_399 = math.sqrt %add3A_398 : vector<32x37xf32>
    %mul3A_400 = arith.mulf %sqrt3A, %sqrt3A_399 : vector<32x37xf32>
    %add3A_401 = arith.constant 9.99999996E-13 : f32
    %add3A_402 = vector.broadcast %add3A_401 : f32 to vector<32x37xf32>
    %add3A_403 = arith.addf %mul3A_400, %add3A_402 : vector<32x37xf32>
    %div3A_404 = arith.divf %add3A_392, %add3A_403 : vector<32x37xf32>
    %iota3A_405 = tpu.iota {dimensions = array<i32: 1>} : vector<32x37xi32>
    %jit3A_406 = arith.constant 2 : i32
    %eq3A_407 = arith.constant 0 : i32
    %eq3A_408 = arith.cmpi eq, %jit3A_406, %eq3A_407 : i32
    %jit3A_409 = arith.constant 1 : i32
    %select_n3A_410 = arith.select %eq3A_408, %jit3A_409, %jit3A_406 : i32
    %rem3A_411 = vector.broadcast %select_n3A_410 : i32 to vector<32x37xi32>
    %rem3A_412 = arith.remsi %iota3A_405, %rem3A_411 : vector<32x37xi32>
    %ne3A_413 = arith.constant 0 : i32
    %ne3A_414 = vector.broadcast %ne3A_413 : i32 to vector<32x37xi32>
    %ne3A_415 = arith.cmpi ne, %rem3A_412, %ne3A_414 : vector<32x37xi32>
    %lt3A_416 = arith.constant 0 : i32
    %lt3A_417 = vector.broadcast %lt3A_416 : i32 to vector<32x37xi32>
    %lt3A_418 = arith.cmpi slt, %rem3A_412, %lt3A_417 : vector<32x37xi32>
    %lt3A_419 = arith.constant 0 : i32
    %lt3A_420 = arith.cmpi slt, %select_n3A_410, %lt3A_419 : i32
    %ne3A_421 = vector.broadcast %lt3A_420 : i1 to vector<32x37xi1>
    %ne3A_422 = vector.broadcast %ne3A_421 : vector<32x37xi1> to vector<32x37xi1>
    %ne3A_423 = arith.xori %lt3A_418, %ne3A_422 : vector<32x37xi1>
    %and3A_424 = arith.andi %ne3A_423, %ne3A_415 : vector<32x37xi1>
    %add3A_425 = vector.broadcast %select_n3A_410 : i32 to vector<32x37xi32>
    %add3A_426 = arith.addi %rem3A_412, %add3A_425 : vector<32x37xi32>
    %select_n3A_427 = arith.select %and3A_424, %add3A_426, %rem3A_412 : vector<32x37xi1>, vector<32x37xi32>
    %eq3A_428 = arith.constant 0 : i32
    %eq3A_429 = vector.broadcast %eq3A_428 : i32 to vector<32x37xi32>
    %eq3A_430 = arith.cmpi eq, %select_n3A_427, %eq3A_429 : vector<32x37xi32>
    %dot_general3A_431 = arith.constant dense<0.000000e+00> : vector<32x1xf32>
    %dot_general3A_432 = tpu.matmul %select_n3A_218, %sub3A_236, %dot_general3A_431 {dimension_numbers = #tpu.dot_dimension_numbers<[1], [1], [0], [0], [0, 0, 1, 0], [], []>, transpose_lhs_hint = false} : vector<32x32xf32>, vector<1x32xf32>, vector<32x1xf32> -> vector<32x1xf32>
    %sub3A_433 = arith.constant 1.000000e+00 : f32
    %sub3A_434 = vector.broadcast %sub3A_433 : f32 to vector<32x37xf32>
    %sub3A_435 = arith.subf %sub3A_434, %div3A_404 : vector<32x37xf32>
    %mul3A_436 = vector.broadcast %dot_general3A_432 : vector<32x1xf32> to vector<32x37xf32>
    %mul3A_437 = arith.mulf %sub3A_435, %mul3A_436 : vector<32x37xf32>
    %jit3A_438 = arith.constant 0.000000e+00 : f32
    %broadcast_in_dim3A_439 = vector.broadcast %jit3A_438 : f32 to vector<32x37xf32>
    %select_n3A_440 = arith.select %eq3A_430, %mul3A_437, %broadcast_in_dim3A_439 : vector<32x37xi1>, vector<32x37xf32>
    %reduce_sum3A_441 = vector.shape_cast %select_n3A_440 : vector<32x37xf32> to vector<1x32x37xf32>
    %reduce_sum3A_442 = arith.constant dense<0.000000e+00> : vector<1xf32>
    %reduce_sum3A_443 = vector.multi_reduction <add>, %reduce_sum3A_441, %reduce_sum3A_442 [1, 2] : vector<1x32x37xf32> to vector<1xf32>
    %reduce_sum3A_444 = vector.shape_cast %reduce_sum3A_443 : vector<1xf32> to vector<1x1x1xf32>
    %reduce_sum3A_445 = vector.extract %reduce_sum3A_444[0, 0, 0] : f32 from vector<1x1x1xf32>
    %mul3A_446 = arith.constant 5.000000e-03 : f32
    %mul3A_447 = arith.mulf %mul3A_446, %reduce_sum3A_445 : f32
    %iota3A_448 = tpu.iota {dimensions = array<i32: 1>} : vector<1x128xi32>
    %eq3A_449 = arith.constant 0 : i32
    %eq3A_450 = vector.broadcast %eq3A_449 : i32 to vector<1x128xi32>
    %eq3A_451 = arith.cmpi eq, %iota3A_448, %eq3A_450 : vector<1x128xi32>
    %jit3A_452 = arith.constant 0.000000e+00 : f32
    %broadcast_in_dim3A_453 = vector.broadcast %reduce_sum3A_266 : f32 to vector<1x128xf32>
    %broadcast_in_dim3A_454 = vector.broadcast %jit3A_452 : f32 to vector<1x128xf32>
    %select_n3A_455 = arith.select %eq3A_451, %broadcast_in_dim3A_453, %broadcast_in_dim3A_454 : vector<1x128xi1>, vector<1x128xf32>
    %eq3A_456 = arith.constant 1 : i32
    %eq3A_457 = vector.broadcast %eq3A_456 : i32 to vector<1x128xi32>
    %eq3A_458 = arith.cmpi eq, %iota3A_448, %eq3A_457 : vector<1x128xi32>
    %jit3A_459 = arith.constant 0.000000e+00 : f32
    %broadcast_in_dim3A_460 = vector.broadcast %mul3A_275 : f32 to vector<1x128xf32>
    %broadcast_in_dim3A_461 = vector.broadcast %jit3A_459 : f32 to vector<1x128xf32>
    %select_n3A_462 = arith.select %eq3A_458, %broadcast_in_dim3A_460, %broadcast_in_dim3A_461 : vector<1x128xi1>, vector<1x128xf32>
    %add3A_463 = arith.addf %select_n3A_455, %select_n3A_462 : vector<1x128xf32>
    %eq3A_464 = arith.constant 2 : i32
    %eq3A_465 = vector.broadcast %eq3A_464 : i32 to vector<1x128xi32>
    %eq3A_466 = arith.cmpi eq, %iota3A_448, %eq3A_465 : vector<1x128xi32>
    %jit3A_467 = arith.constant 0.000000e+00 : f32
    %broadcast_in_dim3A_468 = vector.broadcast %mul3A_283 : f32 to vector<1x128xf32>
    %broadcast_in_dim3A_469 = vector.broadcast %jit3A_467 : f32 to vector<1x128xf32>
    %select_n3A_470 = arith.select %eq3A_466, %broadcast_in_dim3A_468, %broadcast_in_dim3A_469 : vector<1x128xi1>, vector<1x128xf32>
    %add3A_471 = arith.addf %add3A_463, %select_n3A_470 : vector<1x128xf32>
    %eq3A_472 = arith.constant 3 : i32
    %eq3A_473 = vector.broadcast %eq3A_472 : i32 to vector<1x128xi32>
    %eq3A_474 = arith.cmpi eq, %iota3A_448, %eq3A_473 : vector<1x128xi32>
    %jit3A_475 = arith.constant 0.000000e+00 : f32
    %broadcast_in_dim3A_476 = vector.broadcast %mul3A_447 : f32 to vector<1x128xf32>
    %broadcast_in_dim3A_477 = vector.broadcast %jit3A_475 : f32 to vector<1x128xf32>
    %select_n3A_478 = arith.select %eq3A_474, %broadcast_in_dim3A_476, %broadcast_in_dim3A_477 : vector<1x128xi1>, vector<1x128xf32>
    %add3A_479 = arith.addf %add3A_471, %select_n3A_478 : vector<1x128xf32>
    %swap3A_480 = arith.constant 0 : index
    %swap3A_481 = arith.constant 0 : index
    %swap3A_482 = arith.constant 0 : index
    %swap3A_483 = vector.load %arg6[%swap3A_480, %swap3A_481, %swap3A_482] : memref<1x1x128xf32, #tpu.memory_space<vmem>>, vector<1x1x128xf32>
    %swap3A_484 = vector.shape_cast %swap3A_483 : vector<1x1x128xf32> to vector<1x128xf32>
    %swap3A_485 = vector.shape_cast %add3A_479 : vector<1x128xf32> to vector<1x1x128xf32>
    tpu.vector_store %arg6[%swap3A_480, %swap3A_481, %swap3A_482], %swap3A_485 {strides = array<i32>} : memref<1x1x128xf32, #tpu.memory_space<vmem>>, vector<1x1x128xf32>,
    return
  }
  func.func @transform_0(%arg0: i32) -> (i32, i32, i32) {
    %c0_i32 = arith.constant 0 : i32
    %c0_i32_0 = arith.constant 0 : i32
    %c0_i32_1 = arith.constant 0 : i32
    return %arg0, %c0_i32, %c0_i32_0 : i32, i32, i32
  }
  func.func @transform_1(%arg0: i32) -> (i32, i32, i32) {
    %c0_i32 = arith.constant 0 : i32
    %c0_i32_0 = arith.constant 0 : i32
    %c0_i32_1 = arith.constant 0 : i32
    return %arg0, %c0_i32, %c0_i32_0 : i32, i32, i32
  }
  func.func @transform_2(%arg0: i32) -> (i32, i32, i32) {
    %c0_i32 = arith.constant 0 : i32
    %c0_i32_0 = arith.constant 0 : i32
    %c0_i32_1 = arith.constant 0 : i32
    return %arg0, %c0_i32, %c0_i32_0 : i32, i32, i32
  }
  func.func @transform_3(%arg0: i32) -> (i32, i32, i32) {
    %c0_i32 = arith.constant 0 : i32
    %c0_i32_0 = arith.constant 0 : i32
    %c0_i32_1 = arith.constant 0 : i32
    return %arg0, %c0_i32, %c0_i32_0 : i32, i32, i32
  }
  func.func @transform_4(%arg0: i32) -> (i32, i32, i32) {
    %c0_i32 = arith.constant 0 : i32
    %c0_i32_0 = arith.constant 0 : i32
    %c0_i32_1 = arith.constant 0 : i32
    return %arg0, %c0_i32, %c0_i32_0 : i32, i32, i32
  }
  func.func @transform_5(%arg0: i32) -> (i32, i32, i32) {
    %c0_i32 = arith.constant 0 : i32
    %c0_i32_0 = arith.constant 0 : i32
    %c0_i32_1 = arith.constant 0 : i32
    return %arg0, %c0_i32, %c0_i32_0 : i32, i32, i32
  }
}

</mosaic_0001>

<sc_bundles>
// kernel: kernel.4.cloned.1.call-start
scs
__scs_entry_jumppad:
0x0: {  	(pc) =	sbr.rel $0x88, $3  }
0x1: {  	(tag) =	ssettag $0x0;
	lr =	simm.s32 $0x1  }
0x2: {  	[smem:$0x3F9D] =	sst lr;
	_ =	strace $0xD0000000  }
0x3: {  	_ = 	snop  }
0x4: {  	_ = 	snop  }
0x5: {  	_ = 	snop  }
0x6: {  	_ = 	snop  }
0x7: {  	_ = 	snop  }
__scs_overlays_trampoline_lowered:
0x8: {  	[smem:$0x3FAC] =	sst s0  }
0x9: {  	[smem:$0x3FAD] =	sst s1  }
0xa: {  	[smem:$0x3FAE] =	sst s2  }
0xb: {  	[smem:$0x3FAF] =	sst s3  }
0xc: {  	[smem:$0x3FB0] =	sst s4  }
0xd: {  	[smem:$0x3FB1] =	sst s5  }
0xe: {  	[smem:$0x3FB2] =	sst s6  }
0xf: {  	[smem:$0x3FB3] =	sst s7  }
0x10: {  	[smem:$0x3FB4] =	sst s8  }
0x11: {  	[smem:$0x3FB5] =	sst s9;
	s0 =	simm.s32 @!p0 $0x0  }
0x12: {  	s1 =	sld [smem:$0x3F9B];
	s0 =	simm.s32 @p0 $0x1  }
0x13: {  	[smem:$0x3FB6] =	sst s0;
	s0 =	simm.s32 @!p1 $0x0  }
0x14: {  	s2 =	sld [smem:$0x3F9A];
	s0 =	simm.s32 @p1 $0x1  }
0x15: {  	[smem:$0x3FB7] =	sst s0;
	s0 =	simm.s32 @!p2 $0x0  }
0x16: {  	s3 =	sld [smem:$0x3FDB];
	s0 =	simm.s32 @p2 $0x1  }
0x17: {  	s4 =	simm.s32 $0x1BF5;
	[smem:$0x3FB9] =	sst s0  }
0x18: {  	s0 =	sld [smem:$0x3F9C];
	_ =	swait.ge [sflag:s4], $0x0  }
0x19: {  	s7 =	sld [smem:$0x3F9D]  }
0x1a: {  	s8 =	sadd.s32 $0xFFFFE003, lr  }
0x1b: {  	s9 =	sadd.s32 $0xFFFFFEF7, lr;
	s5 =	simm.s32 $0xFFFFFFFF;
	p2 =	slt.u32 s8, $0xFFFFF086  }
0x1c: {  	p1 =	slt.u32 s9, $0xF7A;
	s5 =	simm.s32 @!p2 $0x0  }
0x1d: {  	s5 =	simm.s32 @p1 $0x1;
	p0 =	seq.s32 s7, s2  }
0x1e: {  	s7 =	smul.u32 @!p0 $0xF7A, s2;
	p2 =	seq.s32 @!p0 s5, $0x0  }
0x1f: {  	s9 =	smul.u32 $0xF7A, s1;
	s8 =	simm.s32 @!p0 $0x1BF5;
	p2 =	por !p2, p0  }
0x20: {  	[sflag:s8] =	ssyncset.s32 @!p0 $0xFFFFF086;
	s6 =	sadd.s32 @!p0 s3, s7;
	s7 =	simm.s32 @!p0 $0x108  }
0x21: {  	s3 =	sadd.s32 s3, s9;
	s6 =	sadd.s32 @!p0 $0x88, s6;
	s7 =	simm.s32 @p2 $0x1082  }
0x22: {  	[simem:s7], [sflag:s8] =	dma.local @!p0 [hbm:s6], $0xF7A  }
0x23: {  	s9 =	sor.u32 $0xD0000000, s2;
	s6 =	simm.s32 $0x108;
	_ =	swait.ge @!p0 [sflag:s8], $0x0  }
0x24: {  	s3 =	sadd.s32 $0x88, s3;
	s6 =	simm.s32 @!p1 $0x1082;
	[sflag:s4] =	ssyncset.s32 $0xFFFFF086  }
0x25: {  	[simem:s6], [sflag:s4] =	dma.local [hbm:s3], $0xF7A  }
0x26: {  	[smem:$0x3F9D] =	sst s1;
	(tag) =	ssettag s2;
	_ =	strace s9  }
0x27: {  	s1 =	sld [smem:$0x3FAD]  }
0x28: {  	s2 =	sld [smem:$0x3FAE]  }
0x29: {  	s4 =	sld [smem:$0x3FB0]  }
0x2a: {  	p0 =	seq.s32 s5, $0x0;
	s5 =	sld [smem:$0x3FB1]  }
0x2b: {  	s6 =	sld [smem:$0x3FB2]  }
0x2c: {  	s7 =	sld [smem:$0x3FB3]  }
0x2d: {  	s3 =	simm.s32 $0x108;
	s8 =	sld [smem:$0x3FB4]  }
0x2e: {  	s3 =	simm.s32 @!p0 $0x1082;
	s9 =	sld [smem:$0x3FB5]  }
0x2f: {  	lr =	sadd.s32 s0, s3;
	s0 =	sld [smem:$0x3FAC]  }
0x30: {  	s3 =	sld [smem:$0x3FAF]  }
0x31: {  	[smem:$0x3FB8] =	sst s10  }
0x32: {  	s10 =	sld [smem:$0x3FB6];
	_ =	sdelay $0x3  }
0x33: {  	p0 =	seq.s32 s10, $0x1;
	s10 =	sld [smem:$0x3FB8];
	_ =	sdelay $0x3  }
0x34: {  	[smem:$0x3FB8] =	sst s10  }
0x35: {  	s10 =	sld [smem:$0x3FB7];
	_ =	sdelay $0x3  }
0x36: {  	p1 =	seq.s32 s10, $0x1;
	s10 =	sld [smem:$0x3FB8];
	_ =	sdelay $0x3  }
0x37: {  	[smem:$0x3FB8] =	sst s10  }
0x38: {  	s10 =	sld [smem:$0x3FB9]  }
0x39: {  	_ = 	snop;
	(pc) =	sbr.ind lr, $3  }
0x3a: {  	_ = 	snop  }
0x3b: {  	_ = 	snop  }
0x3c: {  	p2 =	seq.s32 s10, $0x1;
	s10 =	sld [smem:$0x3FB8]  }
0x3d: {  	_ =	shalt  }
0x3e: {  	_ =	shalt  }
0x3f: {  	_ =	shalt  }
0x40: {  	_ =	shalt  }
0x41: {  	_ =	shalt  }
0x42: {  	_ =	shalt  }
0x43: {  	_ =	shalt  }
0x44: {  	_ =	shalt  }
0x45: {  	_ =	shalt  }
0x46: {  	_ =	shalt  }
0x47: {  	_ =	shalt  }
0x48: {  	_ =	shalt  }
0x49: {  	_ =	shalt  }
0x4a: {  	_ =	shalt  }
0x4b: {  	_ =	shalt  }
0x4c: {  	_ =	shalt  }
0x4d: {  	_ =	shalt  }
0x4e: {  	_ =	shalt  }
0x4f: {  	_ =	shalt  }
0x50: {  	_ =	shalt  }
0x51: {  	_ =	shalt  }
0x52: {  	_ =	shalt  }
0x53: {  	_ =	shalt  }
0x54: {  	_ =	shalt  }
0x55: {  	_ =	shalt  }
0x56: {  	_ =	shalt  }
0x57: {  	_ =	shalt  }
0x58: {  	_ =	shalt  }
0x59: {  	_ =	shalt  }
0x5a: {  	_ =	shalt  }
0x5b: {  	_ =	shalt  }
0x5c: {  	_ =	shalt  }
0x5d: {  	_ =	shalt  }
0x5e: {  	_ =	shalt  }
0x5f: {  	_ =	shalt  }
0x60: {  	_ =	shalt  }
0x61: {  	_ =	shalt  }
0x62: {  	_ =	shalt  }
0x63: {  	_ =	shalt  }
0x64: {  	_ =	shalt  }
0x65: {  	_ =	shalt  }
0x66: {  	_ =	shalt  }
0x67: {  	_ =	shalt  }
0x68: {  	_ =	shalt  }
0x69: {  	_ =	shalt  }
0x6a: {  	_ =	shalt  }
0x6b: {  	_ =	shalt  }
0x6c: {  	_ =	shalt  }
0x6d: {  	_ =	shalt  }
0x6e: {  	_ =	shalt  }
0x6f: {  	_ =	shalt  }
0x70: {  	_ =	shalt  }
0x71: {  	_ =	shalt  }
0x72: {  	_ =	shalt  }
0x73: {  	_ =	shalt  }
0x74: {  	_ =	shalt  }
0x75: {  	_ =	shalt  }
0x76: {  	_ =	shalt  }
0x77: {  	_ =	shalt  }
0x78: {  	_ =	shalt  }
0x79: {  	_ =	shalt  }
0x7a: {  	_ =	shalt  }
0x7b: {  	_ =	shalt  }
0x7c: {  	_ =	shalt  }
0x7d: {  	_ =	shalt  }
0x7e: {  	_ =	shalt  }
0x7f: {  	_ =	shalt  }
0x80: {  	_ =	shalt  }
0x81: {  	_ =	shalt  }
0x82: {  	_ =	shalt  }
0x83: {  	_ =	shalt  }
0x84: {  	_ =	shalt  }
0x85: {  	_ =	shalt  }
0x86: {  	_ =	shalt  }
0x87: {  	_ =	shalt  }
.Lfunc_end0:
.L_simem_size_0:
called_computation_lowered:
.L_overlay_start_0:
0x88: {  	s2 =	sld [smem:$0x3FD9]  }
0x89: {  	s3 =	sld [smem:$0x3FFE];
	_ =	sdelay $0x1  }
0x8a: {  	s1 =	srdreg.scid  }
0x8b: {  	s0 =	sand.u32 $0x1, s1  }
0x8c: {  	s16 =	sshll.u32 s0, $0xA;
	s2 =	sadd.s32 s3, s2  }
0x8d: {  	s2 =	sadd.s32 s2, s16  }
0x8e: {  	[smem:$0x3FC4] =	sst s2  }
0x8f: {  	_ = 	snop  }
0x90: {  	(tm) =	ssettm $0x1  }
0x91: {  	s17 =	sld [smem:$0x3FFB];
	_ =	sdelay $0x3  }
0x92: {  	_ =	strace s17  }
0x93: {  	s2 =	sld [smem:$0x3FFC];
	_ =	sdelay $0x3  }
0x94: {  	_ =	strace s2  }
0x95: {  	s2 =	sld [smem:$0x3FFD];
	_ =	sdelay $0x3  }
0x96: {  	_ =	strace s2  }
0x97: {  	_ =	strace $0x8FFFFFFF  }
0x98: {  	s18 =	sld [smem:$0x3FDB];
	_ =	sdelay $0x1  }
0x99: {  	s19 =	simm.s32 $_scs_section_size  }
0x9a: {  	s4 =	simm.s32 $_size__tile_overlayer_lowered;
	s5 =	simm.s32 $_tile_overlayer_lowered  }
0x9b: {  	s22 =	simm.s32 $0x1BFF;
	s21 =	sshll.u32 s5, $0x1;
	s2 =	sadd.s32 s19, s18  }
0x9c: {  	s6 =	simm.s32 $0x0;
	s20 =	sshll.u32 s4, $0x1;
	s4 =	sadd.s32 s21, s2  }
0x9d: {  	[timem:s6], [sflag:s22] =	dma.local [hbm:s4], s20  }
0x9e: {  	_ =	swait.ge [sflag:s22], s20  }
0x9f: {  	s3 =	ssub.s32 $0x0, s20;
	[sflag:s22] =	ssyncset.done $0x0  }
0xa0: {  	[sflag:s22] =	ssyncadd.s32 s3;
	_ =	sdelay $0x1  }
0xa1: {  	s23 =	simm.s32 $0x1B8B  }
0xa2: {  	_ =	swait.ge [sflag:s23], $0x1  }
0xa3: {  	[sflag:s23] =	ssyncset.done $0x0  }
0xa4: {  	s25 =	simm.s32 $0x1B8E;
	s24 =	sld [smem:$0x3FFE];
	[sflag:s23] =	ssyncadd.s32 $0xFFFFFFFF  }
0xa5: {  	s26 =	simm.s32 $execute0_lowered;
	[smem:$0x3FD2] =	sst s25  }
0xa6: {  	s4 =	sshll.u32 s26, $0x1;
	_ =	strace $0x80000046;
	[dreg:$0x1] =	wrdreg $0xFFFFFFFF  }
0xa7: {  	s28 =	simm.s32 $_size_execute0_lowered;
	s2 =	sadd.s32 s2, s4;
	[dreg:$0x0] =	wrdreg $0x0  }
0xa8: {  	s4 =	sshll.u32 s28, $0x1;
	[dreg:$0x2] =	wrdreg s2  }
0xa9: {  	[dreg:$0x3] =	wrdreg s4  }
0xaa: {  	[dreg:$0x4] =	wrdreg $0xC0  }
0xab: {  	_ =	task [dreg:s6], $0x5FFFF  }
0xac: {  	[dreg:$0x1] =	wrdreg $0xFFFFFFFF  }
0xad: {  	[dreg:$0x0] =	wrdreg $0x60  }
0xae: {  	[dreg:$0x2] =	wrdreg s24  }
0xaf: {  	[dreg:$0x3] =	wrdreg $0x9  }
0xb0: {  	_ =	task.clear_ibuf [dreg:s6], $0x4FFFF;
	_ =	strace $0x90000046  }
0xb1: {  	s29 =	simm.s32 $0x9;
	_ =	strace $0x80000048  }
0xb2: {  	_ =	swait.ge [sflag:s29], $0x1  }
0xb3: {  	[sflag:s29] =	ssyncadd.s32 $0xFFFFFFFF  }
0xb4: {  	_ =	strace $0x90000048  }
0xb5: {  	_ =	sfence  }
0xb6: {  	s30 =	sld [smem:$0x0];
	_ =	sdelay $0x2  }
0xb7: {  	s31 =	sshll.u32 s1, $0xD;
	s1 =	sshrl.u32 s1, $0x2  }
0xb8: {  	s3 =	sand.u32 $0x4000, s31;
	s1 =	sadd.s32 s1, s30  }
0xb9: {  	s0 =	sor.u32 s3, s0;
	s1 =	sshll.u32 s1, $0x11  }
0xba: {  	s0 =	sor.u32 s1, s0  }
0xbb: {  	s0 =	sadd.s32 $0x8F2B, s0  }
0xbc: {  	[sflag:s0] =	ssyncadd.remote.s32 $0x1  }
0xbd: {  	_ =	sfence.sel $0xFFFF  }
0xbe: {  	[dreg:$0x0] =	wrdreg $0xFFFFFFFF;
	(pc) =	sbr.abs _section_cstart, $3  }
0xbf: {  	[dreg:$0x1] =	wrdreg $0xFFFFFFFF  }
0xc0: {  	_ =	task.clear_ibuf [dreg:s6], $0x2FFFF;
	_ =	strace $0x9FFFFFFF  }
0xc1: {  	(tm) =	ssettm $0x7FFFFFFF  }
tec
execute0_lowered:
.L_overlay_start_1:
0x0: {  	(tag) =	ssettag $0x1  }
0x1: {  	s0 =	stileid.u32  }
0x2: {  	s1 =	srdreg.scid;
	s4 =	rddreg [dreg:$0x0];
	s10 =	simm.s32 $0x1  }
0x3: {  	s11 =	simm.s32 $0x2;
	s12 =	simm.s32 $0x6E00;
	s13 =	simm.s32 $0x3  }
0x4: {  	s14 =	simm.s32 $0x0;
	s2 =	sshll.u32 s0, $0x1;
	s3 =	sand.u32 $0x1, s1  }
0x5: {  	s1 =	rddreg [dreg:$0x1];
	s6 =	sshrl.u32 s0, $0x2;
	s28 =	sand.u32 $0x6, s2  }
0x6: {  	v0 =	vimm.f32 $5.167000290e-01;
	vm0 =	vcmask $0x300;
	s2 =	simm.s32 $0x0;
	s8 =	sshll.u32 s6, $0x7;
	s9 =	smul.u32 $0x50000, s6  }
0x7: {  	vm9 =	vcmask $0xB08;
	v0 =	vsel vm0, $0x3F088CE7, v0;
	s6 =	sshll.u32 s6, $0x4;
	s29 =	ssub.s32 $0x2, s3;
	s5 =	sor.u32 s3, s28  }
0x8: {  	vm10 =	vcmask $0x1310;
	v0 =	vsel vm9, $0x3F088CE7, v0;
	[smem:$0x7FF] =	sst s2;
	s6 =	sadd.s32 s6, s4;
	s7 =	smul.u32 $0x2800, s5  }
0x9: {  	vm11 =	vcmask $0x1B18;
	v0 =	vsel vm10, $0x3F088CE7, v0;
	s30 =	sshrl.u32 s29, $0x1;
	s5 =	smul.u32 $0xA000, s5;
	_ =	strace $0x80000047  }
.Ltmp0:
0xa: {  	vm12 =	vcmask $0x2320;
	v0 =	vsel vm11, $0x3F088CE7, v0;
	s31 =	ssub.s32 s29, s30;
	s7 =	sor.u32 s8, s7;
	(pc) =	sbr.rel .LBB2_1-.Ltmp0, $4  }
0xb: {  	vm13 =	vcmask $0x2B28;
	v1 =	vsel vm12, $0x3F088CE7, v0;
	s5 =	sadd.s32 s9, s5;
	s8 =	simm.s32 $0x200;
	s7 =	sshrl.u32 s7, $0x3  }
0xc: {  	vm14 =	vcmask $0x3330;
	vm15 =	vcmask $0x3B38;
	v1 =	vsel vm13, $0x3F088CE7, v1;
	s9 =	simm.s32 $0xA00;
	s5 =	sshrl.u32 s5, $0x3;
	s7 =	sadd.s32 s7, s4  }
0xd: {  	v4 =	vimm.s32 $0x0;
	v2 =	vsel vm14, $0x3F088CE7, v1;
	v1 =	vlaneseq.u32;
	s5 =	sadd.s32 s5, s4;
	s4 =	sadd.s32 $0xA00, s6;
	s6 =	smax.u32 s31, $0x1  }
0xe: {  	v0 =	vimm.f32 $0.0e+00;
	v2 =	vsel vm15, $0x3F088CE7, v2;
	v3 =	vadd.s32 $0x1, v1;
	s3 =	sadd.s32 $0x3C00, s7;
	s5 =	sadd.s32 $0x6400, s5;
	s7 =	simm.s32 $0x80  }
.LBB2_8:
0xf: {  	s14 =	sadd.s32 $0x1, s14  }
0x10: {  	p0 =	sne.s32 s14, s6  }
.Ltmp1:
0x11: {  	_ = 	snop;
	(pc) =	sbr.rel @!p0 .LBB2_9-.Ltmp1, $4  }
0x12: {  	[hbm4b:s5+s2] =	stream.linear.scatter [tilespmem:s12], [sflag:$0x3], $0xA000, $0x38;
	[tilespmem:$0x10E00] =	vst v63  }
0x13: {  	_ =	swait.ge [sflag:s13], $0xA000  }
0x14: {  	[sflag:s13] =	ssyncset.done $0x0  }
0x15: {  	[sflag:s13] =	ssyncadd.s32 $0xFFFF6000  }
.LBB2_1:
0x16: {  	[tilespmem:s2], [sflag:$0x1] =	stream.strided.gather [hbm4b:s3+s7], $0xA00, s8, s7, $0x38;
	[tilespmem:$0x10E00] =	vst v63  }
0x17: {  	s15 =	simm.s32 $0x0  }
0x18: {  	s15 =	smul.u32 $0x5000, s15  }
0x19: {  	[tilespmem:s9], [sflag:$0x2] =	stream.strided.gather [hbm4b:s4+s7], $0x6400, s8, s7, $0x38;
	[tilespmem:$0x10E00] =	vst v63  }
0x1a: {  	s16 =	sand.u32 $0x380, s2;
	s15 =	sshra.s32 s15, $0x2  }
0x1b: {  	s15 =	sor.u32 s16, s15  }
0x1c: {  	[tilespmem:s15+$0x7E70] =	vst v0  }
0x1d: {  	[tilespmem:s15+$0x6E00] =	vst v0  }
0x1e: {  	[tilespmem:s15+$0x6E10] =	vst v0  }
0x1f: {  	[tilespmem:s15+$0x6E20] =	vst v0  }
0x20: {  	[tilespmem:s15+$0x6E30] =	vst v0  }
0x21: {  	[tilespmem:s15+$0x6E40] =	vst v0  }
0x22: {  	[tilespmem:s15+$0x6E50] =	vst v0  }
0x23: {  	[tilespmem:s15+$0x6E60] =	vst v0  }
0x24: {  	[tilespmem:s15+$0x6E70] =	vst v0  }
0x25: {  	[tilespmem:s15+$0x7200] =	vst v0  }
0x26: {  	[tilespmem:s15+$0x7210] =	vst v0  }
0x27: {  	[tilespmem:s15+$0x7220] =	vst v0  }
0x28: {  	[tilespmem:s15+$0x7230] =	vst v0  }
0x29: {  	[tilespmem:s15+$0x7240] =	vst v0  }
0x2a: {  	[tilespmem:s15+$0x7250] =	vst v0  }
0x2b: {  	[tilespmem:s15+$0x7260] =	vst v0  }
0x2c: {  	[tilespmem:s15+$0x7270] =	vst v0  }
0x2d: {  	[tilespmem:s15+$0x7600] =	vst v0  }
0x2e: {  	[tilespmem:s15+$0x7610] =	vst v0  }
0x2f: {  	[tilespmem:s15+$0x7620] =	vst v0  }
0x30: {  	[tilespmem:s15+$0x7630] =	vst v0  }
0x31: {  	[tilespmem:s15+$0x7640] =	vst v0  }
0x32: {  	[tilespmem:s15+$0x7650] =	vst v0  }
0x33: {  	[tilespmem:s15+$0x7660] =	vst v0  }
0x34: {  	[tilespmem:s15+$0x7670] =	vst v0  }
0x35: {  	[tilespmem:s15+$0x7A00] =	vst v0  }
0x36: {  	[tilespmem:s15+$0x7A10] =	vst v0  }
0x37: {  	[tilespmem:s15+$0x7A20] =	vst v0  }
0x38: {  	[tilespmem:s15+$0x7A30] =	vst v0  }
0x39: {  	[tilespmem:s15+$0x7A40] =	vst v0  }
0x3a: {  	[tilespmem:s15+$0x7A50] =	vst v0  }
0x3b: {  	[tilespmem:s15+$0x7A60] =	vst v0  }
0x3c: {  	[tilespmem:s15+$0x7A70] =	vst v0  }
0x3d: {  	[tilespmem:s15+$0x7E00] =	vst v0  }
0x3e: {  	[tilespmem:s15+$0x7E10] =	vst v0  }
0x3f: {  	s18 =	simm.s32 $0x0;
	s17 =	simm.s32 $0x2;
	s16 =	simm.s32 $0x0;
	[tilespmem:s15+$0x7E20] =	vst v0  }
.LBB2_2:
0x40: {  	p0 =	sne.s32 s17, $0x3F;
	s18 =	smul.u32 $0x5000, s18;
	[tilespmem:s15+$0x7E30] =	vst v0  }
0x41: {  	s16 =	sadd.s32 $0x80, s16;
	[tilespmem:s15+$0x7E40] =	vst v0  }
0x42: {  	s19 =	sand.u32 $0x380, s16;
	s18 =	sshra.s32 s18, $0x2;
	[tilespmem:s15+$0x7E50] =	vst v0  }
0x43: {  	[tilespmem:s15+$0x7E60] =	vst v0;
	s15 =	sor.u32 s19, s18  }
0x44: {  	[tilespmem:s15+$0x7E70] =	vst v0  }
0x45: {  	[tilespmem:s15+$0x6E00] =	vst v0  }
0x46: {  	[tilespmem:s15+$0x6E10] =	vst v0  }
0x47: {  	[tilespmem:s15+$0x6E20] =	vst v0  }
0x48: {  	[tilespmem:s15+$0x6E30] =	vst v0  }
0x49: {  	[tilespmem:s15+$0x6E40] =	vst v0  }
0x4a: {  	[tilespmem:s15+$0x6E50] =	vst v0  }
0x4b: {  	[tilespmem:s15+$0x6E60] =	vst v0  }
0x4c: {  	[tilespmem:s15+$0x6E70] =	vst v0  }
0x4d: {  	[tilespmem:s15+$0x7200] =	vst v0  }
0x4e: {  	[tilespmem:s15+$0x7210] =	vst v0  }
0x4f: {  	[tilespmem:s15+$0x7220] =	vst v0  }
0x50: {  	[tilespmem:s15+$0x7230] =	vst v0  }
0x51: {  	[tilespmem:s15+$0x7240] =	vst v0  }
0x52: {  	[tilespmem:s15+$0x7250] =	vst v0  }
0x53: {  	[tilespmem:s15+$0x7260] =	vst v0  }
0x54: {  	[tilespmem:s15+$0x7270] =	vst v0  }
0x55: {  	[tilespmem:s15+$0x7600] =	vst v0  }
0x56: {  	[tilespmem:s15+$0x7610] =	vst v0  }
0x57: {  	[tilespmem:s15+$0x7620] =	vst v0  }
0x58: {  	[tilespmem:s15+$0x7630] =	vst v0  }
0x59: {  	[tilespmem:s15+$0x7640] =	vst v0  }
0x5a: {  	[tilespmem:s15+$0x7650] =	vst v0  }
0x5b: {  	[tilespmem:s15+$0x7660] =	vst v0  }
0x5c: {  	[tilespmem:s15+$0x7670] =	vst v0  }
0x5d: {  	[tilespmem:s15+$0x7A00] =	vst v0  }
0x5e: {  	[tilespmem:s15+$0x7A10] =	vst v0  }
0x5f: {  	[tilespmem:s15+$0x7A20] =	vst v0  }
0x60: {  	[tilespmem:s15+$0x7A30] =	vst v0  }
0x61: {  	[tilespmem:s15+$0x7A40] =	vst v0  }
0x62: {  	[tilespmem:s15+$0x7A50] =	vst v0  }
.Ltmp2:
0x63: {  	[tilespmem:s15+$0x7A60] =	vst v0;
	(pc) =	sbr.rel @p0 .LBB2_2-.Ltmp2, $4  }
0x64: {  	[tilespmem:s15+$0x7A70] =	vst v0  }
0x65: {  	[tilespmem:s15+$0x7E00] =	vst v0  }
0x66: {  	[tilespmem:s15+$0x7E10] =	vst v0  }
0x67: {  	s18 =	sshrl.u32 s17, $0x3;
	s17 =	sadd.s32 $0x1, s17;
	[tilespmem:s15+$0x7E20] =	vst v0  }
0x68: {  	s17 =	smul.u32 $0x5000, s18;
	[tilespmem:s15+$0x7E30] =	vst v0  }
0x69: {  	[tilespmem:s15+$0x7E40] =	vst v0;
	s16 =	sadd.s32 $0x80, s16  }
0x6a: {  	[tilespmem:s15+$0x7E50] =	vst v0;
	s16 =	sand.u32 $0x380, s16;
	s17 =	sshra.s32 s17, $0x2  }
0x6b: {  	[tilespmem:s15+$0x7E60] =	vst v0;
	s16 =	sor.u32 s16, s17  }
0x6c: {  	[tilespmem:s16+$0x7E70] =	vst v0  }
0x6d: {  	[tilespmem:s16+$0x6E00] =	vst v0  }
0x6e: {  	[tilespmem:s16+$0x6E10] =	vst v0  }
0x6f: {  	[tilespmem:s16+$0x6E20] =	vst v0  }
0x70: {  	[tilespmem:s16+$0x6E30] =	vst v0  }
0x71: {  	[tilespmem:s16+$0x6E40] =	vst v0  }
0x72: {  	[tilespmem:s16+$0x6E50] =	vst v0  }
0x73: {  	[tilespmem:s16+$0x6E60] =	vst v0  }
0x74: {  	[tilespmem:s16+$0x6E70] =	vst v0  }
0x75: {  	[tilespmem:s16+$0x7200] =	vst v0  }
0x76: {  	[tilespmem:s16+$0x7210] =	vst v0  }
0x77: {  	[tilespmem:s16+$0x7220] =	vst v0  }
0x78: {  	[tilespmem:s16+$0x7230] =	vst v0  }
0x79: {  	[tilespmem:s16+$0x7240] =	vst v0  }
0x7a: {  	[tilespmem:s16+$0x7250] =	vst v0  }
0x7b: {  	[tilespmem:s16+$0x7260] =	vst v0  }
0x7c: {  	[tilespmem:s16+$0x7270] =	vst v0  }
0x7d: {  	[tilespmem:s16+$0x7600] =	vst v0  }
0x7e: {  	[tilespmem:s16+$0x7610] =	vst v0  }
0x7f: {  	[tilespmem:s16+$0x7620] =	vst v0  }
0x80: {  	[tilespmem:s16+$0x7630] =	vst v0  }
0x81: {  	[tilespmem:s16+$0x7640] =	vst v0  }
0x82: {  	[tilespmem:s16+$0x7650] =	vst v0  }
0x83: {  	[tilespmem:s16+$0x7660] =	vst v0  }
0x84: {  	[tilespmem:s16+$0x7670] =	vst v0  }
0x85: {  	[tilespmem:s16+$0x7A00] =	vst v0  }
0x86: {  	[tilespmem:s16+$0x7A10] =	vst v0  }
0x87: {  	[tilespmem:s16+$0x7A20] =	vst v0  }
0x88: {  	[tilespmem:s16+$0x7A30] =	vst v0  }
0x89: {  	[tilespmem:s16+$0x7A40] =	vst v0  }
0x8a: {  	[tilespmem:s16+$0x7A50] =	vst v0  }
0x8b: {  	[tilespmem:s16+$0x7A60] =	vst v0  }
0x8c: {  	[tilespmem:s16+$0x7A70] =	vst v0  }
0x8d: {  	[tilespmem:s16+$0x7E00] =	vst v0  }
0x8e: {  	[tilespmem:s16+$0x7E10] =	vst v0  }
0x8f: {  	[tilespmem:s16+$0x7E20] =	vst v0  }
0x90: {  	[tilespmem:s16+$0x7E30] =	vst v0  }
0x91: {  	[tilespmem:s16+$0x7E40] =	vst v0  }
0x92: {  	[tilespmem:s16+$0x7E50] =	vst v0  }
0x93: {  	[tilespmem:s16+$0x7E60] =	vst v0  }
0x94: {  	_ =	swait.ge [sflag:s10], $0xA00  }
.Ltmp3:
0x95: {  	[sflag:s10] =	ssyncset.done $0x0;
	(pc) =	sbr.rel .LBB2_4-.Ltmp3, $4  }
0x96: {  	[sflag:s10] =	ssyncadd.s32 $0xFFFFF600  }
0x97: {  	_ =	swait.ge [sflag:s11], $0x6400  }
0x98: {  	[sflag:s11] =	ssyncset.done $0x0  }
0x99: {  	s15 =	simm.s32 $0x0;
	[sflag:s11] =	ssyncadd.s32 $0xFFFF9C00  }
.LBB2_7:
0x9a: {  	s15 =	sadd.s32 $0x1, s15  }
0x9b: {  	p0 =	sne.s32 s15, $0xC0  }
.Ltmp4:
0x9c: {  	_ = 	snop;
	(pc) =	sbr.rel @!p0 .LBB2_8-.Ltmp4, $1  }
0x9d: {  	_ =	sdelay $0x3  }
.LBB2_4:
0x9e: {  	s16 =	smul.u32 $0xAB, s15;
	_ =	sdelay $0x1  }
0x9f: {  	s16 =	sshrl.u32 s16, $0x9  }
0xa0: {  	s18 =	sand.u32 $0x7F, s16  }
0xa1: {  	s16 =	smul.u32 $0x3, s18;
	_ =	sdelay $0x1  }
0xa2: {  	s16 =	ssub.s32 s15, s16  }
0xa3: {  	s19 =	smul.u32 $0xA0, s18;
	s17 =	sand.u32 $0xFF, s16;
	s16 =	sshll.u32 s16, $0x2  }
0xa4: {  	s20 =	sshll.u32 s17, $0x4;
	s16 =	sand.u32 $0x8, s16  }
0xa5: {  	s19 =	sshrl.u32 s19, $0x2;
	s16 =	ssub.s32 s20, s16  }
0xa6: {  	s19 =	sadd.s32 s16, s19  }
0xa7: {  	v5 =	vld [tilespmem:s19+$0x0];
	_ =	sdelay $0x2  }
0xa8: {  	p0 =	seq.s32 s17, $0x2;
	s17 =	simm.s32 $0x8  }
0xa9: {  	s17 =	simm.s32 @!p0 $0x0  }
0xaa: {  	v6 =	vmov s17;
	vm0 =	vge.f32 v5, $5.000000000e-01;
	vm1 =	vlt.f32 v5, v2  }
0xab: {  	vm0 =	vmand vm0, vm1;
	vm1 =	vlt.u32 v6, v3  }
0xac: {  	vm0 =	vmand vm1, vm0  }
0xad: {  	v6 =	vmpcnt.ones.xlane vm0;
	_ =	sdelay $0x1  }
0xae: {  	(v2sf) =	vpush v6, $0x0;
	_ =	sdelay $0xe  }
0xaf: {  	s17 =	spop (v2sf)  }
0xb0: {  	p0 =	slt.s32 s17, $0x1  }
.Ltmp5:
0xb1: {  	_ = 	snop;
	(pc) =	sbr.rel @p0 .LBB2_7-.Ltmp5, $1  }
0xb2: {  	_ =	sdelay $0x3  }
0xb3: {  	s19 =	sshrl.u32 s18, $0x3  }
0xb4: {  	s19 =	smul.u32 $0x5000, s19  }
0xb5: {  	s31 =	sshll.u32 s18, $0x7  }
0xb6: {  	s18 =	sand.u32 $0x380, s31;
	s19 =	sshrl.u32 s19, $0x2  }
0xb7: {  	s18 =	sor.u32 s18, s19  }
0xb8: {  	s19 =	sadd.s32 $0x6E00, s18;
	s20 =	sadd.s32 $0x7200, s18  }
0xb9: {  	v6 =	vsel vm0, $0x1, v4;
	s21 =	sadd.s32 $0x7600, s18;
	s22 =	sadd.s32 $0x7A00, s18;
	s23 =	sadd.s32 $0x7E00, s18  }
.LBB2_6:
0xba: {  	vm0 =	vne.s32 v6, $0x0  }
0xbb: {  	v7 =	vmctz.xlane vm0;
	_ =	sdelay $0x1  }
0xbc: {  	(v2sf) =	vpush v7, $0x0  }
0xbd: {  	v8 =	vadd.s32 $0x10, v7  }
0xbe: {  	v8 =	vperm.xlane v5, v8;
	_ =	sdelay $0x1  }
0xbf: {  	(v2sf) =	vpush v8, $0x0;
	_ =	sdelay $0xa  }
0xc0: {  	s24 =	spop (v2sf)  }
0xc1: {  	s25 =	sadd.s32 s16, s24  }
0xc2: {  	s24 =	sand.u32 $0x1, s24;
	s25 =	smul.u32 $0xA00, s25  }
0xc3: {  	s26 =	simm.f32 $6.000000000e+01;
	p0 =	seq.s32 s24, $0x1  }
0xc4: {  	s26 =	simm.s32 @!p0 $0x41F00000;
	s28 =	spop (v2sf);
	s31 =	sshra.s32 s25, $0x2  }
0xc5: {  	s25 =	simm.f32 $-3.000000000e+01;
	s26 =	smul.f32 s26, s28;
	v9 =	vld [tilespmem:s31+$0xA00]  }
0xc6: {  	s25 =	simm.s32 @!p0 $0xC1700000  }
0xc7: {  	s25 =	sadd.f32 s26, s25;
	_ =	sdelay $0x1  }
0xc8: {  	v8 =	vmov s25  }
0xc9: {  	v10 =	vld [tilespmem:s18+$0x6E00];
	v9 =	vsub.f32 v9, v8  }
0xca: {  	s25 =	simm.f32 $3.333333510e-02  }
0xcb: {  	s25 =	simm.s32 @!p0 $0x3D888889;
	v9 =	vmax.f32 v9, $0.0e+00  }
0xcc: {  	v9 =	vmul.f32 s25, v9;
	_ =	sdelay $0x1  }
0xcd: {  	v9 =	vadd.f32 v9, v10;
	_ =	sdelay $0x1  }
0xce: {  	[tilespmem:s18+$0x6E00] =	vst v9  }
0xcf: {  	v9 =	vld [tilespmem:s31+$0xA10];
	_ =	sdelay $0x4  }
0xd0: {  	v25 =	vld [tilespmem:s19+$0x10];
	v9 =	vsub.f32 v9, v8;
	_ =	sdelay $0x1  }
0xd1: {  	v9 =	vmax.f32 v9, $0.0e+00  }
0xd2: {  	v9 =	vmul.f32 s25, v9;
	_ =	sdelay $0x1  }
0xd3: {  	v9 =	vadd.f32 v9, v25;
	_ =	sdelay $0x1  }
0xd4: {  	[tilespmem:s19+$0x10] =	vst v9  }
0xd5: {  	v9 =	vld [tilespmem:s31+$0xA20];
	_ =	sdelay $0x4  }
0xd6: {  	v26 =	vld [tilespmem:s19+$0x20];
	v9 =	vsub.f32 v9, v8;
	_ =	sdelay $0x1  }
0xd7: {  	v9 =	vmax.f32 v9, $0.0e+00  }
0xd8: {  	v9 =	vmul.f32 s25, v9;
	_ =	sdelay $0x1  }
0xd9: {  	v9 =	vadd.f32 v9, v26;
	_ =	sdelay $0x1  }
0xda: {  	[tilespmem:s19+$0x20] =	vst v9  }
0xdb: {  	v9 =	vld [tilespmem:s31+$0xA30];
	_ =	sdelay $0x4  }
0xdc: {  	v27 =	vld [tilespmem:s19+$0x30];
	v9 =	vsub.f32 v9, v8;
	_ =	sdelay $0x1  }
0xdd: {  	v9 =	vmax.f32 v9, $0.0e+00  }
0xde: {  	v9 =	vmul.f32 s25, v9;
	_ =	sdelay $0x1  }
0xdf: {  	v9 =	vadd.f32 v9, v27;
	_ =	sdelay $0x1  }
0xe0: {  	[tilespmem:s19+$0x30] =	vst v9  }
0xe1: {  	v9 =	vld [tilespmem:s31+$0xA40];
	_ =	sdelay $0x4  }
0xe2: {  	v28 =	vld [tilespmem:s19+$0x40];
	v9 =	vsub.f32 v9, v8;
	_ =	sdelay $0x1  }
0xe3: {  	v9 =	vmax.f32 v9, $0.0e+00  }
0xe4: {  	v9 =	vmul.f32 s25, v9;
	_ =	sdelay $0x1  }
0xe5: {  	v9 =	vadd.f32 v9, v28;
	_ =	sdelay $0x1  }
0xe6: {  	[tilespmem:s19+$0x40] =	vst v9  }
0xe7: {  	v9 =	vld [tilespmem:s31+$0xA50];
	_ =	sdelay $0x4  }
0xe8: {  	v29 =	vld [tilespmem:s19+$0x50];
	v9 =	vsub.f32 v9, v8;
	_ =	sdelay $0x1  }
0xe9: {  	v9 =	vmax.f32 v9, $0.0e+00  }
0xea: {  	v9 =	vmul.f32 s25, v9;
	_ =	sdelay $0x1  }
0xeb: {  	v9 =	vadd.f32 v9, v29;
	_ =	sdelay $0x1  }
0xec: {  	[tilespmem:s19+$0x50] =	vst v9  }
0xed: {  	v9 =	vld [tilespmem:s31+$0xA60];
	_ =	sdelay $0x4  }
0xee: {  	v30 =	vld [tilespmem:s19+$0x60];
	v9 =	vsub.f32 v9, v8;
	_ =	sdelay $0x1  }
0xef: {  	v9 =	vmax.f32 v9, $0.0e+00  }
0xf0: {  	v9 =	vmul.f32 s25, v9;
	_ =	sdelay $0x1  }
0xf1: {  	v9 =	vadd.f32 v9, v30;
	_ =	sdelay $0x1  }
0xf2: {  	[tilespmem:s19+$0x60] =	vst v9  }
0xf3: {  	v9 =	vld [tilespmem:s31+$0xA70];
	_ =	sdelay $0x4  }
0xf4: {  	v31 =	vld [tilespmem:s19+$0x70];
	v9 =	vsub.f32 v9, v8;
	_ =	sdelay $0x1  }
0xf5: {  	v9 =	vmax.f32 v9, $0.0e+00  }
0xf6: {  	v9 =	vmul.f32 s25, v9;
	_ =	sdelay $0x1  }
0xf7: {  	v9 =	vadd.f32 v9, v31;
	_ =	sdelay $0x1  }
0xf8: {  	[tilespmem:s19+$0x70] =	vst v9  }
0xf9: {  	v9 =	vld [tilespmem:s31+$0xA80];
	_ =	sdelay $0x4  }
0xfa: {  	v32 =	vld [tilespmem:s18+$0x7200];
	v9 =	vsub.f32 v9, v8;
	_ =	sdelay $0x1  }
0xfb: {  	v9 =	vmax.f32 v9, $0.0e+00  }
0xfc: {  	v9 =	vmul.f32 s25, v9;
	_ =	sdelay $0x1  }
0xfd: {  	v9 =	vadd.f32 v9, v32;
	_ =	sdelay $0x1  }
0xfe: {  	[tilespmem:s18+$0x7200] =	vst v9  }
0xff: {  	v9 =	vld [tilespmem:s31+$0xA90];
	_ =	sdelay $0x4  }
0x100: {  	v33 =	vld [tilespmem:s20+$0x10];
	v9 =	vsub.f32 v9, v8;
	_ =	sdelay $0x1  }
0x101: {  	v9 =	vmax.f32 v9, $0.0e+00  }
0x102: {  	v9 =	vmul.f32 s25, v9;
	_ =	sdelay $0x1  }
0x103: {  	v9 =	vadd.f32 v9, v33;
	_ =	sdelay $0x1  }
0x104: {  	[tilespmem:s20+$0x10] =	vst v9  }
0x105: {  	v9 =	vld [tilespmem:s31+$0xAA0];
	_ =	sdelay $0x4  }
0x106: {  	v34 =	vld [tilespmem:s20+$0x20];
	v9 =	vsub.f32 v9, v8;
	_ =	sdelay $0x1  }
0x107: {  	v9 =	vmax.f32 v9, $0.0e+00  }
0x108: {  	v9 =	vmul.f32 s25, v9;
	_ =	sdelay $0x1  }
0x109: {  	v9 =	vadd.f32 v9, v34;
	_ =	sdelay $0x1  }
0x10a: {  	[tilespmem:s20+$0x20] =	vst v9  }
0x10b: {  	v9 =	vld [tilespmem:s31+$0xAB0];
	_ =	sdelay $0x4  }
0x10c: {  	v35 =	vld [tilespmem:s20+$0x30];
	v9 =	vsub.f32 v9, v8;
	_ =	sdelay $0x1  }
0x10d: {  	v9 =	vmax.f32 v9, $0.0e+00  }
0x10e: {  	v9 =	vmul.f32 s25, v9;
	_ =	sdelay $0x1  }
0x10f: {  	v9 =	vadd.f32 v9, v35;
	_ =	sdelay $0x1  }
0x110: {  	[tilespmem:s20+$0x30] =	vst v9  }
0x111: {  	v9 =	vld [tilespmem:s31+$0xAC0];
	_ =	sdelay $0x4  }
0x112: {  	v36 =	vld [tilespmem:s20+$0x40];
	v9 =	vsub.f32 v9, v8;
	_ =	sdelay $0x1  }
0x113: {  	v9 =	vmax.f32 v9, $0.0e+00  }
0x114: {  	v9 =	vmul.f32 s25, v9;
	_ =	sdelay $0x1  }
0x115: {  	v9 =	vadd.f32 v9, v36;
	_ =	sdelay $0x1  }
0x116: {  	[tilespmem:s20+$0x40] =	vst v9  }
0x117: {  	v9 =	vld [tilespmem:s31+$0xAD0];
	_ =	sdelay $0x4  }
0x118: {  	v37 =	vld [tilespmem:s20+$0x50];
	v9 =	vsub.f32 v9, v8;
	_ =	sdelay $0x1  }
0x119: {  	v9 =	vmax.f32 v9, $0.0e+00  }
0x11a: {  	v9 =	vmul.f32 s25, v9;
	_ =	sdelay $0x1  }
0x11b: {  	v9 =	vadd.f32 v9, v37;
	_ =	sdelay $0x1  }
0x11c: {  	[tilespmem:s20+$0x50] =	vst v9  }
0x11d: {  	v9 =	vld [tilespmem:s31+$0xAE0];
	_ =	sdelay $0x4  }
0x11e: {  	v38 =	vld [tilespmem:s20+$0x60];
	v9 =	vsub.f32 v9, v8;
	_ =	sdelay $0x1  }
0x11f: {  	v9 =	vmax.f32 v9, $0.0e+00  }
0x120: {  	v9 =	vmul.f32 s25, v9;
	_ =	sdelay $0x1  }
0x121: {  	v9 =	vadd.f32 v9, v38;
	_ =	sdelay $0x1  }
0x122: {  	[tilespmem:s20+$0x60] =	vst v9  }
0x123: {  	v9 =	vld [tilespmem:s31+$0xAF0];
	_ =	sdelay $0x4  }
0x124: {  	v39 =	vld [tilespmem:s20+$0x70];
	v9 =	vsub.f32 v9, v8;
	_ =	sdelay $0x1  }
0x125: {  	v9 =	vmax.f32 v9, $0.0e+00  }
0x126: {  	v9 =	vmul.f32 s25, v9;
	_ =	sdelay $0x1  }
0x127: {  	v9 =	vadd.f32 v9, v39;
	_ =	sdelay $0x1  }
0x128: {  	[tilespmem:s20+$0x70] =	vst v9  }
0x129: {  	v9 =	vld [tilespmem:s31+$0xB00];
	_ =	sdelay $0x4  }
0x12a: {  	v40 =	vld [tilespmem:s18+$0x7600];
	v9 =	vsub.f32 v9, v8;
	_ =	sdelay $0x1  }
0x12b: {  	v9 =	vmax.f32 v9, $0.0e+00  }
0x12c: {  	v9 =	vmul.f32 s25, v9;
	_ =	sdelay $0x1  }
0x12d: {  	v9 =	vadd.f32 v9, v40;
	_ =	sdelay $0x1  }
0x12e: {  	[tilespmem:s18+$0x7600] =	vst v9  }
0x12f: {  	v9 =	vld [tilespmem:s31+$0xB10];
	_ =	sdelay $0x4  }
0x130: {  	v41 =	vld [tilespmem:s21+$0x10];
	v9 =	vsub.f32 v9, v8;
	_ =	sdelay $0x1  }
0x131: {  	v9 =	vmax.f32 v9, $0.0e+00  }
0x132: {  	v9 =	vmul.f32 s25, v9;
	_ =	sdelay $0x1  }
0x133: {  	v9 =	vadd.f32 v9, v41;
	_ =	sdelay $0x1  }
0x134: {  	[tilespmem:s21+$0x10] =	vst v9  }
0x135: {  	v9 =	vld [tilespmem:s31+$0xB20];
	_ =	sdelay $0x4  }
0x136: {  	v42 =	vld [tilespmem:s21+$0x20];
	v9 =	vsub.f32 v9, v8;
	_ =	sdelay $0x1  }
0x137: {  	v9 =	vmax.f32 v9, $0.0e+00  }
0x138: {  	v9 =	vmul.f32 s25, v9;
	_ =	sdelay $0x1  }
0x139: {  	v9 =	vadd.f32 v9, v42;
	_ =	sdelay $0x1  }
0x13a: {  	[tilespmem:s21+$0x20] =	vst v9  }
0x13b: {  	v9 =	vld [tilespmem:s31+$0xB30];
	_ =	sdelay $0x4  }
0x13c: {  	v43 =	vld [tilespmem:s21+$0x30];
	v9 =	vsub.f32 v9, v8;
	_ =	sdelay $0x1  }
0x13d: {  	v9 =	vmax.f32 v9, $0.0e+00  }
0x13e: {  	v9 =	vmul.f32 s25, v9;
	_ =	sdelay $0x1  }
0x13f: {  	v9 =	vadd.f32 v9, v43;
	_ =	sdelay $0x1  }
0x140: {  	[tilespmem:s21+$0x30] =	vst v9  }
0x141: {  	v9 =	vld [tilespmem:s31+$0xB40];
	_ =	sdelay $0x4  }
0x142: {  	v44 =	vld [tilespmem:s21+$0x40];
	v9 =	vsub.f32 v9, v8;
	_ =	sdelay $0x1  }
0x143: {  	v9 =	vmax.f32 v9, $0.0e+00  }
0x144: {  	v9 =	vmul.f32 s25, v9;
	_ =	sdelay $0x1  }
0x145: {  	v9 =	vadd.f32 v9, v44;
	_ =	sdelay $0x1  }
0x146: {  	[tilespmem:s21+$0x40] =	vst v9  }
0x147: {  	v9 =	vld [tilespmem:s31+$0xB50];
	_ =	sdelay $0x4  }
0x148: {  	v45 =	vld [tilespmem:s21+$0x50];
	v9 =	vsub.f32 v9, v8;
	_ =	sdelay $0x1  }
0x149: {  	v9 =	vmax.f32 v9, $0.0e+00  }
0x14a: {  	v9 =	vmul.f32 s25, v9;
	_ =	sdelay $0x1  }
0x14b: {  	v9 =	vadd.f32 v9, v45;
	_ =	sdelay $0x1  }
0x14c: {  	[tilespmem:s21+$0x50] =	vst v9  }
0x14d: {  	v9 =	vld [tilespmem:s31+$0xB60];
	_ =	sdelay $0x4  }
0x14e: {  	v46 =	vld [tilespmem:s21+$0x60];
	v9 =	vsub.f32 v9, v8;
	_ =	sdelay $0x1  }
0x14f: {  	v9 =	vmax.f32 v9, $0.0e+00  }
0x150: {  	v9 =	vmul.f32 s25, v9;
	_ =	sdelay $0x1  }
0x151: {  	v9 =	vadd.f32 v9, v46;
	_ =	sdelay $0x1  }
0x152: {  	[tilespmem:s21+$0x60] =	vst v9  }
0x153: {  	v9 =	vld [tilespmem:s31+$0xB70];
	_ =	sdelay $0x4  }
0x154: {  	v47 =	vld [tilespmem:s21+$0x70];
	v9 =	vsub.f32 v9, v8;
	_ =	sdelay $0x1  }
0x155: {  	v9 =	vmax.f32 v9, $0.0e+00  }
0x156: {  	v9 =	vmul.f32 s25, v9;
	_ =	sdelay $0x1  }
0x157: {  	v9 =	vadd.f32 v9, v47;
	_ =	sdelay $0x1  }
0x158: {  	[tilespmem:s21+$0x70] =	vst v9  }
0x159: {  	v9 =	vld [tilespmem:s31+$0xB80];
	_ =	sdelay $0x4  }
0x15a: {  	v48 =	vld [tilespmem:s18+$0x7A00];
	v9 =	vsub.f32 v9, v8;
	_ =	sdelay $0x1  }
0x15b: {  	v9 =	vmax.f32 v9, $0.0e+00  }
0x15c: {  	v9 =	vmul.f32 s25, v9;
	_ =	sdelay $0x1  }
0x15d: {  	v9 =	vadd.f32 v9, v48;
	_ =	sdelay $0x1  }
0x15e: {  	[tilespmem:s18+$0x7A00] =	vst v9  }
0x15f: {  	v9 =	vld [tilespmem:s31+$0xB90];
	_ =	sdelay $0x4  }
0x160: {  	v49 =	vld [tilespmem:s22+$0x10];
	v9 =	vsub.f32 v9, v8;
	_ =	sdelay $0x1  }
0x161: {  	v9 =	vmax.f32 v9, $0.0e+00  }
0x162: {  	v9 =	vmul.f32 s25, v9;
	_ =	sdelay $0x1  }
0x163: {  	v9 =	vadd.f32 v9, v49;
	_ =	sdelay $0x1  }
0x164: {  	[tilespmem:s22+$0x10] =	vst v9  }
0x165: {  	v9 =	vld [tilespmem:s31+$0xBA0];
	_ =	sdelay $0x4  }
0x166: {  	v50 =	vld [tilespmem:s22+$0x20];
	v9 =	vsub.f32 v9, v8;
	_ =	sdelay $0x1  }
0x167: {  	v9 =	vmax.f32 v9, $0.0e+00  }
0x168: {  	v9 =	vmul.f32 s25, v9;
	_ =	sdelay $0x1  }
0x169: {  	v9 =	vadd.f32 v9, v50;
	_ =	sdelay $0x1  }
0x16a: {  	[tilespmem:s22+$0x20] =	vst v9  }
0x16b: {  	v9 =	vld [tilespmem:s31+$0xBB0];
	_ =	sdelay $0x4  }
0x16c: {  	v51 =	vld [tilespmem:s22+$0x30];
	v9 =	vsub.f32 v9, v8;
	_ =	sdelay $0x1  }
0x16d: {  	v9 =	vmax.f32 v9, $0.0e+00  }
0x16e: {  	v9 =	vmul.f32 s25, v9;
	_ =	sdelay $0x1  }
0x16f: {  	v9 =	vadd.f32 v9, v51;
	_ =	sdelay $0x1  }
0x170: {  	[tilespmem:s22+$0x30] =	vst v9  }
0x171: {  	v9 =	vld [tilespmem:s31+$0xBC0];
	_ =	sdelay $0x4  }
0x172: {  	v52 =	vld [tilespmem:s22+$0x40];
	v9 =	vsub.f32 v9, v8;
	_ =	sdelay $0x1  }
0x173: {  	v9 =	vmax.f32 v9, $0.0e+00  }
0x174: {  	v9 =	vmul.f32 s25, v9;
	_ =	sdelay $0x1  }
0x175: {  	v9 =	vadd.f32 v9, v52;
	_ =	sdelay $0x1  }
0x176: {  	[tilespmem:s22+$0x40] =	vst v9  }
0x177: {  	v9 =	vld [tilespmem:s31+$0xBD0];
	_ =	sdelay $0x4  }
0x178: {  	v53 =	vld [tilespmem:s22+$0x50];
	v9 =	vsub.f32 v9, v8;
	_ =	sdelay $0x1  }
0x179: {  	v9 =	vmax.f32 v9, $0.0e+00  }
0x17a: {  	v9 =	vmul.f32 s25, v9;
	_ =	sdelay $0x1  }
0x17b: {  	v9 =	vadd.f32 v9, v53;
	_ =	sdelay $0x1  }
0x17c: {  	[tilespmem:s22+$0x50] =	vst v9  }
0x17d: {  	v9 =	vld [tilespmem:s31+$0xBE0];
	_ =	sdelay $0x4  }
0x17e: {  	v54 =	vld [tilespmem:s22+$0x60];
	v9 =	vsub.f32 v9, v8;
	_ =	sdelay $0x1  }
0x17f: {  	v9 =	vmax.f32 v9, $0.0e+00  }
0x180: {  	v9 =	vmul.f32 s25, v9;
	_ =	sdelay $0x1  }
0x181: {  	v9 =	vadd.f32 v9, v54;
	_ =	sdelay $0x1  }
0x182: {  	[tilespmem:s22+$0x60] =	vst v9  }
0x183: {  	v9 =	vld [tilespmem:s31+$0xBF0];
	_ =	sdelay $0x4  }
0x184: {  	v55 =	vld [tilespmem:s22+$0x70];
	v9 =	vsub.f32 v9, v8;
	_ =	sdelay $0x1  }
0x185: {  	v9 =	vmax.f32 v9, $0.0e+00  }
0x186: {  	v9 =	vmul.f32 s25, v9;
	_ =	sdelay $0x1  }
0x187: {  	v9 =	vadd.f32 v9, v55;
	_ =	sdelay $0x1  }
0x188: {  	[tilespmem:s22+$0x70] =	vst v9  }
0x189: {  	v9 =	vld [tilespmem:s31+$0xC00];
	_ =	sdelay $0x4  }
0x18a: {  	v56 =	vld [tilespmem:s18+$0x7E00];
	v9 =	vsub.f32 v9, v8;
	_ =	sdelay $0x1  }
0x18b: {  	v9 =	vmax.f32 v9, $0.0e+00  }
0x18c: {  	v9 =	vmul.f32 s25, v9;
	_ =	sdelay $0x1  }
0x18d: {  	v9 =	vadd.f32 v9, v56;
	_ =	sdelay $0x1  }
0x18e: {  	[tilespmem:s18+$0x7E00] =	vst v9  }
0x18f: {  	v9 =	vld [tilespmem:s31+$0xC10];
	_ =	sdelay $0x4  }
0x190: {  	v57 =	vld [tilespmem:s23+$0x10];
	v9 =	vsub.f32 v9, v8;
	_ =	sdelay $0x1  }
0x191: {  	v9 =	vmax.f32 v9, $0.0e+00  }
0x192: {  	v9 =	vmul.f32 s25, v9;
	_ =	sdelay $0x1  }
0x193: {  	v9 =	vadd.f32 v9, v57;
	_ =	sdelay $0x1  }
0x194: {  	[tilespmem:s23+$0x10] =	vst v9  }
0x195: {  	v9 =	vld [tilespmem:s31+$0xC20];
	_ =	sdelay $0x4  }
0x196: {  	v58 =	vld [tilespmem:s23+$0x20];
	v9 =	vsub.f32 v9, v8;
	_ =	sdelay $0x1  }
0x197: {  	v9 =	vmax.f32 v9, $0.0e+00  }
0x198: {  	v9 =	vmul.f32 s25, v9;
	_ =	sdelay $0x1  }
0x199: {  	v9 =	vadd.f32 v9, v58;
	_ =	sdelay $0x1  }
0x19a: {  	[tilespmem:s23+$0x20] =	vst v9  }
0x19b: {  	v9 =	vld [tilespmem:s31+$0xC30];
	_ =	sdelay $0x4  }
0x19c: {  	v59 =	vld [tilespmem:s23+$0x30];
	v9 =	vsub.f32 v9, v8;
	_ =	sdelay $0x1  }
0x19d: {  	v9 =	vmax.f32 v9, $0.0e+00  }
0x19e: {  	v9 =	vmul.f32 s25, v9;
	_ =	sdelay $0x1  }
0x19f: {  	v9 =	vadd.f32 v9, v59;
	_ =	sdelay $0x1  }
0x1a0: {  	[tilespmem:s23+$0x30] =	vst v9  }
0x1a1: {  	v9 =	vld [tilespmem:s31+$0xC40];
	_ =	sdelay $0x4  }
0x1a2: {  	v60 =	vld [tilespmem:s23+$0x40];
	v9 =	vsub.f32 v9, v8;
	_ =	sdelay $0x1  }
0x1a3: {  	v9 =	vmax.f32 v9, $0.0e+00  }
0x1a4: {  	v9 =	vmul.f32 s25, v9;
	_ =	sdelay $0x1  }
0x1a5: {  	v9 =	vadd.f32 v9, v60;
	_ =	sdelay $0x1  }
0x1a6: {  	[tilespmem:s23+$0x40] =	vst v9  }
0x1a7: {  	v9 =	vld [tilespmem:s31+$0xC50];
	_ =	sdelay $0x4  }
0x1a8: {  	v61 =	vld [tilespmem:s23+$0x50];
	v9 =	vsub.f32 v9, v8;
	_ =	sdelay $0x1  }
0x1a9: {  	v9 =	vmax.f32 v9, $0.0e+00  }
0x1aa: {  	v9 =	vmul.f32 s25, v9;
	_ =	sdelay $0x1  }
0x1ab: {  	v9 =	vadd.f32 v9, v61;
	_ =	sdelay $0x1  }
0x1ac: {  	[tilespmem:s23+$0x50] =	vst v9  }
0x1ad: {  	v9 =	vld [tilespmem:s31+$0xC60];
	_ =	sdelay $0x4  }
0x1ae: {  	v62 =	vld [tilespmem:s23+$0x60];
	v9 =	vsub.f32 v9, v8;
	_ =	sdelay $0x1  }
0x1af: {  	v9 =	vmax.f32 v9, $0.0e+00  }
0x1b0: {  	v9 =	vmul.f32 s25, v9;
	_ =	sdelay $0x1  }
0x1b1: {  	v9 =	vadd.f32 v9, v62;
	_ =	sdelay $0x1  }
0x1b2: {  	[tilespmem:s23+$0x60] =	vst v9  }
0x1b3: {  	v9 =	vld [tilespmem:s31+$0xC70];
	_ =	sdelay $0x4  }
0x1b4: {  	v63 =	vld [tilespmem:s23+$0x70];
	v8 =	vsub.f32 v9, v8;
	_ =	sdelay $0x1  }
0x1b5: {  	p0 =	sne.s32 s17, $0x1;
	v8 =	vmax.f32 v8, $0.0e+00  }
.Ltmp6:
0x1b6: {  	v8 =	vmul.f32 s25, v8;
	(pc) =	sbr.rel @p0 .LBB2_6-.Ltmp6, $4  }
0x1b7: {  	v7 =	vbroadcast v7, $0x0  }
0x1b8: {  	v8 =	vadd.f32 v8, v63  }
0x1b9: {  	vm15 =	veq.s32 v7, v1  }
0x1ba: {  	v6 =	vsel vm15, $0x0, v6;
	s17 =	sadd.s32 $0xFFFFFFFF, s17;
	[tilespmem:s23+$0x70] =	vst v8  }
.Ltmp7:
0x1bb: {  	_ = 	snop;
	(pc) =	sbr.rel .LBB2_7-.Ltmp7, $1  }
0x1bc: {  	_ =	sdelay $0x3  }
.LBB2_9:
0x1bd: {  	_ =	sfence.sel $0x180000  }
0x1be: {  	[bflag:$0x0] =	sbarrier.arrive $0xFFFF  }
0x1bf: {  	p0 =	sne.s32 s0, $0x0;
	_ =	strace $0x90000047  }
0x1c0: {  	s0 =	sadd.s32 @!p0 $0x100000, s1;
	[bflag:$0x2] =	sbarrier.arrive $0xFFFF  }
0x1c1: {  	[sflag:s0] =	ssyncadd.tile.s32 @!p0 $0x1;
	_ =	shalt  }
.Lfunc_end2:
_tile_overlayer_lowered:
.L_overlay_start_2:
0x1c2: {  	(tag) =	ssettag $0x2  }
0x1c3: {  	s0 =	rddreg [dreg:$0x0];
	s2 =	stileid.u32  }
0x1c4: {  	s1 =	rddreg [dreg:$0x1];
	p0 =	sne.s32 s2, $0x0  }
0x1c5: {  	s3 =	rddreg [dreg:$0x2];
	[bflag:$0x3] =	sbarrier.arrive $0xFFFF;
	s2 =	simm.s32 @!p0 $0x1C03  }
0x1c6: {  	[timem:s3], [sflag:s2] =	dma.local @!p0 [hbm:s0], s1  }
0x1c7: {  	s0 =	simm.s32 @!p0 $0x3  }
0x1c8: {  	_ =	swait.ge @!p0 [sflag:s0], s1  }
0x1c9: {  	s1 =	ssub.s32 @!p0 $0x0, s1;
	[sflag:s0] =	ssyncset.done @!p0 $0x0  }
0x1ca: {  	[sflag:s0] =	ssyncadd.s32 @!p0 s1  }
0x1cb: {  	[bflag:$0x3] =	sbarrier.arrive $0xFFFF  }
0x1cc: {  	_ =	shalt  }

</sc_bundles>
